<compile_context>
chip_gen: v7x
topology: tpu7x:2x2x1
jax: 0.10.2.dev20260603
libtpu: 0.0.44.dev20260713+nightly
codegen_flags: <defaults>
</compile_context>

<pallas_src>
import functools

import jax
import jax.numpy as jnp
from jax import lax
from jax.experimental import pallas as pl
from jax.experimental.pallas import tpu as pltpu
from jax.experimental.pallas import tpu_sc as plsc

N_NODES = 10000
N_EDGES = 160000
C_IN = 128
C_OUT = 16
EDGE_DIM = 16

NC = 2
NS = 16
NW = NC * NS
EDGES_PER_WORKER = N_EDGES // NW
CHUNK = 125
NCHUNKS = EDGES_PER_WORKER // CHUNK
ROWS_PER_TILE = 640
N_PAD = NS * ROWS_PER_TILE



def _pre_body(nf_ref, w2a_ref, w2b_ref, b2_ref, ea_ref, w1_ref, b1_ref,
              rw_ref, b_ref, gba_ref, gbb_ref, bv_ref, h_ref, root_ref):
    nf = nf_ref[...]
    gba_ref[...] = jnp.dot(nf, w2a_ref[...], preferred_element_type=jnp.float32)
    gbb_ref[...] = jnp.dot(nf, w2b_ref[...], preferred_element_type=jnp.float32)
    bv_ref[...] = jnp.dot(nf, b2_ref[...], preferred_element_type=jnp.float32)
    h_ref[...] = jnp.maximum(
        jnp.dot(ea_ref[...], w1_ref[...],
                preferred_element_type=jnp.float32) + b1_ref[...], 0.0)
    root_ref[...] = jnp.dot(nf, rw_ref[...],
                            preferred_element_type=jnp.float32) + b_ref[...]


def _combine_body(root_ref, p0_ref, p1_ref, o_ref):
    o_ref[...] = root_ref[...] + p0_ref[...] + p1_ref[...]



_mesh = plsc.VectorSubcoreMesh(core_axis_name="c", subcore_axis_name="s")


@functools.partial(
    pl.kernel,
    mesh=_mesh,
    compiler_params=pltpu.CompilerParams(use_tc_tiling_on_sc=False),
    out_type=(jax.ShapeDtypeStruct((N_PAD, C_OUT), jnp.float32),
              jax.ShapeDtypeStruct((N_PAD, C_OUT), jnp.float32)),
    scratch_types=[
        pltpu.VMEM((NCHUNKS, CHUNK), jnp.int32),
        pltpu.VMEM((NCHUNKS, CHUNK), jnp.int32),
        pltpu.VMEM((CHUNK, 128), jnp.float32),
        pltpu.VMEM((CHUNK, 128), jnp.float32),
        pltpu.VMEM((CHUNK, 128), jnp.float32),
        pltpu.VMEM((CHUNK, 128), jnp.float32),
        pltpu.VMEM((CHUNK, C_OUT), jnp.float32),
        pltpu.VMEM((CHUNK, C_OUT), jnp.float32),
        pltpu.VMEM((CHUNK * C_OUT,), jnp.float32),
        pltpu.VMEM((CHUNK * C_OUT,), jnp.float32),
        pltpu.VMEM((CHUNK, C_OUT), jnp.float32),
        pltpu.VMEM((CHUNK, C_OUT), jnp.float32),
        pltpu.VMEM((ROWS_PER_TILE, C_OUT), jnp.float32),
        pltpu.VMEM_SHARED((N_PAD, C_OUT), jnp.float32),
        pltpu.SemaphoreType.DMA,
        pltpu.SemaphoreType.DMA,
        pltpu.SemaphoreType.DMA,
        pltpu.SemaphoreType.DMA,
    ],
)
def _sc_edge_kernel(gba_hbm, gbb_hbm, bv_hbm, h_hbm, src_hbm, dst_hbm,
                    out0_hbm, out1_hbm,
                    src_v, dst_v, rowsa0, rowsa1, rowsb0, rowsb1, bv0, bv1,
                    h0, h1, msg0, msg1, z_v, acc_sh,
                    semg0, semg1, sems0, sems1):
    c = lax.axis_index("c")
    s = lax.axis_index("s")
    wid = s * NC + c
    rowsa = (rowsa0, rowsa1)
    rowsb = (rowsb0, rowsb1)
    bv = (bv0, bv1)
    hb = (h0, h1)
    msg = (msg0, msg1)
    semg = (semg0, semg1)
    sems = (sems0, sems1)

    def _zero_row(i, carry):
        z_v[i, :] = jnp.zeros((C_OUT,), jnp.float32)
        return carry

    lax.fori_loop(0, ROWS_PER_TILE, _zero_row, 0)
    pltpu.sync_copy(z_v, acc_sh.at[pl.ds(s * ROWS_PER_TILE, ROWS_PER_TILE)])
    plsc.subcore_barrier()

    pltpu.sync_copy(src_hbm.at[wid], src_v)
    pltpu.sync_copy(dst_hbm.at[wid], dst_v)

    hbase = wid * EDGES_PER_WORKER * C_OUT

    def _issue(j, b):
        idx = src_v.at[j]
        pltpu.async_copy(gba_hbm.at[idx], rowsa[b], semg[b])
        pltpu.async_copy(gbb_hbm.at[idx], rowsb[b], semg[b])
        pltpu.async_copy(bv_hbm.at[idx], bv[b], semg[b])
        pltpu.async_copy(h_hbm.at[pl.ds(hbase + j * (CHUNK * C_OUT),
                                        CHUNK * C_OUT)], hb[b], semg[b])

    def _drain(j, b):
        idx = src_v.at[j]
        pltpu.make_async_copy(gba_hbm.at[idx], rowsa[b], semg[b]).wait()
        pltpu.make_async_copy(gbb_hbm.at[idx], rowsb[b], semg[b]).wait()
        pltpu.make_async_copy(bv_hbm.at[idx], bv[b], semg[b]).wait()
        pltpu.make_async_copy(h_hbm.at[pl.ds(hbase + j * (CHUNK * C_OUT),
                                             CHUNK * C_OUT)],
                              hb[b], semg[b]).wait()

    def _process(t, j, b):
        _drain(j, b)

        @pl.when(t > 0)
        def _():
            pltpu.make_async_copy(msg[b], acc_sh.at[dst_v.at[j]],
                                  sems[b]).wait()

        def _edge(e, ecarry):
            hv = hb[b][pl.ds(e * C_OUT, C_OUT)]
            terms = [bv[b][e, :]]
            for k in range(8):
                terms.append(hv[k] * rowsa[b][e, pl.ds(k * C_OUT, C_OUT)])
            for k in range(8):
                terms.append(
                    hv[k + 8] * rowsb[b][e, pl.ds(k * C_OUT, C_OUT)])
            while len(terms) > 1:
                nxt = [terms[i] + terms[i + 1]
                       for i in range(0, len(terms) - 1, 2)]
                if len(terms) % 2:
                    nxt.append(terms[-1])
                terms = nxt
            msg[b][e, :] = terms[0]
            return ecarry

        lax.fori_loop(0, CHUNK, _edge, 0, unroll=5)
        pltpu.async_copy(msg[b], acc_sh.at[dst_v.at[j]], sems[b], add=True)

    _issue(0, 0)

    def _super(t, carry):
        _issue(2 * t + 1, 1)
        _process(t, 2 * t, 0)

        @pl.when(t < NCHUNKS // 2 - 1)
        def _():
            _issue(2 * t + 2, 0)

        _process(t, 2 * t + 1, 1)
        return carry

    lax.fori_loop(0, NCHUNKS // 2, _super, 0)

    pltpu.make_async_copy(msg[0], acc_sh.at[dst_v.at[0]], sems[0]).wait()
    pltpu.make_async_copy(msg[1], acc_sh.at[dst_v.at[0]], sems[1]).wait()
    plsc.subcore_barrier()

    row0 = s * ROWS_PER_TILE

    @pl.when(c == 0)
    def _():
        pltpu.sync_copy(acc_sh.at[pl.ds(row0, ROWS_PER_TILE)],
                        out0_hbm.at[pl.ds(row0, ROWS_PER_TILE)])

    @pl.when(c == 1)
    def _():
        pltpu.sync_copy(acc_sh.at[pl.ds(row0, ROWS_PER_TILE)],
                        out1_hbm.at[pl.ds(row0, ROWS_PER_TILE)])



def kernel(node_feats, edge_attr, W1, b1, W2, b2, root_W, bias, edge_index):
    w2t = W2.reshape(EDGE_DIM, C_IN, C_OUT).transpose(1, 0, 2)
    W2a = w2t[:, :8, :].reshape(C_IN, 128)
    W2b = w2t[:, 8:, :].reshape(C_IN, 128)
    b2r = b2.reshape(C_IN, C_OUT)

    src = edge_index[0].reshape(NW, NCHUNKS, CHUNK)
    dst = edge_index[1].reshape(NW, NCHUNKS, CHUNK)

    ea_wide = edge_attr.reshape(N_EDGES // 8, 8 * EDGE_DIM)
    W1blk = jnp.kron(jnp.eye(8, dtype=W1.dtype), W1)
    b1w = jnp.tile(b1, 8).reshape(1, 8 * C_OUT)

    ng = 10
    bn = N_NODES // ng
    be = N_EDGES // ng
    gba, gbb, bvals, hw, root = pl.pallas_call(
        _pre_body,
        grid=(ng,),
        in_specs=[pl.BlockSpec((bn, C_IN), lambda i: (i, 0)),
                  pl.BlockSpec((C_IN, 128), lambda i: (0, 0)),
                  pl.BlockSpec((C_IN, 128), lambda i: (0, 0)),
                  pl.BlockSpec((C_IN, C_OUT), lambda i: (0, 0)),
                  pl.BlockSpec((be // 8, 128), lambda i: (i, 0)),
                  pl.BlockSpec((128, 128), lambda i: (0, 0)),
                  pl.BlockSpec((1, 128), lambda i: (0, 0)),
                  pl.BlockSpec((C_IN, C_OUT), lambda i: (0, 0)),
                  pl.BlockSpec((1, C_OUT), lambda i: (0, 0))],
        out_specs=[pl.BlockSpec((bn, 128), lambda i: (i, 0)),
                   pl.BlockSpec((bn, 128), lambda i: (i, 0)),
                   pl.BlockSpec((bn, C_OUT), lambda i: (i, 0)),
                   pl.BlockSpec((be // 8, 128), lambda i: (i, 0)),
                   pl.BlockSpec((bn, C_OUT), lambda i: (i, 0))],
        out_shape=[jax.ShapeDtypeStruct((N_NODES, 128), jnp.float32),
                   jax.ShapeDtypeStruct((N_NODES, 128), jnp.float32),
                   jax.ShapeDtypeStruct((N_NODES, C_OUT), jnp.float32),
                   jax.ShapeDtypeStruct((N_EDGES // 8, 128), jnp.float32),
                   jax.ShapeDtypeStruct((N_NODES, C_OUT), jnp.float32)],
    )(node_feats, W2a, W2b, b2r, ea_wide, W1blk, b1w, root_W,
      bias.reshape(1, C_OUT))

    h_flat = hw.reshape(N_EDGES * C_OUT)
    p0, p1 = _sc_edge_kernel(gba, gbb, bvals, h_flat, src, dst)

    bc = 2000
    out = pl.pallas_call(
        _combine_body,
        grid=(N_NODES // bc,),
        in_specs=[pl.BlockSpec((bc, C_OUT), lambda i: (i, 0)),
                  pl.BlockSpec((bc, C_OUT), lambda i: (i, 0)),
                  pl.BlockSpec((bc, C_OUT), lambda i: (i, 0))],
        out_specs=pl.BlockSpec((bc, C_OUT), lambda i: (i, 0)),
        out_shape=jax.ShapeDtypeStruct((N_NODES, C_OUT), jnp.float32),
    )(root, p0, p1)

    return out

# --- scband reference (transcript-rebuilt; emitter-appended) ---
"""Pipeline reference for scband-nnconv-55731495632943 (READ-ONLY COPY).

The authoritative reference and input builder live on the scoring server;
editing this copy changes nothing except your own understanding.
"""

import jax, jax.numpy as jnp
import numpy as np

N_NODES = 10000
N_EDGES = 160000
C_IN = 128
C_OUT = 16
EDGE_DIM = 16


def setup_inputs(seed: int = 0) -> dict:
    key = jax.random.key(seed)
    ks = jax.random.split(key, 9)
    node_feats = jax.random.normal(ks[0], (N_NODES, C_IN), dtype=jnp.float32)
    edge_index = jax.random.randint(ks[1], (2, N_EDGES), 0, N_NODES, dtype=jnp.int64 if jax.config.jax_enable_x64 else jnp.int32).astype(jnp.int32)
    edge_attr = jax.random.normal(ks[2], (N_EDGES, EDGE_DIM), dtype=jnp.float32)
    # edge-MLP: Linear(edge_dim, c_out) -> ReLU -> Linear(c_out, c_in*c_out)
    W1 = jax.random.normal(ks[3], (EDGE_DIM, C_OUT), dtype=jnp.float32) * (1.0 / np.sqrt(EDGE_DIM))
    b1 = jnp.zeros((C_OUT,), dtype=jnp.float32)
    W2 = jax.random.normal(ks[4], (C_OUT, C_IN * C_OUT), dtype=jnp.float32) * (1.0 / np.sqrt(C_OUT)) * 0.05
    b2 = jnp.zeros((C_IN * C_OUT,), dtype=jnp.float32)
    # NNConv root weight (Linear(c_in, c_out, bias=False)) and output bias
    root_W = jax.random.normal(ks[5], (C_IN, C_OUT), dtype=jnp.float32) * (1.0 / np.sqrt(C_IN))
    bias = jnp.zeros((C_OUT,), dtype=jnp.float32)
    return {
        "node_feats": node_feats,
        "edge_attr": edge_attr,
        "W1": W1,
        "b1": b1,
        "W2": W2,
        "b2": b2,
        "root_W": root_W,
        "bias": bias,
        "edge_index": edge_index,
    }


def reference(node_feats, edge_attr, W1, b1, W2, b2, root_W, bias, edge_index):
    # edge-conditioned weight generation: mlp(edge_attr) -> [E, c_in, c_out]
    h = jax.nn.relu(edge_attr @ W1 + b1)
    w = (h @ W2 + b2).reshape(-1, C_IN, C_OUT)
    src = edge_index[0]
    dst = edge_index[1]
    # message: x_j (source node feats) transformed by per-edge weight
    x_j = jnp.take(node_feats, src, axis=0)
    msgs = jnp.einsum("ei,eio->eo", x_j, w)
    # aggregate (sum) at destination nodes
    out = jax.ops.segment_sum(msgs, dst, num_segments=N_NODES)
    # root weight + bias
    out = out + node_feats @ root_W + bias
    return out

if __name__ == "__main__":
    import jax
    _d = setup_inputs()
    print(jax.jit(kernel)(*tuple(_d.values())))

</pallas_src>

<mosaic_0001>
#map = affine_map<(d0, d1) -> (0, 0)>
#map1 = affine_map<(d0, d1) -> (0)>
#map2 = affine_map<(d0, d1) -> (0, 0, 0)>
module attributes {stable_mosaic.version = 14 : i64} {
  func.func @_sc_edge_kernel(%arg0: i32, %arg1: i32, %arg2: memref<10000x128xf32, #tpu.memory_space<hbm>>, %arg3: memref<10000x128xf32, #tpu.memory_space<hbm>>, %arg4: memref<10000x16xf32, #tpu.memory_space<hbm>>, %arg5: memref<2560000xf32, #tpu.memory_space<hbm>>, %arg6: memref<32x40x125xi32, #tpu.memory_space<hbm>>, %arg7: memref<32x40x125xi32, #tpu.memory_space<hbm>>, %arg8: memref<10240x16xf32, #tpu.memory_space<hbm>>, %arg9: memref<10240x16xf32, #tpu.memory_space<hbm>>, %arg10: memref<40x125xi32, #tpu.memory_space<vmem>>, %arg11: memref<40x125xi32, #tpu.memory_space<vmem>>, %arg12: memref<125x128xf32, #tpu.memory_space<vmem>>, %arg13: memref<125x128xf32, #tpu.memory_space<vmem>>, %arg14: memref<125x128xf32, #tpu.memory_space<vmem>>, %arg15: memref<125x128xf32, #tpu.memory_space<vmem>>, %arg16: memref<125x16xf32, #tpu.memory_space<vmem>>, %arg17: memref<125x16xf32, #tpu.memory_space<vmem>>, %arg18: memref<2000xf32, #tpu.memory_space<vmem>>, %arg19: memref<2000xf32, #tpu.memory_space<vmem>>, %arg20: memref<125x16xf32, #tpu.memory_space<vmem>>, %arg21: memref<125x16xf32, #tpu.memory_space<vmem>>, %arg22: memref<640x16xf32, #tpu.memory_space<vmem>>, %arg23: memref<10240x16xf32, #tpu.memory_space<vmem_shared>>, %arg24: memref<!tpu.dma_semaphore, #tpu.memory_space<semaphore_mem>>, %arg25: memref<!tpu.dma_semaphore, #tpu.memory_space<semaphore_mem>>, %arg26: memref<!tpu.dma_semaphore, #tpu.memory_space<semaphore_mem>>, %arg27: memref<!tpu.dma_semaphore, #tpu.memory_space<semaphore_mem>>) attributes {dimension_semantics = [#tpu.dimension_semantics<core_parallel>, #tpu.dimension_semantics<subcore_parallel>], iteration_bounds = array<i64: 2, 16>, scalar_prefetch = 0 : i64, scratch_operands = 18 : i64, tpu.core_type = #tpu.core_type<sc_vector_subcore>, window_params = [{transform_indices = #map}, {transform_indices = #map}, {transform_indices = #map}, {transform_indices = #map1}, {transform_indices = #map2}, {transform_indices = #map2}, {transform_indices = #map}, {transform_indices = #map}]} {
    %mul3A = arith.constant 2 : i32
    %mul3A_0 = arith.muli %arg1, %mul3A : i32
    %add3A = arith.addi %mul3A_0, %arg0 : i32
    %scan3A = arith.constant 0 : i32
    %scan3A_1 = arith.constant 0 : i32
    %scan3A_2 = arith.constant 640 : i32
    %scan3A_3 = arith.addi %scan3A_1, %scan3A_2 : i32
    %scan3A_4 = arith.constant 1 : i32
    scf.for %scan3A_65 = %scan3A_1 to %scan3A_3 step %scan3A_4  : i32 {
      %broadcast_in_dim3A = arith.constant 0.000000e+00 : f32
      %broadcast_in_dim3A_66 = vector.broadcast %broadcast_in_dim3A : f32 to vector<16xf32>
      %swap3A = arith.index_cast %scan3A_65 : i32 to index
      %swap3A_67 = arith.constant 0 : index
      %swap3A_68 = tpu.vector_load %arg22[%swap3A, %swap3A_67] {strides = array<i32>} : memref<640x16xf32, #tpu.memory_space<vmem>>, vector<1x16xf32>,
      %swap3A_69 = vector.shape_cast %swap3A_68 : vector<1x16xf32> to vector<16xf32>
      %swap3A_70 = vector.shape_cast %broadcast_in_dim3A_66 : vector<16xf32> to vector<1x16xf32>
      tpu.vector_store %arg22[%swap3A, %swap3A_67], %swap3A_70 {strides = array<i32>} : memref<640x16xf32, #tpu.memory_space<vmem>>, vector<1x16xf32>,
    }
    %scan3A_5 = arith.constant 640 : i32
    %mul3A_6 = arith.constant 640 : i32
    %mul3A_7 = arith.muli %arg1, %mul3A_6 : i32
    "tpu.region"() ({
      %run_scoped3A = tpu.sem_alloc : memref<!tpu.dma_semaphore, #tpu.memory_space<semaphore_mem>>
      %dma_start3A_65 = arith.constant 0 : i32
      %dma_start3A_66 = tpu.memref_slice %arg23[%mul3A_7, %dma_start3A_65] : memref<10240x16xf32, #tpu.memory_space<vmem_shared>> -> memref<640x16xf32, #tpu.memory_space<vmem_shared>>
      %dma_start3A_67 = arith.constant 0 : i32
      %dma_start3A_68 = tpu.memref_slice %arg23[%mul3A_7, %dma_start3A_67] : memref<10240x16xf32, #tpu.memory_space<vmem_shared>> -> memref<640x16xf32, #tpu.memory_space<vmem_shared>>
      tpu.enqueue_dma source(%arg22 : memref<640x16xf32, #tpu.memory_space<vmem>>) target(%dma_start3A_68 : memref<640x16xf32, #tpu.memory_space<vmem_shared>>) target_semaphore(%run_scoped3A : memref<!tpu.dma_semaphore, #tpu.memory_space<semaphore_mem>>)
      %dma_wait3A_69 = arith.constant 0 : i32
      %dma_wait3A_70 = tpu.memref_slice %arg23[%mul3A_7, %dma_wait3A_69] : memref<10240x16xf32, #tpu.memory_space<vmem_shared>> -> memref<640x16xf32, #tpu.memory_space<vmem_shared>>
      %dma_wait3A_71 = arith.constant 0 : i32
      %dma_wait3A_72 = tpu.memref_slice %arg23[%mul3A_7, %dma_wait3A_71] : memref<10240x16xf32, #tpu.memory_space<vmem_shared>> -> memref<640x16xf32, #tpu.memory_space<vmem_shared>>
      tpu.wait_dma2 semaphore(%run_scoped3A : memref<!tpu.dma_semaphore, #tpu.memory_space<semaphore_mem>>) src(%arg22 : memref<640x16xf32, #tpu.memory_space<vmem>>) dst(%dma_wait3A_72 : memref<640x16xf32, #tpu.memory_space<vmem_shared>>)
      tpu.yield
    }) : () -> ()
    %barrier3A = arith.constant 0 : index
    tpu.barrier barrier_id(%barrier3A)
    "tpu.region"() ({
      %run_scoped3A = tpu.sem_alloc : memref<!tpu.dma_semaphore, #tpu.memory_space<semaphore_mem>>
      %dma_start3A_65 = arith.constant 0 : i32
      %dma_start3A_66 = arith.constant 0 : i32
      %dma_start3A_67 = tpu.memref_slice %arg6[%add3A, %dma_start3A_65, %dma_start3A_66] : memref<32x40x125xi32, #tpu.memory_space<hbm>> -> memref<1x40x125xi32, #tpu.memory_space<hbm>>
      %dma_start3A_68 = tpu.memref_squeeze %dma_start3A_67 : memref<1x40x125xi32, #tpu.memory_space<hbm>> -> memref<40x125xi32, #tpu.memory_space<hbm>>
      %dma_start3A_69 = arith.constant 0 : i32
      %dma_start3A_70 = arith.constant 0 : i32
      %dma_start3A_71 = tpu.memref_slice %arg6[%add3A, %dma_start3A_69, %dma_start3A_70] : memref<32x40x125xi32, #tpu.memory_space<hbm>> -> memref<1x40x125xi32, #tpu.memory_space<hbm>>
      %dma_start3A_72 = tpu.memref_squeeze %dma_start3A_71 : memref<1x40x125xi32, #tpu.memory_space<hbm>> -> memref<40x125xi32, #tpu.memory_space<hbm>>
      tpu.enqueue_dma source(%dma_start3A_72 : memref<40x125xi32, #tpu.memory_space<hbm>>) target(%arg10 : memref<40x125xi32, #tpu.memory_space<vmem>>) target_semaphore(%run_scoped3A : memref<!tpu.dma_semaphore, #tpu.memory_space<semaphore_mem>>)
      %dma_wait3A_73 = arith.constant 0 : i32
      %dma_wait3A_74 = arith.constant 0 : i32
      %dma_wait3A_75 = tpu.memref_slice %arg6[%add3A, %dma_wait3A_73, %dma_wait3A_74] : memref<32x40x125xi32, #tpu.memory_space<hbm>> -> memref<1x40x125xi32, #tpu.memory_space<hbm>>
      %dma_wait3A_76 = tpu.memref_squeeze %dma_wait3A_75 : memref<1x40x125xi32, #tpu.memory_space<hbm>> -> memref<40x125xi32, #tpu.memory_space<hbm>>
      %dma_wait3A_77 = arith.constant 0 : i32
      %dma_wait3A_78 = arith.constant 0 : i32
      %dma_wait3A_79 = tpu.memref_slice %arg6[%add3A, %dma_wait3A_77, %dma_wait3A_78] : memref<32x40x125xi32, #tpu.memory_space<hbm>> -> memref<1x40x125xi32, #tpu.memory_space<hbm>>
      %dma_wait3A_80 = tpu.memref_squeeze %dma_wait3A_79 : memref<1x40x125xi32, #tpu.memory_space<hbm>> -> memref<40x125xi32, #tpu.memory_space<hbm>>
      tpu.wait_dma2 semaphore(%run_scoped3A : memref<!tpu.dma_semaphore, #tpu.memory_space<semaphore_mem>>) src(%dma_wait3A_80 : memref<40x125xi32, #tpu.memory_space<hbm>>) dst(%arg10 : memref<40x125xi32, #tpu.memory_space<vmem>>)
      tpu.yield
    }) : () -> ()
    "tpu.region"() ({
      %run_scoped3A = tpu.sem_alloc : memref<!tpu.dma_semaphore, #tpu.memory_space<semaphore_mem>>
      %dma_start3A_65 = arith.constant 0 : i32
      %dma_start3A_66 = arith.constant 0 : i32
      %dma_start3A_67 = tpu.memref_slice %arg7[%add3A, %dma_start3A_65, %dma_start3A_66] : memref<32x40x125xi32, #tpu.memory_space<hbm>> -> memref<1x40x125xi32, #tpu.memory_space<hbm>>
      %dma_start3A_68 = tpu.memref_squeeze %dma_start3A_67 : memref<1x40x125xi32, #tpu.memory_space<hbm>> -> memref<40x125xi32, #tpu.memory_space<hbm>>
      %dma_start3A_69 = arith.constant 0 : i32
      %dma_start3A_70 = arith.constant 0 : i32
      %dma_start3A_71 = tpu.memref_slice %arg7[%add3A, %dma_start3A_69, %dma_start3A_70] : memref<32x40x125xi32, #tpu.memory_space<hbm>> -> memref<1x40x125xi32, #tpu.memory_space<hbm>>
      %dma_start3A_72 = tpu.memref_squeeze %dma_start3A_71 : memref<1x40x125xi32, #tpu.memory_space<hbm>> -> memref<40x125xi32, #tpu.memory_space<hbm>>
      tpu.enqueue_dma source(%dma_start3A_72 : memref<40x125xi32, #tpu.memory_space<hbm>>) target(%arg11 : memref<40x125xi32, #tpu.memory_space<vmem>>) target_semaphore(%run_scoped3A : memref<!tpu.dma_semaphore, #tpu.memory_space<semaphore_mem>>)
      %dma_wait3A_73 = arith.constant 0 : i32
      %dma_wait3A_74 = arith.constant 0 : i32
      %dma_wait3A_75 = tpu.memref_slice %arg7[%add3A, %dma_wait3A_73, %dma_wait3A_74] : memref<32x40x125xi32, #tpu.memory_space<hbm>> -> memref<1x40x125xi32, #tpu.memory_space<hbm>>
      %dma_wait3A_76 = tpu.memref_squeeze %dma_wait3A_75 : memref<1x40x125xi32, #tpu.memory_space<hbm>> -> memref<40x125xi32, #tpu.memory_space<hbm>>
      %dma_wait3A_77 = arith.constant 0 : i32
      %dma_wait3A_78 = arith.constant 0 : i32
      %dma_wait3A_79 = tpu.memref_slice %arg7[%add3A, %dma_wait3A_77, %dma_wait3A_78] : memref<32x40x125xi32, #tpu.memory_space<hbm>> -> memref<1x40x125xi32, #tpu.memory_space<hbm>>
      %dma_wait3A_80 = tpu.memref_squeeze %dma_wait3A_79 : memref<1x40x125xi32, #tpu.memory_space<hbm>> -> memref<40x125xi32, #tpu.memory_space<hbm>>
      tpu.wait_dma2 semaphore(%run_scoped3A : memref<!tpu.dma_semaphore, #tpu.memory_space<semaphore_mem>>) src(%dma_wait3A_80 : memref<40x125xi32, #tpu.memory_space<hbm>>) dst(%arg11 : memref<40x125xi32, #tpu.memory_space<vmem>>)
      tpu.yield
    }) : () -> ()
    %mul3A_8 = arith.constant 5000 : i32
    %mul3A_9 = arith.muli %add3A, %mul3A_8 : i32
    %mul3A_10 = arith.constant 16 : i32
    %mul3A_11 = arith.muli %mul3A_9, %mul3A_10 : i32
    %dma_start3A = arith.constant 0 : i32
    %dma_start3A_12 = arith.constant 0 : i32
    %dma_start3A_13 = tpu.memref_slice %arg10[%dma_start3A, %dma_start3A_12] : memref<40x125xi32, #tpu.memory_space<vmem>> -> memref<1x125xi32, #tpu.memory_space<vmem>>
    %dma_start3A_14 = tpu.memref_squeeze %dma_start3A_13 : memref<1x125xi32, #tpu.memory_space<vmem>> -> memref<125xi32, #tpu.memory_space<vmem>>
    %dma_start3A_15 = arith.constant 0 : i32
    %dma_start3A_16 = arith.constant 0 : i32
    %dma_start3A_17 = tpu.memref_slice %arg2[%dma_start3A_15, %dma_start3A_16] : memref<10000x128xf32, #tpu.memory_space<hbm>> -> memref<10000x128xf32, #tpu.memory_space<hbm>>
    tpu.enqueue_indirect_dma source(%dma_start3A_17 : memref<10000x128xf32, #tpu.memory_space<hbm>>) target(%arg12 : memref<125x128xf32, #tpu.memory_space<vmem>>) offsets(%dma_start3A_14 : memref<125xi32, #tpu.memory_space<vmem>>) semaphore(%arg24 : memref<!tpu.dma_semaphore, #tpu.memory_space<semaphore_mem>>)
    %dma_start3A_18 = arith.constant 0 : i32
    %dma_start3A_19 = arith.constant 0 : i32
    %dma_start3A_20 = tpu.memref_slice %arg10[%dma_start3A_18, %dma_start3A_19] : memref<40x125xi32, #tpu.memory_space<vmem>> -> memref<1x125xi32, #tpu.memory_space<vmem>>
    %dma_start3A_21 = tpu.memref_squeeze %dma_start3A_20 : memref<1x125xi32, #tpu.memory_space<vmem>> -> memref<125xi32, #tpu.memory_space<vmem>>
    %dma_start3A_22 = arith.constant 0 : i32
    %dma_start3A_23 = arith.constant 0 : i32
    %dma_start3A_24 = tpu.memref_slice %arg3[%dma_start3A_22, %dma_start3A_23] : memref<10000x128xf32, #tpu.memory_space<hbm>> -> memref<10000x128xf32, #tpu.memory_space<hbm>>
    tpu.enqueue_indirect_dma source(%dma_start3A_24 : memref<10000x128xf32, #tpu.memory_space<hbm>>) target(%arg14 : memref<125x128xf32, #tpu.memory_space<vmem>>) offsets(%dma_start3A_21 : memref<125xi32, #tpu.memory_space<vmem>>) semaphore(%arg24 : memref<!tpu.dma_semaphore, #tpu.memory_space<semaphore_mem>>)
    %dma_start3A_25 = arith.constant 0 : i32
    %dma_start3A_26 = arith.constant 0 : i32
    %dma_start3A_27 = tpu.memref_slice %arg10[%dma_start3A_25, %dma_start3A_26] : memref<40x125xi32, #tpu.memory_space<vmem>> -> memref<1x125xi32, #tpu.memory_space<vmem>>
    %dma_start3A_28 = tpu.memref_squeeze %dma_start3A_27 : memref<1x125xi32, #tpu.memory_space<vmem>> -> memref<125xi32, #tpu.memory_space<vmem>>
    %dma_start3A_29 = arith.constant 0 : i32
    %dma_start3A_30 = arith.constant 0 : i32
    %dma_start3A_31 = tpu.memref_slice %arg4[%dma_start3A_29, %dma_start3A_30] : memref<10000x16xf32, #tpu.memory_space<hbm>> -> memref<10000x16xf32, #tpu.memory_space<hbm>>
    tpu.enqueue_indirect_dma source(%dma_start3A_31 : memref<10000x16xf32, #tpu.memory_space<hbm>>) target(%arg16 : memref<125x16xf32, #tpu.memory_space<vmem>>) offsets(%dma_start3A_28 : memref<125xi32, #tpu.memory_space<vmem>>) semaphore(%arg24 : memref<!tpu.dma_semaphore, #tpu.memory_space<semaphore_mem>>)
    %add3A_32 = arith.constant 0 : i32
    %add3A_33 = arith.addi %mul3A_11, %add3A_32 : i32
    %dma_start3A_34 = tpu.memref_slice %arg5[%add3A_33] : memref<2560000xf32, #tpu.memory_space<hbm>> -> memref<2000xf32, #tpu.memory_space<hbm>>
    %dma_start3A_35 = tpu.memref_slice %arg5[%add3A_33] : memref<2560000xf32, #tpu.memory_space<hbm>> -> memref<2000xf32, #tpu.memory_space<hbm>>
    tpu.enqueue_dma source(%dma_start3A_35 : memref<2000xf32, #tpu.memory_space<hbm>>) target(%arg18 : memref<2000xf32, #tpu.memory_space<vmem>>) target_semaphore(%arg24 : memref<!tpu.dma_semaphore, #tpu.memory_space<semaphore_mem>>)
    %scan3A_36 = arith.constant 0 : i32
    %scan3A_37 = arith.constant 0 : i32
    %scan3A_38 = arith.constant 20 : i32
    %scan3A_39 = arith.addi %scan3A_37, %scan3A_38 : i32
    %scan3A_40 = arith.constant 1 : i32
    scf.for %scan3A_65 = %scan3A_37 to %scan3A_39 step %scan3A_40  : i32 {
      %mul3A_66 = arith.constant 2 : i32
      %mul3A_67 = arith.muli %mul3A_66, %scan3A_65 : i32
      %add3A_68 = arith.constant 1 : i32
      %add3A_69 = arith.addi %mul3A_67, %add3A_68 : i32
      %dma_start3A_70 = arith.constant 0 : i32
      %dma_start3A_71 = tpu.memref_slice %arg10[%add3A_69, %dma_start3A_70] : memref<40x125xi32, #tpu.memory_space<vmem>> -> memref<1x125xi32, #tpu.memory_space<vmem>>
      %dma_start3A_72 = tpu.memref_squeeze %dma_start3A_71 : memref<1x125xi32, #tpu.memory_space<vmem>> -> memref<125xi32, #tpu.memory_space<vmem>>
      %dma_start3A_73 = arith.constant 0 : i32
      %dma_start3A_74 = arith.constant 0 : i32
      %dma_start3A_75 = tpu.memref_slice %arg2[%dma_start3A_73, %dma_start3A_74] : memref<10000x128xf32, #tpu.memory_space<hbm>> -> memref<10000x128xf32, #tpu.memory_space<hbm>>
      tpu.enqueue_indirect_dma source(%dma_start3A_75 : memref<10000x128xf32, #tpu.memory_space<hbm>>) target(%arg13 : memref<125x128xf32, #tpu.memory_space<vmem>>) offsets(%dma_start3A_72 : memref<125xi32, #tpu.memory_space<vmem>>) semaphore(%arg25 : memref<!tpu.dma_semaphore, #tpu.memory_space<semaphore_mem>>)
      %dma_start3A_76 = arith.constant 0 : i32
      %dma_start3A_77 = tpu.memref_slice %arg10[%add3A_69, %dma_start3A_76] : memref<40x125xi32, #tpu.memory_space<vmem>> -> memref<1x125xi32, #tpu.memory_space<vmem>>
      %dma_start3A_78 = tpu.memref_squeeze %dma_start3A_77 : memref<1x125xi32, #tpu.memory_space<vmem>> -> memref<125xi32, #tpu.memory_space<vmem>>
      %dma_start3A_79 = arith.constant 0 : i32
      %dma_start3A_80 = arith.constant 0 : i32
      %dma_start3A_81 = tpu.memref_slice %arg3[%dma_start3A_79, %dma_start3A_80] : memref<10000x128xf32, #tpu.memory_space<hbm>> -> memref<10000x128xf32, #tpu.memory_space<hbm>>
      tpu.enqueue_indirect_dma source(%dma_start3A_81 : memref<10000x128xf32, #tpu.memory_space<hbm>>) target(%arg15 : memref<125x128xf32, #tpu.memory_space<vmem>>) offsets(%dma_start3A_78 : memref<125xi32, #tpu.memory_space<vmem>>) semaphore(%arg25 : memref<!tpu.dma_semaphore, #tpu.memory_space<semaphore_mem>>)
      %dma_start3A_82 = arith.constant 0 : i32
      %dma_start3A_83 = tpu.memref_slice %arg10[%add3A_69, %dma_start3A_82] : memref<40x125xi32, #tpu.memory_space<vmem>> -> memref<1x125xi32, #tpu.memory_space<vmem>>
      %dma_start3A_84 = tpu.memref_squeeze %dma_start3A_83 : memref<1x125xi32, #tpu.memory_space<vmem>> -> memref<125xi32, #tpu.memory_space<vmem>>
      %dma_start3A_85 = arith.constant 0 : i32
      %dma_start3A_86 = arith.constant 0 : i32
      %dma_start3A_87 = tpu.memref_slice %arg4[%dma_start3A_85, %dma_start3A_86] : memref<10000x16xf32, #tpu.memory_space<hbm>> -> memref<10000x16xf32, #tpu.memory_space<hbm>>
      tpu.enqueue_indirect_dma source(%dma_start3A_87 : memref<10000x16xf32, #tpu.memory_space<hbm>>) target(%arg17 : memref<125x16xf32, #tpu.memory_space<vmem>>) offsets(%dma_start3A_84 : memref<125xi32, #tpu.memory_space<vmem>>) semaphore(%arg25 : memref<!tpu.dma_semaphore, #tpu.memory_space<semaphore_mem>>)
      %mul3A_88 = arith.constant 2000 : i32
      %mul3A_89 = arith.muli %add3A_69, %mul3A_88 : i32
      %add3A_90 = arith.addi %mul3A_11, %mul3A_89 : i32
      %dma_start3A_91 = tpu.memref_slice %arg5[%add3A_90] : memref<2560000xf32, #tpu.memory_space<hbm>> -> memref<2000xf32, #tpu.memory_space<hbm>>
      %dma_start3A_92 = tpu.memref_slice %arg5[%add3A_90] : memref<2560000xf32, #tpu.memory_space<hbm>> -> memref<2000xf32, #tpu.memory_space<hbm>>
      tpu.enqueue_dma source(%dma_start3A_92 : memref<2000xf32, #tpu.memory_space<hbm>>) target(%arg19 : memref<2000xf32, #tpu.memory_space<vmem>>) target_semaphore(%arg25 : memref<!tpu.dma_semaphore, #tpu.memory_space<semaphore_mem>>)
      %mul3A_93 = arith.constant 2 : i32
      %mul3A_94 = arith.muli %mul3A_93, %scan3A_65 : i32
      %dma_wait3A_95 = arith.constant 0 : i32
      %dma_wait3A_96 = tpu.memref_slice %arg10[%mul3A_94, %dma_wait3A_95] : memref<40x125xi32, #tpu.memory_space<vmem>> -> memref<1x125xi32, #tpu.memory_space<vmem>>
      %dma_wait3A_97 = tpu.memref_squeeze %dma_wait3A_96 : memref<1x125xi32, #tpu.memory_space<vmem>> -> memref<125xi32, #tpu.memory_space<vmem>>
      %dma_wait3A_98 = arith.constant 0 : i32
      %dma_wait3A_99 = arith.constant 0 : i32
      %dma_wait3A_100 = tpu.memref_slice %arg2[%dma_wait3A_98, %dma_wait3A_99] : memref<10000x128xf32, #tpu.memory_space<hbm>> -> memref<10000x128xf32, #tpu.memory_space<hbm>>
      tpu.wait_indirect_dma semaphore(%arg24 : memref<!tpu.dma_semaphore, #tpu.memory_space<semaphore_mem>>) src(%dma_wait3A_100 : memref<10000x128xf32, #tpu.memory_space<hbm>>) dst(%arg12 : memref<125x128xf32, #tpu.memory_space<vmem>>)
      %dma_wait3A_101 = arith.constant 0 : i32
      %dma_wait3A_102 = tpu.memref_slice %arg10[%mul3A_94, %dma_wait3A_101] : memref<40x125xi32, #tpu.memory_space<vmem>> -> memref<1x125xi32, #tpu.memory_space<vmem>>
      %dma_wait3A_103 = tpu.memref_squeeze %dma_wait3A_102 : memref<1x125xi32, #tpu.memory_space<vmem>> -> memref<125xi32, #tpu.memory_space<vmem>>
      %dma_wait3A_104 = arith.constant 0 : i32
      %dma_wait3A_105 = arith.constant 0 : i32
      %dma_wait3A_106 = tpu.memref_slice %arg3[%dma_wait3A_104, %dma_wait3A_105] : memref<10000x128xf32, #tpu.memory_space<hbm>> -> memref<10000x128xf32, #tpu.memory_space<hbm>>
      tpu.wait_indirect_dma semaphore(%arg24 : memref<!tpu.dma_semaphore, #tpu.memory_space<semaphore_mem>>) src(%dma_wait3A_106 : memref<10000x128xf32, #tpu.memory_space<hbm>>) dst(%arg14 : memref<125x128xf32, #tpu.memory_space<vmem>>)
      %dma_wait3A_107 = arith.constant 0 : i32
      %dma_wait3A_108 = tpu.memref_slice %arg10[%mul3A_94, %dma_wait3A_107] : memref<40x125xi32, #tpu.memory_space<vmem>> -> memref<1x125xi32, #tpu.memory_space<vmem>>
      %dma_wait3A_109 = tpu.memref_squeeze %dma_wait3A_108 : memref<1x125xi32, #tpu.memory_space<vmem>> -> memref<125xi32, #tpu.memory_space<vmem>>
      %dma_wait3A_110 = arith.constant 0 : i32
      %dma_wait3A_111 = arith.constant 0 : i32
      %dma_wait3A_112 = tpu.memref_slice %arg4[%dma_wait3A_110, %dma_wait3A_111] : memref<10000x16xf32, #tpu.memory_space<hbm>> -> memref<10000x16xf32, #tpu.memory_space<hbm>>
      tpu.wait_indirect_dma semaphore(%arg24 : memref<!tpu.dma_semaphore, #tpu.memory_space<semaphore_mem>>) src(%dma_wait3A_112 : memref<10000x16xf32, #tpu.memory_space<hbm>>) dst(%arg16 : memref<125x16xf32, #tpu.memory_space<vmem>>)
      %mul3A_113 = arith.constant 2000 : i32
      %mul3A_114 = arith.muli %mul3A_94, %mul3A_113 : i32
      %add3A_115 = arith.addi %mul3A_11, %mul3A_114 : i32
      %dma_wait3A_116 = tpu.memref_slice %arg5[%add3A_115] : memref<2560000xf32, #tpu.memory_space<hbm>> -> memref<2000xf32, #tpu.memory_space<hbm>>
      %dma_wait3A_117 = tpu.memref_slice %arg5[%add3A_115] : memref<2560000xf32, #tpu.memory_space<hbm>> -> memref<2000xf32, #tpu.memory_space<hbm>>
      tpu.wait_dma2 semaphore(%arg24 : memref<!tpu.dma_semaphore, #tpu.memory_space<semaphore_mem>>) src(%dma_wait3A_117 : memref<2000xf32, #tpu.memory_space<hbm>>) dst(%arg18 : memref<2000xf32, #tpu.memory_space<vmem>>)
      %gt3A = arith.constant 0 : i32
      %gt3A_118 = arith.cmpi sgt, %scan3A_65, %gt3A : i32
      %convert_element_type3A_119 = arith.extui %gt3A_118 : i1 to i32
      %cond3A_120 = arith.constant 0 : i32
      %cond3A_121 = arith.cmpi ne, %convert_element_type3A_119, %cond3A_120 : i32
      scf.if %cond3A_121 {
        %dma_wait3A_182 = arith.constant 0 : i32
        %dma_wait3A_183 = tpu.memref_slice %arg11[%mul3A_94, %dma_wait3A_182] : memref<40x125xi32, #tpu.memory_space<vmem>> -> memref<1x125xi32, #tpu.memory_space<vmem>>
        %dma_wait3A_184 = tpu.memref_squeeze %dma_wait3A_183 : memref<1x125xi32, #tpu.memory_space<vmem>> -> memref<125xi32, #tpu.memory_space<vmem>>
        %dma_wait3A_185 = arith.constant 0 : i32
        %dma_wait3A_186 = arith.constant 0 : i32
        %dma_wait3A_187 = tpu.memref_slice %arg23[%dma_wait3A_185, %dma_wait3A_186] : memref<10240x16xf32, #tpu.memory_space<vmem_shared>> -> memref<10240x16xf32, #tpu.memory_space<vmem_shared>>
        tpu.wait_indirect_dma semaphore(%arg26 : memref<!tpu.dma_semaphore, #tpu.memory_space<semaphore_mem>>) src(%arg20 : memref<125x16xf32, #tpu.memory_space<vmem>>) dst(%dma_wait3A_187 : memref<10240x16xf32, #tpu.memory_space<vmem_shared>>)
      } else {
      }
      %scan3A_122 = arith.constant 0 : i32
      %scan3A_123 = arith.constant 0 : i32
      %scan3A_124 = arith.constant 125 : i32
      %scan3A_125 = arith.addi %scan3A_123, %scan3A_124 : i32
      %scan3A_126 = arith.constant 5 : i32
      scf.for %scan3A_182 = %scan3A_123 to %scan3A_125 step %scan3A_126  : i32 {
        %mul3A_183 = arith.constant 16 : i32
        %mul3A_184 = arith.muli %scan3A_182, %mul3A_183 : i32
        %get3A = arith.index_cast %mul3A_184 : i32 to index
        %get3A_185 = tpu.vector_load %arg18[%get3A] {strides = array<i32>} : memref<2000xf32, #tpu.memory_space<vmem>>, vector<16xf32>,
        %get3A_186 = vector.shape_cast %get3A_185 : vector<16xf32> to vector<16xf32>
        %get3A_187 = arith.index_cast %scan3A_182 : i32 to index
        %get3A_188 = arith.constant 0 : index
        %get3A_189 = tpu.vector_load %arg16[%get3A_187, %get3A_188] {strides = array<i32>} : memref<125x16xf32, #tpu.memory_space<vmem>>, vector<1x16xf32>,
        %get3A_190 = vector.shape_cast %get3A_189 : vector<1x16xf32> to vector<16xf32>
        %slice3A = vector.extract_strided_slice %get3A_186 {offsets = [0], sizes = [1], strides = [1]} : vector<16xf32> to vector<1xf32>
        %squeeze3A = vector.extract %slice3A[0] : f32 from vector<1xf32>
        %get3A_191 = arith.index_cast %scan3A_182 : i32 to index
        %get3A_192 = arith.constant 0 : index
        %get3A_193 = tpu.vector_load %arg12[%get3A_191, %get3A_192] {strides = array<i32>} : memref<125x128xf32, #tpu.memory_space<vmem>>, vector<1x16xf32>,
        %get3A_194 = vector.shape_cast %get3A_193 : vector<1x16xf32> to vector<16xf32>
        %mul3A_195 = vector.broadcast %squeeze3A : f32 to vector<16xf32>
        %mul3A_196 = arith.mulf %mul3A_195, %get3A_194 : vector<16xf32>
        %slice3A_197 = vector.extract_strided_slice %get3A_186 {offsets = [1], sizes = [1], strides = [1]} : vector<16xf32> to vector<1xf32>
        %squeeze3A_198 = vector.extract %slice3A_197[0] : f32 from vector<1xf32>
        %get3A_199 = arith.index_cast %scan3A_182 : i32 to index
        %get3A_200 = arith.constant 16 : index
        %get3A_201 = tpu.vector_load %arg12[%get3A_199, %get3A_200] {strides = array<i32>} : memref<125x128xf32, #tpu.memory_space<vmem>>, vector<1x16xf32>,
        %get3A_202 = vector.shape_cast %get3A_201 : vector<1x16xf32> to vector<16xf32>
        %mul3A_203 = vector.broadcast %squeeze3A_198 : f32 to vector<16xf32>
        %mul3A_204 = arith.mulf %mul3A_203, %get3A_202 : vector<16xf32>
        %slice3A_205 = vector.extract_strided_slice %get3A_186 {offsets = [2], sizes = [1], strides = [1]} : vector<16xf32> to vector<1xf32>
        %squeeze3A_206 = vector.extract %slice3A_205[0] : f32 from vector<1xf32>
        %get3A_207 = arith.index_cast %scan3A_182 : i32 to index
        %get3A_208 = arith.constant 32 : index
        %get3A_209 = tpu.vector_load %arg12[%get3A_207, %get3A_208] {strides = array<i32>} : memref<125x128xf32, #tpu.memory_space<vmem>>, vector<1x16xf32>,
        %get3A_210 = vector.shape_cast %get3A_209 : vector<1x16xf32> to vector<16xf32>
        %mul3A_211 = vector.broadcast %squeeze3A_206 : f32 to vector<16xf32>
        %mul3A_212 = arith.mulf %mul3A_211, %get3A_210 : vector<16xf32>
        %slice3A_213 = vector.extract_strided_slice %get3A_186 {offsets = [3], sizes = [1], strides = [1]} : vector<16xf32> to vector<1xf32>
        %squeeze3A_214 = vector.extract %slice3A_213[0] : f32 from vector<1xf32>
        %get3A_215 = arith.index_cast %scan3A_182 : i32 to index
        %get3A_216 = arith.constant 48 : index
        %get3A_217 = tpu.vector_load %arg12[%get3A_215, %get3A_216] {strides = array<i32>} : memref<125x128xf32, #tpu.memory_space<vmem>>, vector<1x16xf32>,
        %get3A_218 = vector.shape_cast %get3A_217 : vector<1x16xf32> to vector<16xf32>
        %mul3A_219 = vector.broadcast %squeeze3A_214 : f32 to vector<16xf32>
        %mul3A_220 = arith.mulf %mul3A_219, %get3A_218 : vector<16xf32>
        %slice3A_221 = vector.extract_strided_slice %get3A_186 {offsets = [4], sizes = [1], strides = [1]} : vector<16xf32> to vector<1xf32>
        %squeeze3A_222 = vector.extract %slice3A_221[0] : f32 from vector<1xf32>
        %get3A_223 = arith.index_cast %scan3A_182 : i32 to index
        %get3A_224 = arith.constant 64 : index
        %get3A_225 = tpu.vector_load %arg12[%get3A_223, %get3A_224] {strides = array<i32>} : memref<125x128xf32, #tpu.memory_space<vmem>>, vector<1x16xf32>,
        %get3A_226 = vector.shape_cast %get3A_225 : vector<1x16xf32> to vector<16xf32>
        %mul3A_227 = vector.broadcast %squeeze3A_222 : f32 to vector<16xf32>
        %mul3A_228 = arith.mulf %mul3A_227, %get3A_226 : vector<16xf32>
        %slice3A_229 = vector.extract_strided_slice %get3A_186 {offsets = [5], sizes = [1], strides = [1]} : vector<16xf32> to vector<1xf32>
        %squeeze3A_230 = vector.extract %slice3A_229[0] : f32 from vector<1xf32>
        %get3A_231 = arith.index_cast %scan3A_182 : i32 to index
        %get3A_232 = arith.constant 80 : index
        %get3A_233 = tpu.vector_load %arg12[%get3A_231, %get3A_232] {strides = array<i32>} : memref<125x128xf32, #tpu.memory_space<vmem>>, vector<1x16xf32>,
        %get3A_234 = vector.shape_cast %get3A_233 : vector<1x16xf32> to vector<16xf32>
        %mul3A_235 = vector.broadcast %squeeze3A_230 : f32 to vector<16xf32>
        %mul3A_236 = arith.mulf %mul3A_235, %get3A_234 : vector<16xf32>
        %slice3A_237 = vector.extract_strided_slice %get3A_186 {offsets = [6], sizes = [1], strides = [1]} : vector<16xf32> to vector<1xf32>
        %squeeze3A_238 = vector.extract %slice3A_237[0] : f32 from vector<1xf32>
        %get3A_239 = arith.index_cast %scan3A_182 : i32 to index
        %get3A_240 = arith.constant 96 : index
        %get3A_241 = tpu.vector_load %arg12[%get3A_239, %get3A_240] {strides = array<i32>} : memref<125x128xf32, #tpu.memory_space<vmem>>, vector<1x16xf32>,
        %get3A_242 = vector.shape_cast %get3A_241 : vector<1x16xf32> to vector<16xf32>
        %mul3A_243 = vector.broadcast %squeeze3A_238 : f32 to vector<16xf32>
        %mul3A_244 = arith.mulf %mul3A_243, %get3A_242 : vector<16xf32>
        %slice3A_245 = vector.extract_strided_slice %get3A_186 {offsets = [7], sizes = [1], strides = [1]} : vector<16xf32> to vector<1xf32>
        %squeeze3A_246 = vector.extract %slice3A_245[0] : f32 from vector<1xf32>
        %get3A_247 = arith.index_cast %scan3A_182 : i32 to index
        %get3A_248 = arith.constant 112 : index
        %get3A_249 = tpu.vector_load %arg12[%get3A_247, %get3A_248] {strides = array<i32>} : memref<125x128xf32, #tpu.memory_space<vmem>>, vector<1x16xf32>,
        %get3A_250 = vector.shape_cast %get3A_249 : vector<1x16xf32> to vector<16xf32>
        %mul3A_251 = vector.broadcast %squeeze3A_246 : f32 to vector<16xf32>
        %mul3A_252 = arith.mulf %mul3A_251, %get3A_250 : vector<16xf32>
        %slice3A_253 = vector.extract_strided_slice %get3A_186 {offsets = [8], sizes = [1], strides = [1]} : vector<16xf32> to vector<1xf32>
        %squeeze3A_254 = vector.extract %slice3A_253[0] : f32 from vector<1xf32>
        %get3A_255 = arith.index_cast %scan3A_182 : i32 to index
        %get3A_256 = arith.constant 0 : index
        %get3A_257 = tpu.vector_load %arg14[%get3A_255, %get3A_256] {strides = array<i32>} : memref<125x128xf32, #tpu.memory_space<vmem>>, vector<1x16xf32>,
        %get3A_258 = vector.shape_cast %get3A_257 : vector<1x16xf32> to vector<16xf32>
        %mul3A_259 = vector.broadcast %squeeze3A_254 : f32 to vector<16xf32>
        %mul3A_260 = arith.mulf %mul3A_259, %get3A_258 : vector<16xf32>
        %slice3A_261 = vector.extract_strided_slice %get3A_186 {offsets = [9], sizes = [1], strides = [1]} : vector<16xf32> to vector<1xf32>
        %squeeze3A_262 = vector.extract %slice3A_261[0] : f32 from vector<1xf32>
        %get3A_263 = arith.index_cast %scan3A_182 : i32 to index
        %get3A_264 = arith.constant 16 : index
        %get3A_265 = tpu.vector_load %arg14[%get3A_263, %get3A_264] {strides = array<i32>} : memref<125x128xf32, #tpu.memory_space<vmem>>, vector<1x16xf32>,
        %get3A_266 = vector.shape_cast %get3A_265 : vector<1x16xf32> to vector<16xf32>
        %mul3A_267 = vector.broadcast %squeeze3A_262 : f32 to vector<16xf32>
        %mul3A_268 = arith.mulf %mul3A_267, %get3A_266 : vector<16xf32>
        %slice3A_269 = vector.extract_strided_slice %get3A_186 {offsets = [10], sizes = [1], strides = [1]} : vector<16xf32> to vector<1xf32>
        %squeeze3A_270 = vector.extract %slice3A_269[0] : f32 from vector<1xf32>
        %get3A_271 = arith.index_cast %scan3A_182 : i32 to index
        %get3A_272 = arith.constant 32 : index
        %get3A_273 = tpu.vector_load %arg14[%get3A_271, %get3A_272] {strides = array<i32>} : memref<125x128xf32, #tpu.memory_space<vmem>>, vector<1x16xf32>,
        %get3A_274 = vector.shape_cast %get3A_273 : vector<1x16xf32> to vector<16xf32>
        %mul3A_275 = vector.broadcast %squeeze3A_270 : f32 to vector<16xf32>
        %mul3A_276 = arith.mulf %mul3A_275, %get3A_274 : vector<16xf32>
        %slice3A_277 = vector.extract_strided_slice %get3A_186 {offsets = [11], sizes = [1], strides = [1]} : vector<16xf32> to vector<1xf32>
        %squeeze3A_278 = vector.extract %slice3A_277[0] : f32 from vector<1xf32>
        %get3A_279 = arith.index_cast %scan3A_182 : i32 to index
        %get3A_280 = arith.constant 48 : index
        %get3A_281 = tpu.vector_load %arg14[%get3A_279, %get3A_280] {strides = array<i32>} : memref<125x128xf32, #tpu.memory_space<vmem>>, vector<1x16xf32>,
        %get3A_282 = vector.shape_cast %get3A_281 : vector<1x16xf32> to vector<16xf32>
        %mul3A_283 = vector.broadcast %squeeze3A_278 : f32 to vector<16xf32>
        %mul3A_284 = arith.mulf %mul3A_283, %get3A_282 : vector<16xf32>
        %slice3A_285 = vector.extract_strided_slice %get3A_186 {offsets = [12], sizes = [1], strides = [1]} : vector<16xf32> to vector<1xf32>
        %squeeze3A_286 = vector.extract %slice3A_285[0] : f32 from vector<1xf32>
        %get3A_287 = arith.index_cast %scan3A_182 : i32 to index
        %get3A_288 = arith.constant 64 : index
        %get3A_289 = tpu.vector_load %arg14[%get3A_287, %get3A_288] {strides = array<i32>} : memref<125x128xf32, #tpu.memory_space<vmem>>, vector<1x16xf32>,
        %get3A_290 = vector.shape_cast %get3A_289 : vector<1x16xf32> to vector<16xf32>
        %mul3A_291 = vector.broadcast %squeeze3A_286 : f32 to vector<16xf32>
        %mul3A_292 = arith.mulf %mul3A_291, %get3A_290 : vector<16xf32>
        %slice3A_293 = vector.extract_strided_slice %get3A_186 {offsets = [13], sizes = [1], strides = [1]} : vector<16xf32> to vector<1xf32>
        %squeeze3A_294 = vector.extract %slice3A_293[0] : f32 from vector<1xf32>
        %get3A_295 = arith.index_cast %scan3A_182 : i32 to index
        %get3A_296 = arith.constant 80 : index
        %get3A_297 = tpu.vector_load %arg14[%get3A_295, %get3A_296] {strides = array<i32>} : memref<125x128xf32, #tpu.memory_space<vmem>>, vector<1x16xf32>,
        %get3A_298 = vector.shape_cast %get3A_297 : vector<1x16xf32> to vector<16xf32>
        %mul3A_299 = vector.broadcast %squeeze3A_294 : f32 to vector<16xf32>
        %mul3A_300 = arith.mulf %mul3A_299, %get3A_298 : vector<16xf32>
        %slice3A_301 = vector.extract_strided_slice %get3A_186 {offsets = [14], sizes = [1], strides = [1]} : vector<16xf32> to vector<1xf32>
        %squeeze3A_302 = vector.extract %slice3A_301[0] : f32 from vector<1xf32>
        %get3A_303 = arith.index_cast %scan3A_182 : i32 to index
        %get3A_304 = arith.constant 96 : index
        %get3A_305 = tpu.vector_load %arg14[%get3A_303, %get3A_304] {strides = array<i32>} : memref<125x128xf32, #tpu.memory_space<vmem>>, vector<1x16xf32>,
        %get3A_306 = vector.shape_cast %get3A_305 : vector<1x16xf32> to vector<16xf32>
        %mul3A_307 = vector.broadcast %squeeze3A_302 : f32 to vector<16xf32>
        %mul3A_308 = arith.mulf %mul3A_307, %get3A_306 : vector<16xf32>
        %slice3A_309 = vector.extract_strided_slice %get3A_186 {offsets = [15], sizes = [1], strides = [1]} : vector<16xf32> to vector<1xf32>
        %squeeze3A_310 = vector.extract %slice3A_309[0] : f32 from vector<1xf32>
        %get3A_311 = arith.index_cast %scan3A_182 : i32 to index
        %get3A_312 = arith.constant 112 : index
        %get3A_313 = tpu.vector_load %arg14[%get3A_311, %get3A_312] {strides = array<i32>} : memref<125x128xf32, #tpu.memory_space<vmem>>, vector<1x16xf32>,
        %get3A_314 = vector.shape_cast %get3A_313 : vector<1x16xf32> to vector<16xf32>
        %mul3A_315 = vector.broadcast %squeeze3A_310 : f32 to vector<16xf32>
        %mul3A_316 = arith.mulf %mul3A_315, %get3A_314 : vector<16xf32>
        %add3A_317 = arith.addf %get3A_190, %mul3A_196 : vector<16xf32>
        %add3A_318 = arith.addf %mul3A_204, %mul3A_212 : vector<16xf32>
        %add3A_319 = arith.addf %mul3A_220, %mul3A_228 : vector<16xf32>
        %add3A_320 = arith.addf %mul3A_236, %mul3A_244 : vector<16xf32>
        %add3A_321 = arith.addf %mul3A_252, %mul3A_260 : vector<16xf32>
        %add3A_322 = arith.addf %mul3A_268, %mul3A_276 : vector<16xf32>
        %add3A_323 = arith.addf %mul3A_284, %mul3A_292 : vector<16xf32>
        %add3A_324 = arith.addf %mul3A_300, %mul3A_308 : vector<16xf32>
        %add3A_325 = arith.addf %add3A_317, %add3A_318 : vector<16xf32>
        %add3A_326 = arith.addf %add3A_319, %add3A_320 : vector<16xf32>
        %add3A_327 = arith.addf %add3A_321, %add3A_322 : vector<16xf32>
        %add3A_328 = arith.addf %add3A_323, %add3A_324 : vector<16xf32>
        %add3A_329 = arith.addf %add3A_325, %add3A_326 : vector<16xf32>
        %add3A_330 = arith.addf %add3A_327, %add3A_328 : vector<16xf32>
        %add3A_331 = arith.addf %add3A_329, %add3A_330 : vector<16xf32>
        %add3A_332 = arith.addf %add3A_331, %mul3A_316 : vector<16xf32>
        %swap3A = arith.index_cast %scan3A_182 : i32 to index
        %swap3A_333 = arith.constant 0 : index
        %swap3A_334 = tpu.vector_load %arg20[%swap3A, %swap3A_333] {strides = array<i32>} : memref<125x16xf32, #tpu.memory_space<vmem>>, vector<1x16xf32>,
        %swap3A_335 = vector.shape_cast %swap3A_334 : vector<1x16xf32> to vector<16xf32>
        %swap3A_336 = vector.shape_cast %add3A_332 : vector<16xf32> to vector<1x16xf32>
        tpu.vector_store %arg20[%swap3A, %swap3A_333], %swap3A_336 {strides = array<i32>} : memref<125x16xf32, #tpu.memory_space<vmem>>, vector<1x16xf32>,
        %scan3A_337 = arith.constant 1 : i32
        %scan3A_338 = arith.addi %scan3A_182, %scan3A_337 : i32
        %mul3A_339 = arith.constant 16 : i32
        %mul3A_340 = arith.muli %scan3A_338, %mul3A_339 : i32
        %get3A_341 = arith.index_cast %mul3A_340 : i32 to index
        %get3A_342 = tpu.vector_load %arg18[%get3A_341] {strides = array<i32>} : memref<2000xf32, #tpu.memory_space<vmem>>, vector<16xf32>,
        %get3A_343 = vector.shape_cast %get3A_342 : vector<16xf32> to vector<16xf32>
        %get3A_344 = arith.index_cast %scan3A_338 : i32 to index
        %get3A_345 = arith.constant 0 : index
        %get3A_346 = tpu.vector_load %arg16[%get3A_344, %get3A_345] {strides = array<i32>} : memref<125x16xf32, #tpu.memory_space<vmem>>, vector<1x16xf32>,
        %get3A_347 = vector.shape_cast %get3A_346 : vector<1x16xf32> to vector<16xf32>
        %slice3A_348 = vector.extract_strided_slice %get3A_343 {offsets = [0], sizes = [1], strides = [1]} : vector<16xf32> to vector<1xf32>
        %squeeze3A_349 = vector.extract %slice3A_348[0] : f32 from vector<1xf32>
        %get3A_350 = arith.index_cast %scan3A_338 : i32 to index
        %get3A_351 = arith.constant 0 : index
        %get3A_352 = tpu.vector_load %arg12[%get3A_350, %get3A_351] {strides = array<i32>} : memref<125x128xf32, #tpu.memory_space<vmem>>, vector<1x16xf32>,
        %get3A_353 = vector.shape_cast %get3A_352 : vector<1x16xf32> to vector<16xf32>
        %mul3A_354 = vector.broadcast %squeeze3A_349 : f32 to vector<16xf32>
        %mul3A_355 = arith.mulf %mul3A_354, %get3A_353 : vector<16xf32>
        %slice3A_356 = vector.extract_strided_slice %get3A_343 {offsets = [1], sizes = [1], strides = [1]} : vector<16xf32> to vector<1xf32>
        %squeeze3A_357 = vector.extract %slice3A_356[0] : f32 from vector<1xf32>
        %get3A_358 = arith.index_cast %scan3A_338 : i32 to index
        %get3A_359 = arith.constant 16 : index
        %get3A_360 = tpu.vector_load %arg12[%get3A_358, %get3A_359] {strides = array<i32>} : memref<125x128xf32, #tpu.memory_space<vmem>>, vector<1x16xf32>,
        %get3A_361 = vector.shape_cast %get3A_360 : vector<1x16xf32> to vector<16xf32>
        %mul3A_362 = vector.broadcast %squeeze3A_357 : f32 to vector<16xf32>
        %mul3A_363 = arith.mulf %mul3A_362, %get3A_361 : vector<16xf32>
        %slice3A_364 = vector.extract_strided_slice %get3A_343 {offsets = [2], sizes = [1], strides = [1]} : vector<16xf32> to vector<1xf32>
        %squeeze3A_365 = vector.extract %slice3A_364[0] : f32 from vector<1xf32>
        %get3A_366 = arith.index_cast %scan3A_338 : i32 to index
        %get3A_367 = arith.constant 32 : index
        %get3A_368 = tpu.vector_load %arg12[%get3A_366, %get3A_367] {strides = array<i32>} : memref<125x128xf32, #tpu.memory_space<vmem>>, vector<1x16xf32>,
        %get3A_369 = vector.shape_cast %get3A_368 : vector<1x16xf32> to vector<16xf32>
        %mul3A_370 = vector.broadcast %squeeze3A_365 : f32 to vector<16xf32>
        %mul3A_371 = arith.mulf %mul3A_370, %get3A_369 : vector<16xf32>
        %slice3A_372 = vector.extract_strided_slice %get3A_343 {offsets = [3], sizes = [1], strides = [1]} : vector<16xf32> to vector<1xf32>
        %squeeze3A_373 = vector.extract %slice3A_372[0] : f32 from vector<1xf32>
        %get3A_374 = arith.index_cast %scan3A_338 : i32 to index
        %get3A_375 = arith.constant 48 : index
        %get3A_376 = tpu.vector_load %arg12[%get3A_374, %get3A_375] {strides = array<i32>} : memref<125x128xf32, #tpu.memory_space<vmem>>, vector<1x16xf32>,
        %get3A_377 = vector.shape_cast %get3A_376 : vector<1x16xf32> to vector<16xf32>
        %mul3A_378 = vector.broadcast %squeeze3A_373 : f32 to vector<16xf32>
        %mul3A_379 = arith.mulf %mul3A_378, %get3A_377 : vector<16xf32>
        %slice3A_380 = vector.extract_strided_slice %get3A_343 {offsets = [4], sizes = [1], strides = [1]} : vector<16xf32> to vector<1xf32>
        %squeeze3A_381 = vector.extract %slice3A_380[0] : f32 from vector<1xf32>
        %get3A_382 = arith.index_cast %scan3A_338 : i32 to index
        %get3A_383 = arith.constant 64 : index
        %get3A_384 = tpu.vector_load %arg12[%get3A_382, %get3A_383] {strides = array<i32>} : memref<125x128xf32, #tpu.memory_space<vmem>>, vector<1x16xf32>,
        %get3A_385 = vector.shape_cast %get3A_384 : vector<1x16xf32> to vector<16xf32>
        %mul3A_386 = vector.broadcast %squeeze3A_381 : f32 to vector<16xf32>
        %mul3A_387 = arith.mulf %mul3A_386, %get3A_385 : vector<16xf32>
        %slice3A_388 = vector.extract_strided_slice %get3A_343 {offsets = [5], sizes = [1], strides = [1]} : vector<16xf32> to vector<1xf32>
        %squeeze3A_389 = vector.extract %slice3A_388[0] : f32 from vector<1xf32>
        %get3A_390 = arith.index_cast %scan3A_338 : i32 to index
        %get3A_391 = arith.constant 80 : index
        %get3A_392 = tpu.vector_load %arg12[%get3A_390, %get3A_391] {strides = array<i32>} : memref<125x128xf32, #tpu.memory_space<vmem>>, vector<1x16xf32>,
        %get3A_393 = vector.shape_cast %get3A_392 : vector<1x16xf32> to vector<16xf32>
        %mul3A_394 = vector.broadcast %squeeze3A_389 : f32 to vector<16xf32>
        %mul3A_395 = arith.mulf %mul3A_394, %get3A_393 : vector<16xf32>
        %slice3A_396 = vector.extract_strided_slice %get3A_343 {offsets = [6], sizes = [1], strides = [1]} : vector<16xf32> to vector<1xf32>
        %squeeze3A_397 = vector.extract %slice3A_396[0] : f32 from vector<1xf32>
        %get3A_398 = arith.index_cast %scan3A_338 : i32 to index
        %get3A_399 = arith.constant 96 : index
        %get3A_400 = tpu.vector_load %arg12[%get3A_398, %get3A_399] {strides = array<i32>} : memref<125x128xf32, #tpu.memory_space<vmem>>, vector<1x16xf32>,
        %get3A_401 = vector.shape_cast %get3A_400 : vector<1x16xf32> to vector<16xf32>
        %mul3A_402 = vector.broadcast %squeeze3A_397 : f32 to vector<16xf32>
        %mul3A_403 = arith.mulf %mul3A_402, %get3A_401 : vector<16xf32>
        %slice3A_404 = vector.extract_strided_slice %get3A_343 {offsets = [7], sizes = [1], strides = [1]} : vector<16xf32> to vector<1xf32>
        %squeeze3A_405 = vector.extract %slice3A_404[0] : f32 from vector<1xf32>
        %get3A_406 = arith.index_cast %scan3A_338 : i32 to index
        %get3A_407 = arith.constant 112 : index
        %get3A_408 = tpu.vector_load %arg12[%get3A_406, %get3A_407] {strides = array<i32>} : memref<125x128xf32, #tpu.memory_space<vmem>>, vector<1x16xf32>,
        %get3A_409 = vector.shape_cast %get3A_408 : vector<1x16xf32> to vector<16xf32>
        %mul3A_410 = vector.broadcast %squeeze3A_405 : f32 to vector<16xf32>
        %mul3A_411 = arith.mulf %mul3A_410, %get3A_409 : vector<16xf32>
        %slice3A_412 = vector.extract_strided_slice %get3A_343 {offsets = [8], sizes = [1], strides = [1]} : vector<16xf32> to vector<1xf32>
        %squeeze3A_413 = vector.extract %slice3A_412[0] : f32 from vector<1xf32>
        %get3A_414 = arith.index_cast %scan3A_338 : i32 to index
        %get3A_415 = arith.constant 0 : index
        %get3A_416 = tpu.vector_load %arg14[%get3A_414, %get3A_415] {strides = array<i32>} : memref<125x128xf32, #tpu.memory_space<vmem>>, vector<1x16xf32>,
        %get3A_417 = vector.shape_cast %get3A_416 : vector<1x16xf32> to vector<16xf32>
        %mul3A_418 = vector.broadcast %squeeze3A_413 : f32 to vector<16xf32>
        %mul3A_419 = arith.mulf %mul3A_418, %get3A_417 : vector<16xf32>
        %slice3A_420 = vector.extract_strided_slice %get3A_343 {offsets = [9], sizes = [1], strides = [1]} : vector<16xf32> to vector<1xf32>
        %squeeze3A_421 = vector.extract %slice3A_420[0] : f32 from vector<1xf32>
        %get3A_422 = arith.index_cast %scan3A_338 : i32 to index
        %get3A_423 = arith.constant 16 : index
        %get3A_424 = tpu.vector_load %arg14[%get3A_422, %get3A_423] {strides = array<i32>} : memref<125x128xf32, #tpu.memory_space<vmem>>, vector<1x16xf32>,
        %get3A_425 = vector.shape_cast %get3A_424 : vector<1x16xf32> to vector<16xf32>
        %mul3A_426 = vector.broadcast %squeeze3A_421 : f32 to vector<16xf32>
        %mul3A_427 = arith.mulf %mul3A_426, %get3A_425 : vector<16xf32>
        %slice3A_428 = vector.extract_strided_slice %get3A_343 {offsets = [10], sizes = [1], strides = [1]} : vector<16xf32> to vector<1xf32>
        %squeeze3A_429 = vector.extract %slice3A_428[0] : f32 from vector<1xf32>
        %get3A_430 = arith.index_cast %scan3A_338 : i32 to index
        %get3A_431 = arith.constant 32 : index
        %get3A_432 = tpu.vector_load %arg14[%get3A_430, %get3A_431] {strides = array<i32>} : memref<125x128xf32, #tpu.memory_space<vmem>>, vector<1x16xf32>,
        %get3A_433 = vector.shape_cast %get3A_432 : vector<1x16xf32> to vector<16xf32>
        %mul3A_434 = vector.broadcast %squeeze3A_429 : f32 to vector<16xf32>
        %mul3A_435 = arith.mulf %mul3A_434, %get3A_433 : vector<16xf32>
        %slice3A_436 = vector.extract_strided_slice %get3A_343 {offsets = [11], sizes = [1], strides = [1]} : vector<16xf32> to vector<1xf32>
        %squeeze3A_437 = vector.extract %slice3A_436[0] : f32 from vector<1xf32>
        %get3A_438 = arith.index_cast %scan3A_338 : i32 to index
        %get3A_439 = arith.constant 48 : index
        %get3A_440 = tpu.vector_load %arg14[%get3A_438, %get3A_439] {strides = array<i32>} : memref<125x128xf32, #tpu.memory_space<vmem>>, vector<1x16xf32>,
        %get3A_441 = vector.shape_cast %get3A_440 : vector<1x16xf32> to vector<16xf32>
        %mul3A_442 = vector.broadcast %squeeze3A_437 : f32 to vector<16xf32>
        %mul3A_443 = arith.mulf %mul3A_442, %get3A_441 : vector<16xf32>
        %slice3A_444 = vector.extract_strided_slice %get3A_343 {offsets = [12], sizes = [1], strides = [1]} : vector<16xf32> to vector<1xf32>
        %squeeze3A_445 = vector.extract %slice3A_444[0] : f32 from vector<1xf32>
        %get3A_446 = arith.index_cast %scan3A_338 : i32 to index
        %get3A_447 = arith.constant 64 : index
        %get3A_448 = tpu.vector_load %arg14[%get3A_446, %get3A_447] {strides = array<i32>} : memref<125x128xf32, #tpu.memory_space<vmem>>, vector<1x16xf32>,
        %get3A_449 = vector.shape_cast %get3A_448 : vector<1x16xf32> to vector<16xf32>
        %mul3A_450 = vector.broadcast %squeeze3A_445 : f32 to vector<16xf32>
        %mul3A_451 = arith.mulf %mul3A_450, %get3A_449 : vector<16xf32>
        %slice3A_452 = vector.extract_strided_slice %get3A_343 {offsets = [13], sizes = [1], strides = [1]} : vector<16xf32> to vector<1xf32>
        %squeeze3A_453 = vector.extract %slice3A_452[0] : f32 from vector<1xf32>
        %get3A_454 = arith.index_cast %scan3A_338 : i32 to index
        %get3A_455 = arith.constant 80 : index
        %get3A_456 = tpu.vector_load %arg14[%get3A_454, %get3A_455] {strides = array<i32>} : memref<125x128xf32, #tpu.memory_space<vmem>>, vector<1x16xf32>,
        %get3A_457 = vector.shape_cast %get3A_456 : vector<1x16xf32> to vector<16xf32>
        %mul3A_458 = vector.broadcast %squeeze3A_453 : f32 to vector<16xf32>
        %mul3A_459 = arith.mulf %mul3A_458, %get3A_457 : vector<16xf32>
        %slice3A_460 = vector.extract_strided_slice %get3A_343 {offsets = [14], sizes = [1], strides = [1]} : vector<16xf32> to vector<1xf32>
        %squeeze3A_461 = vector.extract %slice3A_460[0] : f32 from vector<1xf32>
        %get3A_462 = arith.index_cast %scan3A_338 : i32 to index
        %get3A_463 = arith.constant 96 : index
        %get3A_464 = tpu.vector_load %arg14[%get3A_462, %get3A_463] {strides = array<i32>} : memref<125x128xf32, #tpu.memory_space<vmem>>, vector<1x16xf32>,
        %get3A_465 = vector.shape_cast %get3A_464 : vector<1x16xf32> to vector<16xf32>
        %mul3A_466 = vector.broadcast %squeeze3A_461 : f32 to vector<16xf32>
        %mul3A_467 = arith.mulf %mul3A_466, %get3A_465 : vector<16xf32>
        %slice3A_468 = vector.extract_strided_slice %get3A_343 {offsets = [15], sizes = [1], strides = [1]} : vector<16xf32> to vector<1xf32>
        %squeeze3A_469 = vector.extract %slice3A_468[0] : f32 from vector<1xf32>
        %get3A_470 = arith.index_cast %scan3A_338 : i32 to index
        %get3A_471 = arith.constant 112 : index
        %get3A_472 = tpu.vector_load %arg14[%get3A_470, %get3A_471] {strides = array<i32>} : memref<125x128xf32, #tpu.memory_space<vmem>>, vector<1x16xf32>,
        %get3A_473 = vector.shape_cast %get3A_472 : vector<1x16xf32> to vector<16xf32>
        %mul3A_474 = vector.broadcast %squeeze3A_469 : f32 to vector<16xf32>
        %mul3A_475 = arith.mulf %mul3A_474, %get3A_473 : vector<16xf32>
        %add3A_476 = arith.addf %get3A_347, %mul3A_355 : vector<16xf32>
        %add3A_477 = arith.addf %mul3A_363, %mul3A_371 : vector<16xf32>
        %add3A_478 = arith.addf %mul3A_379, %mul3A_387 : vector<16xf32>
        %add3A_479 = arith.addf %mul3A_395, %mul3A_403 : vector<16xf32>
        %add3A_480 = arith.addf %mul3A_411, %mul3A_419 : vector<16xf32>
        %add3A_481 = arith.addf %mul3A_427, %mul3A_435 : vector<16xf32>
        %add3A_482 = arith.addf %mul3A_443, %mul3A_451 : vector<16xf32>
        %add3A_483 = arith.addf %mul3A_459, %mul3A_467 : vector<16xf32>
        %add3A_484 = arith.addf %add3A_476, %add3A_477 : vector<16xf32>
        %add3A_485 = arith.addf %add3A_478, %add3A_479 : vector<16xf32>
        %add3A_486 = arith.addf %add3A_480, %add3A_481 : vector<16xf32>
        %add3A_487 = arith.addf %add3A_482, %add3A_483 : vector<16xf32>
        %add3A_488 = arith.addf %add3A_484, %add3A_485 : vector<16xf32>
        %add3A_489 = arith.addf %add3A_486, %add3A_487 : vector<16xf32>
        %add3A_490 = arith.addf %add3A_488, %add3A_489 : vector<16xf32>
        %add3A_491 = arith.addf %add3A_490, %mul3A_475 : vector<16xf32>
        %swap3A_492 = arith.index_cast %scan3A_338 : i32 to index
        %swap3A_493 = arith.constant 0 : index
        %swap3A_494 = tpu.vector_load %arg20[%swap3A_492, %swap3A_493] {strides = array<i32>} : memref<125x16xf32, #tpu.memory_space<vmem>>, vector<1x16xf32>,
        %swap3A_495 = vector.shape_cast %swap3A_494 : vector<1x16xf32> to vector<16xf32>
        %swap3A_496 = vector.shape_cast %add3A_491 : vector<16xf32> to vector<1x16xf32>
        tpu.vector_store %arg20[%swap3A_492, %swap3A_493], %swap3A_496 {strides = array<i32>} : memref<125x16xf32, #tpu.memory_space<vmem>>, vector<1x16xf32>,
        %scan3A_497 = arith.constant 2 : i32
        %scan3A_498 = arith.addi %scan3A_182, %scan3A_497 : i32
        %mul3A_499 = arith.constant 16 : i32
        %mul3A_500 = arith.muli %scan3A_498, %mul3A_499 : i32
        %get3A_501 = arith.index_cast %mul3A_500 : i32 to index
        %get3A_502 = tpu.vector_load %arg18[%get3A_501] {strides = array<i32>} : memref<2000xf32, #tpu.memory_space<vmem>>, vector<16xf32>,
        %get3A_503 = vector.shape_cast %get3A_502 : vector<16xf32> to vector<16xf32>
        %get3A_504 = arith.index_cast %scan3A_498 : i32 to index
        %get3A_505 = arith.constant 0 : index
        %get3A_506 = tpu.vector_load %arg16[%get3A_504, %get3A_505] {strides = array<i32>} : memref<125x16xf32, #tpu.memory_space<vmem>>, vector<1x16xf32>,
        %get3A_507 = vector.shape_cast %get3A_506 : vector<1x16xf32> to vector<16xf32>
        %slice3A_508 = vector.extract_strided_slice %get3A_503 {offsets = [0], sizes = [1], strides = [1]} : vector<16xf32> to vector<1xf32>
        %squeeze3A_509 = vector.extract %slice3A_508[0] : f32 from vector<1xf32>
        %get3A_510 = arith.index_cast %scan3A_498 : i32 to index
        %get3A_511 = arith.constant 0 : index
        %get3A_512 = tpu.vector_load %arg12[%get3A_510, %get3A_511] {strides = array<i32>} : memref<125x128xf32, #tpu.memory_space<vmem>>, vector<1x16xf32>,
        %get3A_513 = vector.shape_cast %get3A_512 : vector<1x16xf32> to vector<16xf32>
        %mul3A_514 = vector.broadcast %squeeze3A_509 : f32 to vector<16xf32>
        %mul3A_515 = arith.mulf %mul3A_514, %get3A_513 : vector<16xf32>
        %slice3A_516 = vector.extract_strided_slice %get3A_503 {offsets = [1], sizes = [1], strides = [1]} : vector<16xf32> to vector<1xf32>
        %squeeze3A_517 = vector.extract %slice3A_516[0] : f32 from vector<1xf32>
        %get3A_518 = arith.index_cast %scan3A_498 : i32 to index
        %get3A_519 = arith.constant 16 : index
        %get3A_520 = tpu.vector_load %arg12[%get3A_518, %get3A_519] {strides = array<i32>} : memref<125x128xf32, #tpu.memory_space<vmem>>, vector<1x16xf32>,
        %get3A_521 = vector.shape_cast %get3A_520 : vector<1x16xf32> to vector<16xf32>
        %mul3A_522 = vector.broadcast %squeeze3A_517 : f32 to vector<16xf32>
        %mul3A_523 = arith.mulf %mul3A_522, %get3A_521 : vector<16xf32>
        %slice3A_524 = vector.extract_strided_slice %get3A_503 {offsets = [2], sizes = [1], strides = [1]} : vector<16xf32> to vector<1xf32>
        %squeeze3A_525 = vector.extract %slice3A_524[0] : f32 from vector<1xf32>
        %get3A_526 = arith.index_cast %scan3A_498 : i32 to index
        %get3A_527 = arith.constant 32 : index
        %get3A_528 = tpu.vector_load %arg12[%get3A_526, %get3A_527] {strides = array<i32>} : memref<125x128xf32, #tpu.memory_space<vmem>>, vector<1x16xf32>,
        %get3A_529 = vector.shape_cast %get3A_528 : vector<1x16xf32> to vector<16xf32>
        %mul3A_530 = vector.broadcast %squeeze3A_525 : f32 to vector<16xf32>
        %mul3A_531 = arith.mulf %mul3A_530, %get3A_529 : vector<16xf32>
        %slice3A_532 = vector.extract_strided_slice %get3A_503 {offsets = [3], sizes = [1], strides = [1]} : vector<16xf32> to vector<1xf32>
        %squeeze3A_533 = vector.extract %slice3A_532[0] : f32 from vector<1xf32>
        %get3A_534 = arith.index_cast %scan3A_498 : i32 to index
        %get3A_535 = arith.constant 48 : index
        %get3A_536 = tpu.vector_load %arg12[%get3A_534, %get3A_535] {strides = array<i32>} : memref<125x128xf32, #tpu.memory_space<vmem>>, vector<1x16xf32>,
        %get3A_537 = vector.shape_cast %get3A_536 : vector<1x16xf32> to vector<16xf32>
        %mul3A_538 = vector.broadcast %squeeze3A_533 : f32 to vector<16xf32>
        %mul3A_539 = arith.mulf %mul3A_538, %get3A_537 : vector<16xf32>
        %slice3A_540 = vector.extract_strided_slice %get3A_503 {offsets = [4], sizes = [1], strides = [1]} : vector<16xf32> to vector<1xf32>
        %squeeze3A_541 = vector.extract %slice3A_540[0] : f32 from vector<1xf32>
        %get3A_542 = arith.index_cast %scan3A_498 : i32 to index
        %get3A_543 = arith.constant 64 : index
        %get3A_544 = tpu.vector_load %arg12[%get3A_542, %get3A_543] {strides = array<i32>} : memref<125x128xf32, #tpu.memory_space<vmem>>, vector<1x16xf32>,
        %get3A_545 = vector.shape_cast %get3A_544 : vector<1x16xf32> to vector<16xf32>
        %mul3A_546 = vector.broadcast %squeeze3A_541 : f32 to vector<16xf32>
        %mul3A_547 = arith.mulf %mul3A_546, %get3A_545 : vector<16xf32>
        %slice3A_548 = vector.extract_strided_slice %get3A_503 {offsets = [5], sizes = [1], strides = [1]} : vector<16xf32> to vector<1xf32>
        %squeeze3A_549 = vector.extract %slice3A_548[0] : f32 from vector<1xf32>
        %get3A_550 = arith.index_cast %scan3A_498 : i32 to index
        %get3A_551 = arith.constant 80 : index
        %get3A_552 = tpu.vector_load %arg12[%get3A_550, %get3A_551] {strides = array<i32>} : memref<125x128xf32, #tpu.memory_space<vmem>>, vector<1x16xf32>,
        %get3A_553 = vector.shape_cast %get3A_552 : vector<1x16xf32> to vector<16xf32>
        %mul3A_554 = vector.broadcast %squeeze3A_549 : f32 to vector<16xf32>
        %mul3A_555 = arith.mulf %mul3A_554, %get3A_553 : vector<16xf32>
        %slice3A_556 = vector.extract_strided_slice %get3A_503 {offsets = [6], sizes = [1], strides = [1]} : vector<16xf32> to vector<1xf32>
        %squeeze3A_557 = vector.extract %slice3A_556[0] : f32 from vector<1xf32>
        %get3A_558 = arith.index_cast %scan3A_498 : i32 to index
        %get3A_559 = arith.constant 96 : index
        %get3A_560 = tpu.vector_load %arg12[%get3A_558, %get3A_559] {strides = array<i32>} : memref<125x128xf32, #tpu.memory_space<vmem>>, vector<1x16xf32>,
        %get3A_561 = vector.shape_cast %get3A_560 : vector<1x16xf32> to vector<16xf32>
        %mul3A_562 = vector.broadcast %squeeze3A_557 : f32 to vector<16xf32>
        %mul3A_563 = arith.mulf %mul3A_562, %get3A_561 : vector<16xf32>
        %slice3A_564 = vector.extract_strided_slice %get3A_503 {offsets = [7], sizes = [1], strides = [1]} : vector<16xf32> to vector<1xf32>
        %squeeze3A_565 = vector.extract %slice3A_564[0] : f32 from vector<1xf32>
        %get3A_566 = arith.index_cast %scan3A_498 : i32 to index
        %get3A_567 = arith.constant 112 : index
        %get3A_568 = tpu.vector_load %arg12[%get3A_566, %get3A_567] {strides = array<i32>} : memref<125x128xf32, #tpu.memory_space<vmem>>, vector<1x16xf32>,
        %get3A_569 = vector.shape_cast %get3A_568 : vector<1x16xf32> to vector<16xf32>
        %mul3A_570 = vector.broadcast %squeeze3A_565 : f32 to vector<16xf32>
        %mul3A_571 = arith.mulf %mul3A_570, %get3A_569 : vector<16xf32>
        %slice3A_572 = vector.extract_strided_slice %get3A_503 {offsets = [8], sizes = [1], strides = [1]} : vector<16xf32> to vector<1xf32>
        %squeeze3A_573 = vector.extract %slice3A_572[0] : f32 from vector<1xf32>
        %get3A_574 = arith.index_cast %scan3A_498 : i32 to index
        %get3A_575 = arith.constant 0 : index
        %get3A_576 = tpu.vector_load %arg14[%get3A_574, %get3A_575] {strides = array<i32>} : memref<125x128xf32, #tpu.memory_space<vmem>>, vector<1x16xf32>,
        %get3A_577 = vector.shape_cast %get3A_576 : vector<1x16xf32> to vector<16xf32>
        %mul3A_578 = vector.broadcast %squeeze3A_573 : f32 to vector<16xf32>
        %mul3A_579 = arith.mulf %mul3A_578, %get3A_577 : vector<16xf32>
        %slice3A_580 = vector.extract_strided_slice %get3A_503 {offsets = [9], sizes = [1], strides = [1]} : vector<16xf32> to vector<1xf32>
        %squeeze3A_581 = vector.extract %slice3A_580[0] : f32 from vector<1xf32>
        %get3A_582 = arith.index_cast %scan3A_498 : i32 to index
        %get3A_583 = arith.constant 16 : index
        %get3A_584 = tpu.vector_load %arg14[%get3A_582, %get3A_583] {strides = array<i32>} : memref<125x128xf32, #tpu.memory_space<vmem>>, vector<1x16xf32>,
        %get3A_585 = vector.shape_cast %get3A_584 : vector<1x16xf32> to vector<16xf32>
        %mul3A_586 = vector.broadcast %squeeze3A_581 : f32 to vector<16xf32>
        %mul3A_587 = arith.mulf %mul3A_586, %get3A_585 : vector<16xf32>
        %slice3A_588 = vector.extract_strided_slice %get3A_503 {offsets = [10], sizes = [1], strides = [1]} : vector<16xf32> to vector<1xf32>
        %squeeze3A_589 = vector.extract %slice3A_588[0] : f32 from vector<1xf32>
        %get3A_590 = arith.index_cast %scan3A_498 : i32 to index
        %get3A_591 = arith.constant 32 : index
        %get3A_592 = tpu.vector_load %arg14[%get3A_590, %get3A_591] {strides = array<i32>} : memref<125x128xf32, #tpu.memory_space<vmem>>, vector<1x16xf32>,
        %get3A_593 = vector.shape_cast %get3A_592 : vector<1x16xf32> to vector<16xf32>
        %mul3A_594 = vector.broadcast %squeeze3A_589 : f32 to vector<16xf32>
        %mul3A_595 = arith.mulf %mul3A_594, %get3A_593 : vector<16xf32>
        %slice3A_596 = vector.extract_strided_slice %get3A_503 {offsets = [11], sizes = [1], strides = [1]} : vector<16xf32> to vector<1xf32>
        %squeeze3A_597 = vector.extract %slice3A_596[0] : f32 from vector<1xf32>
        %get3A_598 = arith.index_cast %scan3A_498 : i32 to index
        %get3A_599 = arith.constant 48 : index
        %get3A_600 = tpu.vector_load %arg14[%get3A_598, %get3A_599] {strides = array<i32>} : memref<125x128xf32, #tpu.memory_space<vmem>>, vector<1x16xf32>,
        %get3A_601 = vector.shape_cast %get3A_600 : vector<1x16xf32> to vector<16xf32>
        %mul3A_602 = vector.broadcast %squeeze3A_597 : f32 to vector<16xf32>
        %mul3A_603 = arith.mulf %mul3A_602, %get3A_601 : vector<16xf32>
        %slice3A_604 = vector.extract_strided_slice %get3A_503 {offsets = [12], sizes = [1], strides = [1]} : vector<16xf32> to vector<1xf32>
        %squeeze3A_605 = vector.extract %slice3A_604[0] : f32 from vector<1xf32>
        %get3A_606 = arith.index_cast %scan3A_498 : i32 to index
        %get3A_607 = arith.constant 64 : index
        %get3A_608 = tpu.vector_load %arg14[%get3A_606, %get3A_607] {strides = array<i32>} : memref<125x128xf32, #tpu.memory_space<vmem>>, vector<1x16xf32>,
        %get3A_609 = vector.shape_cast %get3A_608 : vector<1x16xf32> to vector<16xf32>
        %mul3A_610 = vector.broadcast %squeeze3A_605 : f32 to vector<16xf32>
        %mul3A_611 = arith.mulf %mul3A_610, %get3A_609 : vector<16xf32>
        %slice3A_612 = vector.extract_strided_slice %get3A_503 {offsets = [13], sizes = [1], strides = [1]} : vector<16xf32> to vector<1xf32>
        %squeeze3A_613 = vector.extract %slice3A_612[0] : f32 from vector<1xf32>
        %get3A_614 = arith.index_cast %scan3A_498 : i32 to index
        %get3A_615 = arith.constant 80 : index
        %get3A_616 = tpu.vector_load %arg14[%get3A_614, %get3A_615] {strides = array<i32>} : memref<125x128xf32, #tpu.memory_space<vmem>>, vector<1x16xf32>,
        %get3A_617 = vector.shape_cast %get3A_616 : vector<1x16xf32> to vector<16xf32>
        %mul3A_618 = vector.broadcast %squeeze3A_613 : f32 to vector<16xf32>
        %mul3A_619 = arith.mulf %mul3A_618, %get3A_617 : vector<16xf32>
        %slice3A_620 = vector.extract_strided_slice %get3A_503 {offsets = [14], sizes = [1], strides = [1]} : vector<16xf32> to vector<1xf32>
        %squeeze3A_621 = vector.extract %slice3A_620[0] : f32 from vector<1xf32>
        %get3A_622 = arith.index_cast %scan3A_498 : i32 to index
        %get3A_623 = arith.constant 96 : index
        %get3A_624 = tpu.vector_load %arg14[%get3A_622, %get3A_623] {strides = array<i32>} : memref<125x128xf32, #tpu.memory_space<vmem>>, vector<1x16xf32>,
        %get3A_625 = vector.shape_cast %get3A_624 : vector<1x16xf32> to vector<16xf32>
        %mul3A_626 = vector.broadcast %squeeze3A_621 : f32 to vector<16xf32>
        %mul3A_627 = arith.mulf %mul3A_626, %get3A_625 : vector<16xf32>
        %slice3A_628 = vector.extract_strided_slice %get3A_503 {offsets = [15], sizes = [1], strides = [1]} : vector<16xf32> to vector<1xf32>
        %squeeze3A_629 = vector.extract %slice3A_628[0] : f32 from vector<1xf32>
        %get3A_630 = arith.index_cast %scan3A_498 : i32 to index
        %get3A_631 = arith.constant 112 : index
        %get3A_632 = tpu.vector_load %arg14[%get3A_630, %get3A_631] {strides = array<i32>} : memref<125x128xf32, #tpu.memory_space<vmem>>, vector<1x16xf32>,
        %get3A_633 = vector.shape_cast %get3A_632 : vector<1x16xf32> to vector<16xf32>
        %mul3A_634 = vector.broadcast %squeeze3A_629 : f32 to vector<16xf32>
        %mul3A_635 = arith.mulf %mul3A_634, %get3A_633 : vector<16xf32>
        %add3A_636 = arith.addf %get3A_507, %mul3A_515 : vector<16xf32>
        %add3A_637 = arith.addf %mul3A_523, %mul3A_531 : vector<16xf32>
        %add3A_638 = arith.addf %mul3A_539, %mul3A_547 : vector<16xf32>
        %add3A_639 = arith.addf %mul3A_555, %mul3A_563 : vector<16xf32>
        %add3A_640 = arith.addf %mul3A_571, %mul3A_579 : vector<16xf32>
        %add3A_641 = arith.addf %mul3A_587, %mul3A_595 : vector<16xf32>
        %add3A_642 = arith.addf %mul3A_603, %mul3A_611 : vector<16xf32>
        %add3A_643 = arith.addf %mul3A_619, %mul3A_627 : vector<16xf32>
        %add3A_644 = arith.addf %add3A_636, %add3A_637 : vector<16xf32>
        %add3A_645 = arith.addf %add3A_638, %add3A_639 : vector<16xf32>
        %add3A_646 = arith.addf %add3A_640, %add3A_641 : vector<16xf32>
        %add3A_647 = arith.addf %add3A_642, %add3A_643 : vector<16xf32>
        %add3A_648 = arith.addf %add3A_644, %add3A_645 : vector<16xf32>
        %add3A_649 = arith.addf %add3A_646, %add3A_647 : vector<16xf32>
        %add3A_650 = arith.addf %add3A_648, %add3A_649 : vector<16xf32>
        %add3A_651 = arith.addf %add3A_650, %mul3A_635 : vector<16xf32>
        %swap3A_652 = arith.index_cast %scan3A_498 : i32 to index
        %swap3A_653 = arith.constant 0 : index
        %swap3A_654 = tpu.vector_load %arg20[%swap3A_652, %swap3A_653] {strides = array<i32>} : memref<125x16xf32, #tpu.memory_space<vmem>>, vector<1x16xf32>,
        %swap3A_655 = vector.shape_cast %swap3A_654 : vector<1x16xf32> to vector<16xf32>
        %swap3A_656 = vector.shape_cast %add3A_651 : vector<16xf32> to vector<1x16xf32>
        tpu.vector_store %arg20[%swap3A_652, %swap3A_653], %swap3A_656 {strides = array<i32>} : memref<125x16xf32, #tpu.memory_space<vmem>>, vector<1x16xf32>,
        %scan3A_657 = arith.constant 3 : i32
        %scan3A_658 = arith.addi %scan3A_182, %scan3A_657 : i32
        %mul3A_659 = arith.constant 16 : i32
        %mul3A_660 = arith.muli %scan3A_658, %mul3A_659 : i32
        %get3A_661 = arith.index_cast %mul3A_660 : i32 to index
        %get3A_662 = tpu.vector_load %arg18[%get3A_661] {strides = array<i32>} : memref<2000xf32, #tpu.memory_space<vmem>>, vector<16xf32>,
        %get3A_663 = vector.shape_cast %get3A_662 : vector<16xf32> to vector<16xf32>
        %get3A_664 = arith.index_cast %scan3A_658 : i32 to index
        %get3A_665 = arith.constant 0 : index
        %get3A_666 = tpu.vector_load %arg16[%get3A_664, %get3A_665] {strides = array<i32>} : memref<125x16xf32, #tpu.memory_space<vmem>>, vector<1x16xf32>,
        %get3A_667 = vector.shape_cast %get3A_666 : vector<1x16xf32> to vector<16xf32>
        %slice3A_668 = vector.extract_strided_slice %get3A_663 {offsets = [0], sizes = [1], strides = [1]} : vector<16xf32> to vector<1xf32>
        %squeeze3A_669 = vector.extract %slice3A_668[0] : f32 from vector<1xf32>
        %get3A_670 = arith.index_cast %scan3A_658 : i32 to index
        %get3A_671 = arith.constant 0 : index
        %get3A_672 = tpu.vector_load %arg12[%get3A_670, %get3A_671] {strides = array<i32>} : memref<125x128xf32, #tpu.memory_space<vmem>>, vector<1x16xf32>,
        %get3A_673 = vector.shape_cast %get3A_672 : vector<1x16xf32> to vector<16xf32>
        %mul3A_674 = vector.broadcast %squeeze3A_669 : f32 to vector<16xf32>
        %mul3A_675 = arith.mulf %mul3A_674, %get3A_673 : vector<16xf32>
        %slice3A_676 = vector.extract_strided_slice %get3A_663 {offsets = [1], sizes = [1], strides = [1]} : vector<16xf32> to vector<1xf32>
        %squeeze3A_677 = vector.extract %slice3A_676[0] : f32 from vector<1xf32>
        %get3A_678 = arith.index_cast %scan3A_658 : i32 to index
        %get3A_679 = arith.constant 16 : index
        %get3A_680 = tpu.vector_load %arg12[%get3A_678, %get3A_679] {strides = array<i32>} : memref<125x128xf32, #tpu.memory_space<vmem>>, vector<1x16xf32>,
        %get3A_681 = vector.shape_cast %get3A_680 : vector<1x16xf32> to vector<16xf32>
        %mul3A_682 = vector.broadcast %squeeze3A_677 : f32 to vector<16xf32>
        %mul3A_683 = arith.mulf %mul3A_682, %get3A_681 : vector<16xf32>
        %slice3A_684 = vector.extract_strided_slice %get3A_663 {offsets = [2], sizes = [1], strides = [1]} : vector<16xf32> to vector<1xf32>
        %squeeze3A_685 = vector.extract %slice3A_684[0] : f32 from vector<1xf32>
        %get3A_686 = arith.index_cast %scan3A_658 : i32 to index
        %get3A_687 = arith.constant 32 : index
        %get3A_688 = tpu.vector_load %arg12[%get3A_686, %get3A_687] {strides = array<i32>} : memref<125x128xf32, #tpu.memory_space<vmem>>, vector<1x16xf32>,
        %get3A_689 = vector.shape_cast %get3A_688 : vector<1x16xf32> to vector<16xf32>
        %mul3A_690 = vector.broadcast %squeeze3A_685 : f32 to vector<16xf32>
        %mul3A_691 = arith.mulf %mul3A_690, %get3A_689 : vector<16xf32>
        %slice3A_692 = vector.extract_strided_slice %get3A_663 {offsets = [3], sizes = [1], strides = [1]} : vector<16xf32> to vector<1xf32>
        %squeeze3A_693 = vector.extract %slice3A_692[0] : f32 from vector<1xf32>
        %get3A_694 = arith.index_cast %scan3A_658 : i32 to index
        %get3A_695 = arith.constant 48 : index
        %get3A_696 = tpu.vector_load %arg12[%get3A_694, %get3A_695] {strides = array<i32>} : memref<125x128xf32, #tpu.memory_space<vmem>>, vector<1x16xf32>,
        %get3A_697 = vector.shape_cast %get3A_696 : vector<1x16xf32> to vector<16xf32>
        %mul3A_698 = vector.broadcast %squeeze3A_693 : f32 to vector<16xf32>
        %mul3A_699 = arith.mulf %mul3A_698, %get3A_697 : vector<16xf32>
        %slice3A_700 = vector.extract_strided_slice %get3A_663 {offsets = [4], sizes = [1], strides = [1]} : vector<16xf32> to vector<1xf32>
        %squeeze3A_701 = vector.extract %slice3A_700[0] : f32 from vector<1xf32>
        %get3A_702 = arith.index_cast %scan3A_658 : i32 to index
        %get3A_703 = arith.constant 64 : index
        %get3A_704 = tpu.vector_load %arg12[%get3A_702, %get3A_703] {strides = array<i32>} : memref<125x128xf32, #tpu.memory_space<vmem>>, vector<1x16xf32>,
        %get3A_705 = vector.shape_cast %get3A_704 : vector<1x16xf32> to vector<16xf32>
        %mul3A_706 = vector.broadcast %squeeze3A_701 : f32 to vector<16xf32>
        %mul3A_707 = arith.mulf %mul3A_706, %get3A_705 : vector<16xf32>
        %slice3A_708 = vector.extract_strided_slice %get3A_663 {offsets = [5], sizes = [1], strides = [1]} : vector<16xf32> to vector<1xf32>
        %squeeze3A_709 = vector.extract %slice3A_708[0] : f32 from vector<1xf32>
        %get3A_710 = arith.index_cast %scan3A_658 : i32 to index
        %get3A_711 = arith.constant 80 : index
        %get3A_712 = tpu.vector_load %arg12[%get3A_710, %get3A_711] {strides = array<i32>} : memref<125x128xf32, #tpu.memory_space<vmem>>, vector<1x16xf32>,
        %get3A_713 = vector.shape_cast %get3A_712 : vector<1x16xf32> to vector<16xf32>
        %mul3A_714 = vector.broadcast %squeeze3A_709 : f32 to vector<16xf32>
        %mul3A_715 = arith.mulf %mul3A_714, %get3A_713 : vector<16xf32>
        %slice3A_716 = vector.extract_strided_slice %get3A_663 {offsets = [6], sizes = [1], strides = [1]} : vector<16xf32> to vector<1xf32>
        %squeeze3A_717 = vector.extract %slice3A_716[0] : f32 from vector<1xf32>
        %get3A_718 = arith.index_cast %scan3A_658 : i32 to index
        %get3A_719 = arith.constant 96 : index
        %get3A_720 = tpu.vector_load %arg12[%get3A_718, %get3A_719] {strides = array<i32>} : memref<125x128xf32, #tpu.memory_space<vmem>>, vector<1x16xf32>,
        %get3A_721 = vector.shape_cast %get3A_720 : vector<1x16xf32> to vector<16xf32>
        %mul3A_722 = vector.broadcast %squeeze3A_717 : f32 to vector<16xf32>
        %mul3A_723 = arith.mulf %mul3A_722, %get3A_721 : vector<16xf32>
        %slice3A_724 = vector.extract_strided_slice %get3A_663 {offsets = [7], sizes = [1], strides = [1]} : vector<16xf32> to vector<1xf32>
        %squeeze3A_725 = vector.extract %slice3A_724[0] : f32 from vector<1xf32>
        %get3A_726 = arith.index_cast %scan3A_658 : i32 to index
        %get3A_727 = arith.constant 112 : index
        %get3A_728 = tpu.vector_load %arg12[%get3A_726, %get3A_727] {strides = array<i32>} : memref<125x128xf32, #tpu.memory_space<vmem>>, vector<1x16xf32>,
        %get3A_729 = vector.shape_cast %get3A_728 : vector<1x16xf32> to vector<16xf32>
        %mul3A_730 = vector.broadcast %squeeze3A_725 : f32 to vector<16xf32>
        %mul3A_731 = arith.mulf %mul3A_730, %get3A_729 : vector<16xf32>
        %slice3A_732 = vector.extract_strided_slice %get3A_663 {offsets = [8], sizes = [1], strides = [1]} : vector<16xf32> to vector<1xf32>
        %squeeze3A_733 = vector.extract %slice3A_732[0] : f32 from vector<1xf32>
        %get3A_734 = arith.index_cast %scan3A_658 : i32 to index
        %get3A_735 = arith.constant 0 : index
        %get3A_736 = tpu.vector_load %arg14[%get3A_734, %get3A_735] {strides = array<i32>} : memref<125x128xf32, #tpu.memory_space<vmem>>, vector<1x16xf32>,
        %get3A_737 = vector.shape_cast %get3A_736 : vector<1x16xf32> to vector<16xf32>
        %mul3A_738 = vector.broadcast %squeeze3A_733 : f32 to vector<16xf32>
        %mul3A_739 = arith.mulf %mul3A_738, %get3A_737 : vector<16xf32>
        %slice3A_740 = vector.extract_strided_slice %get3A_663 {offsets = [9], sizes = [1], strides = [1]} : vector<16xf32> to vector<1xf32>
        %squeeze3A_741 = vector.extract %slice3A_740[0] : f32 from vector<1xf32>
        %get3A_742 = arith.index_cast %scan3A_658 : i32 to index
        %get3A_743 = arith.constant 16 : index
        %get3A_744 = tpu.vector_load %arg14[%get3A_742, %get3A_743] {strides = array<i32>} : memref<125x128xf32, #tpu.memory_space<vmem>>, vector<1x16xf32>,
        %get3A_745 = vector.shape_cast %get3A_744 : vector<1x16xf32> to vector<16xf32>
        %mul3A_746 = vector.broadcast %squeeze3A_741 : f32 to vector<16xf32>
        %mul3A_747 = arith.mulf %mul3A_746, %get3A_745 : vector<16xf32>
        %slice3A_748 = vector.extract_strided_slice %get3A_663 {offsets = [10], sizes = [1], strides = [1]} : vector<16xf32> to vector<1xf32>
        %squeeze3A_749 = vector.extract %slice3A_748[0] : f32 from vector<1xf32>
        %get3A_750 = arith.index_cast %scan3A_658 : i32 to index
        %get3A_751 = arith.constant 32 : index
        %get3A_752 = tpu.vector_load %arg14[%get3A_750, %get3A_751] {strides = array<i32>} : memref<125x128xf32, #tpu.memory_space<vmem>>, vector<1x16xf32>,
        %get3A_753 = vector.shape_cast %get3A_752 : vector<1x16xf32> to vector<16xf32>
        %mul3A_754 = vector.broadcast %squeeze3A_749 : f32 to vector<16xf32>
        %mul3A_755 = arith.mulf %mul3A_754, %get3A_753 : vector<16xf32>
        %slice3A_756 = vector.extract_strided_slice %get3A_663 {offsets = [11], sizes = [1], strides = [1]} : vector<16xf32> to vector<1xf32>
        %squeeze3A_757 = vector.extract %slice3A_756[0] : f32 from vector<1xf32>
        %get3A_758 = arith.index_cast %scan3A_658 : i32 to index
        %get3A_759 = arith.constant 48 : index
        %get3A_760 = tpu.vector_load %arg14[%get3A_758, %get3A_759] {strides = array<i32>} : memref<125x128xf32, #tpu.memory_space<vmem>>, vector<1x16xf32>,
        %get3A_761 = vector.shape_cast %get3A_760 : vector<1x16xf32> to vector<16xf32>
        %mul3A_762 = vector.broadcast %squeeze3A_757 : f32 to vector<16xf32>
        %mul3A_763 = arith.mulf %mul3A_762, %get3A_761 : vector<16xf32>
        %slice3A_764 = vector.extract_strided_slice %get3A_663 {offsets = [12], sizes = [1], strides = [1]} : vector<16xf32> to vector<1xf32>
        %squeeze3A_765 = vector.extract %slice3A_764[0] : f32 from vector<1xf32>
        %get3A_766 = arith.index_cast %scan3A_658 : i32 to index
        %get3A_767 = arith.constant 64 : index
        %get3A_768 = tpu.vector_load %arg14[%get3A_766, %get3A_767] {strides = array<i32>} : memref<125x128xf32, #tpu.memory_space<vmem>>, vector<1x16xf32>,
        %get3A_769 = vector.shape_cast %get3A_768 : vector<1x16xf32> to vector<16xf32>
        %mul3A_770 = vector.broadcast %squeeze3A_765 : f32 to vector<16xf32>
        %mul3A_771 = arith.mulf %mul3A_770, %get3A_769 : vector<16xf32>
        %slice3A_772 = vector.extract_strided_slice %get3A_663 {offsets = [13], sizes = [1], strides = [1]} : vector<16xf32> to vector<1xf32>
        %squeeze3A_773 = vector.extract %slice3A_772[0] : f32 from vector<1xf32>
        %get3A_774 = arith.index_cast %scan3A_658 : i32 to index
        %get3A_775 = arith.constant 80 : index
        %get3A_776 = tpu.vector_load %arg14[%get3A_774, %get3A_775] {strides = array<i32>} : memref<125x128xf32, #tpu.memory_space<vmem>>, vector<1x16xf32>,
        %get3A_777 = vector.shape_cast %get3A_776 : vector<1x16xf32> to vector<16xf32>
        %mul3A_778 = vector.broadcast %squeeze3A_773 : f32 to vector<16xf32>
        %mul3A_779 = arith.mulf %mul3A_778, %get3A_777 : vector<16xf32>
        %slice3A_780 = vector.extract_strided_slice %get3A_663 {offsets = [14], sizes = [1], strides = [1]} : vector<16xf32> to vector<1xf32>
        %squeeze3A_781 = vector.extract %slice3A_780[0] : f32 from vector<1xf32>
        %get3A_782 = arith.index_cast %scan3A_658 : i32 to index
        %get3A_783 = arith.constant 96 : index
        %get3A_784 = tpu.vector_load %arg14[%get3A_782, %get3A_783] {strides = array<i32>} : memref<125x128xf32, #tpu.memory_space<vmem>>, vector<1x16xf32>,
        %get3A_785 = vector.shape_cast %get3A_784 : vector<1x16xf32> to vector<16xf32>
        %mul3A_786 = vector.broadcast %squeeze3A_781 : f32 to vector<16xf32>
        %mul3A_787 = arith.mulf %mul3A_786, %get3A_785 : vector<16xf32>
        %slice3A_788 = vector.extract_strided_slice %get3A_663 {offsets = [15], sizes = [1], strides = [1]} : vector<16xf32> to vector<1xf32>
        %squeeze3A_789 = vector.extract %slice3A_788[0] : f32 from vector<1xf32>
        %get3A_790 = arith.index_cast %scan3A_658 : i32 to index
        %get3A_791 = arith.constant 112 : index
        %get3A_792 = tpu.vector_load %arg14[%get3A_790, %get3A_791] {strides = array<i32>} : memref<125x128xf32, #tpu.memory_space<vmem>>, vector<1x16xf32>,
        %get3A_793 = vector.shape_cast %get3A_792 : vector<1x16xf32> to vector<16xf32>
        %mul3A_794 = vector.broadcast %squeeze3A_789 : f32 to vector<16xf32>
        %mul3A_795 = arith.mulf %mul3A_794, %get3A_793 : vector<16xf32>
        %add3A_796 = arith.addf %get3A_667, %mul3A_675 : vector<16xf32>
        %add3A_797 = arith.addf %mul3A_683, %mul3A_691 : vector<16xf32>
        %add3A_798 = arith.addf %mul3A_699, %mul3A_707 : vector<16xf32>
        %add3A_799 = arith.addf %mul3A_715, %mul3A_723 : vector<16xf32>
        %add3A_800 = arith.addf %mul3A_731, %mul3A_739 : vector<16xf32>
        %add3A_801 = arith.addf %mul3A_747, %mul3A_755 : vector<16xf32>
        %add3A_802 = arith.addf %mul3A_763, %mul3A_771 : vector<16xf32>
        %add3A_803 = arith.addf %mul3A_779, %mul3A_787 : vector<16xf32>
        %add3A_804 = arith.addf %add3A_796, %add3A_797 : vector<16xf32>
        %add3A_805 = arith.addf %add3A_798, %add3A_799 : vector<16xf32>
        %add3A_806 = arith.addf %add3A_800, %add3A_801 : vector<16xf32>
        %add3A_807 = arith.addf %add3A_802, %add3A_803 : vector<16xf32>
        %add3A_808 = arith.addf %add3A_804, %add3A_805 : vector<16xf32>
        %add3A_809 = arith.addf %add3A_806, %add3A_807 : vector<16xf32>
        %add3A_810 = arith.addf %add3A_808, %add3A_809 : vector<16xf32>
        %add3A_811 = arith.addf %add3A_810, %mul3A_795 : vector<16xf32>
        %swap3A_812 = arith.index_cast %scan3A_658 : i32 to index
        %swap3A_813 = arith.constant 0 : index
        %swap3A_814 = tpu.vector_load %arg20[%swap3A_812, %swap3A_813] {strides = array<i32>} : memref<125x16xf32, #tpu.memory_space<vmem>>, vector<1x16xf32>,
        %swap3A_815 = vector.shape_cast %swap3A_814 : vector<1x16xf32> to vector<16xf32>
        %swap3A_816 = vector.shape_cast %add3A_811 : vector<16xf32> to vector<1x16xf32>
        tpu.vector_store %arg20[%swap3A_812, %swap3A_813], %swap3A_816 {strides = array<i32>} : memref<125x16xf32, #tpu.memory_space<vmem>>, vector<1x16xf32>,
        %scan3A_817 = arith.constant 4 : i32
        %scan3A_818 = arith.addi %scan3A_182, %scan3A_817 : i32
        %mul3A_819 = arith.constant 16 : i32
        %mul3A_820 = arith.muli %scan3A_818, %mul3A_819 : i32
        %get3A_821 = arith.index_cast %mul3A_820 : i32 to index
        %get3A_822 = tpu.vector_load %arg18[%get3A_821] {strides = array<i32>} : memref<2000xf32, #tpu.memory_space<vmem>>, vector<16xf32>,
        %get3A_823 = vector.shape_cast %get3A_822 : vector<16xf32> to vector<16xf32>
        %get3A_824 = arith.index_cast %scan3A_818 : i32 to index
        %get3A_825 = arith.constant 0 : index
        %get3A_826 = tpu.vector_load %arg16[%get3A_824, %get3A_825] {strides = array<i32>} : memref<125x16xf32, #tpu.memory_space<vmem>>, vector<1x16xf32>,
        %get3A_827 = vector.shape_cast %get3A_826 : vector<1x16xf32> to vector<16xf32>
        %slice3A_828 = vector.extract_strided_slice %get3A_823 {offsets = [0], sizes = [1], strides = [1]} : vector<16xf32> to vector<1xf32>
        %squeeze3A_829 = vector.extract %slice3A_828[0] : f32 from vector<1xf32>
        %get3A_830 = arith.index_cast %scan3A_818 : i32 to index
        %get3A_831 = arith.constant 0 : index
        %get3A_832 = tpu.vector_load %arg12[%get3A_830, %get3A_831] {strides = array<i32>} : memref<125x128xf32, #tpu.memory_space<vmem>>, vector<1x16xf32>,
        %get3A_833 = vector.shape_cast %get3A_832 : vector<1x16xf32> to vector<16xf32>
        %mul3A_834 = vector.broadcast %squeeze3A_829 : f32 to vector<16xf32>
        %mul3A_835 = arith.mulf %mul3A_834, %get3A_833 : vector<16xf32>
        %slice3A_836 = vector.extract_strided_slice %get3A_823 {offsets = [1], sizes = [1], strides = [1]} : vector<16xf32> to vector<1xf32>
        %squeeze3A_837 = vector.extract %slice3A_836[0] : f32 from vector<1xf32>
        %get3A_838 = arith.index_cast %scan3A_818 : i32 to index
        %get3A_839 = arith.constant 16 : index
        %get3A_840 = tpu.vector_load %arg12[%get3A_838, %get3A_839] {strides = array<i32>} : memref<125x128xf32, #tpu.memory_space<vmem>>, vector<1x16xf32>,
        %get3A_841 = vector.shape_cast %get3A_840 : vector<1x16xf32> to vector<16xf32>
        %mul3A_842 = vector.broadcast %squeeze3A_837 : f32 to vector<16xf32>
        %mul3A_843 = arith.mulf %mul3A_842, %get3A_841 : vector<16xf32>
        %slice3A_844 = vector.extract_strided_slice %get3A_823 {offsets = [2], sizes = [1], strides = [1]} : vector<16xf32> to vector<1xf32>
        %squeeze3A_845 = vector.extract %slice3A_844[0] : f32 from vector<1xf32>
        %get3A_846 = arith.index_cast %scan3A_818 : i32 to index
        %get3A_847 = arith.constant 32 : index
        %get3A_848 = tpu.vector_load %arg12[%get3A_846, %get3A_847] {strides = array<i32>} : memref<125x128xf32, #tpu.memory_space<vmem>>, vector<1x16xf32>,
        %get3A_849 = vector.shape_cast %get3A_848 : vector<1x16xf32> to vector<16xf32>
        %mul3A_850 = vector.broadcast %squeeze3A_845 : f32 to vector<16xf32>
        %mul3A_851 = arith.mulf %mul3A_850, %get3A_849 : vector<16xf32>
        %slice3A_852 = vector.extract_strided_slice %get3A_823 {offsets = [3], sizes = [1], strides = [1]} : vector<16xf32> to vector<1xf32>
        %squeeze3A_853 = vector.extract %slice3A_852[0] : f32 from vector<1xf32>
        %get3A_854 = arith.index_cast %scan3A_818 : i32 to index
        %get3A_855 = arith.constant 48 : index
        %get3A_856 = tpu.vector_load %arg12[%get3A_854, %get3A_855] {strides = array<i32>} : memref<125x128xf32, #tpu.memory_space<vmem>>, vector<1x16xf32>,
        %get3A_857 = vector.shape_cast %get3A_856 : vector<1x16xf32> to vector<16xf32>
        %mul3A_858 = vector.broadcast %squeeze3A_853 : f32 to vector<16xf32>
        %mul3A_859 = arith.mulf %mul3A_858, %get3A_857 : vector<16xf32>
        %slice3A_860 = vector.extract_strided_slice %get3A_823 {offsets = [4], sizes = [1], strides = [1]} : vector<16xf32> to vector<1xf32>
        %squeeze3A_861 = vector.extract %slice3A_860[0] : f32 from vector<1xf32>
        %get3A_862 = arith.index_cast %scan3A_818 : i32 to index
        %get3A_863 = arith.constant 64 : index
        %get3A_864 = tpu.vector_load %arg12[%get3A_862, %get3A_863] {strides = array<i32>} : memref<125x128xf32, #tpu.memory_space<vmem>>, vector<1x16xf32>,
        %get3A_865 = vector.shape_cast %get3A_864 : vector<1x16xf32> to vector<16xf32>
        %mul3A_866 = vector.broadcast %squeeze3A_861 : f32 to vector<16xf32>
        %mul3A_867 = arith.mulf %mul3A_866, %get3A_865 : vector<16xf32>
        %slice3A_868 = vector.extract_strided_slice %get3A_823 {offsets = [5], sizes = [1], strides = [1]} : vector<16xf32> to vector<1xf32>
        %squeeze3A_869 = vector.extract %slice3A_868[0] : f32 from vector<1xf32>
        %get3A_870 = arith.index_cast %scan3A_818 : i32 to index
        %get3A_871 = arith.constant 80 : index
        %get3A_872 = tpu.vector_load %arg12[%get3A_870, %get3A_871] {strides = array<i32>} : memref<125x128xf32, #tpu.memory_space<vmem>>, vector<1x16xf32>,
        %get3A_873 = vector.shape_cast %get3A_872 : vector<1x16xf32> to vector<16xf32>
        %mul3A_874 = vector.broadcast %squeeze3A_869 : f32 to vector<16xf32>
        %mul3A_875 = arith.mulf %mul3A_874, %get3A_873 : vector<16xf32>
        %slice3A_876 = vector.extract_strided_slice %get3A_823 {offsets = [6], sizes = [1], strides = [1]} : vector<16xf32> to vector<1xf32>
        %squeeze3A_877 = vector.extract %slice3A_876[0] : f32 from vector<1xf32>
        %get3A_878 = arith.index_cast %scan3A_818 : i32 to index
        %get3A_879 = arith.constant 96 : index
        %get3A_880 = tpu.vector_load %arg12[%get3A_878, %get3A_879] {strides = array<i32>} : memref<125x128xf32, #tpu.memory_space<vmem>>, vector<1x16xf32>,
        %get3A_881 = vector.shape_cast %get3A_880 : vector<1x16xf32> to vector<16xf32>
        %mul3A_882 = vector.broadcast %squeeze3A_877 : f32 to vector<16xf32>
        %mul3A_883 = arith.mulf %mul3A_882, %get3A_881 : vector<16xf32>
        %slice3A_884 = vector.extract_strided_slice %get3A_823 {offsets = [7], sizes = [1], strides = [1]} : vector<16xf32> to vector<1xf32>
        %squeeze3A_885 = vector.extract %slice3A_884[0] : f32 from vector<1xf32>
        %get3A_886 = arith.index_cast %scan3A_818 : i32 to index
        %get3A_887 = arith.constant 112 : index
        %get3A_888 = tpu.vector_load %arg12[%get3A_886, %get3A_887] {strides = array<i32>} : memref<125x128xf32, #tpu.memory_space<vmem>>, vector<1x16xf32>,
        %get3A_889 = vector.shape_cast %get3A_888 : vector<1x16xf32> to vector<16xf32>
        %mul3A_890 = vector.broadcast %squeeze3A_885 : f32 to vector<16xf32>
        %mul3A_891 = arith.mulf %mul3A_890, %get3A_889 : vector<16xf32>
        %slice3A_892 = vector.extract_strided_slice %get3A_823 {offsets = [8], sizes = [1], strides = [1]} : vector<16xf32> to vector<1xf32>
        %squeeze3A_893 = vector.extract %slice3A_892[0] : f32 from vector<1xf32>
        %get3A_894 = arith.index_cast %scan3A_818 : i32 to index
        %get3A_895 = arith.constant 0 : index
        %get3A_896 = tpu.vector_load %arg14[%get3A_894, %get3A_895] {strides = array<i32>} : memref<125x128xf32, #tpu.memory_space<vmem>>, vector<1x16xf32>,
        %get3A_897 = vector.shape_cast %get3A_896 : vector<1x16xf32> to vector<16xf32>
        %mul3A_898 = vector.broadcast %squeeze3A_893 : f32 to vector<16xf32>
        %mul3A_899 = arith.mulf %mul3A_898, %get3A_897 : vector<16xf32>
        %slice3A_900 = vector.extract_strided_slice %get3A_823 {offsets = [9], sizes = [1], strides = [1]} : vector<16xf32> to vector<1xf32>
        %squeeze3A_901 = vector.extract %slice3A_900[0] : f32 from vector<1xf32>
        %get3A_902 = arith.index_cast %scan3A_818 : i32 to index
        %get3A_903 = arith.constant 16 : index
        %get3A_904 = tpu.vector_load %arg14[%get3A_902, %get3A_903] {strides = array<i32>} : memref<125x128xf32, #tpu.memory_space<vmem>>, vector<1x16xf32>,
        %get3A_905 = vector.shape_cast %get3A_904 : vector<1x16xf32> to vector<16xf32>
        %mul3A_906 = vector.broadcast %squeeze3A_901 : f32 to vector<16xf32>
        %mul3A_907 = arith.mulf %mul3A_906, %get3A_905 : vector<16xf32>
        %slice3A_908 = vector.extract_strided_slice %get3A_823 {offsets = [10], sizes = [1], strides = [1]} : vector<16xf32> to vector<1xf32>
        %squeeze3A_909 = vector.extract %slice3A_908[0] : f32 from vector<1xf32>
        %get3A_910 = arith.index_cast %scan3A_818 : i32 to index
        %get3A_911 = arith.constant 32 : index
        %get3A_912 = tpu.vector_load %arg14[%get3A_910, %get3A_911] {strides = array<i32>} : memref<125x128xf32, #tpu.memory_space<vmem>>, vector<1x16xf32>,
        %get3A_913 = vector.shape_cast %get3A_912 : vector<1x16xf32> to vector<16xf32>
        %mul3A_914 = vector.broadcast %squeeze3A_909 : f32 to vector<16xf32>
        %mul3A_915 = arith.mulf %mul3A_914, %get3A_913 : vector<16xf32>
        %slice3A_916 = vector.extract_strided_slice %get3A_823 {offsets = [11], sizes = [1], strides = [1]} : vector<16xf32> to vector<1xf32>
        %squeeze3A_917 = vector.extract %slice3A_916[0] : f32 from vector<1xf32>
        %get3A_918 = arith.index_cast %scan3A_818 : i32 to index
        %get3A_919 = arith.constant 48 : index
        %get3A_920 = tpu.vector_load %arg14[%get3A_918, %get3A_919] {strides = array<i32>} : memref<125x128xf32, #tpu.memory_space<vmem>>, vector<1x16xf32>,
        %get3A_921 = vector.shape_cast %get3A_920 : vector<1x16xf32> to vector<16xf32>
        %mul3A_922 = vector.broadcast %squeeze3A_917 : f32 to vector<16xf32>
        %mul3A_923 = arith.mulf %mul3A_922, %get3A_921 : vector<16xf32>
        %slice3A_924 = vector.extract_strided_slice %get3A_823 {offsets = [12], sizes = [1], strides = [1]} : vector<16xf32> to vector<1xf32>
        %squeeze3A_925 = vector.extract %slice3A_924[0] : f32 from vector<1xf32>
        %get3A_926 = arith.index_cast %scan3A_818 : i32 to index
        %get3A_927 = arith.constant 64 : index
        %get3A_928 = tpu.vector_load %arg14[%get3A_926, %get3A_927] {strides = array<i32>} : memref<125x128xf32, #tpu.memory_space<vmem>>, vector<1x16xf32>,
        %get3A_929 = vector.shape_cast %get3A_928 : vector<1x16xf32> to vector<16xf32>
        %mul3A_930 = vector.broadcast %squeeze3A_925 : f32 to vector<16xf32>
        %mul3A_931 = arith.mulf %mul3A_930, %get3A_929 : vector<16xf32>
        %slice3A_932 = vector.extract_strided_slice %get3A_823 {offsets = [13], sizes = [1], strides = [1]} : vector<16xf32> to vector<1xf32>
        %squeeze3A_933 = vector.extract %slice3A_932[0] : f32 from vector<1xf32>
        %get3A_934 = arith.index_cast %scan3A_818 : i32 to index
        %get3A_935 = arith.constant 80 : index
        %get3A_936 = tpu.vector_load %arg14[%get3A_934, %get3A_935] {strides = array<i32>} : memref<125x128xf32, #tpu.memory_space<vmem>>, vector<1x16xf32>,
        %get3A_937 = vector.shape_cast %get3A_936 : vector<1x16xf32> to vector<16xf32>
        %mul3A_938 = vector.broadcast %squeeze3A_933 : f32 to vector<16xf32>
        %mul3A_939 = arith.mulf %mul3A_938, %get3A_937 : vector<16xf32>
        %slice3A_940 = vector.extract_strided_slice %get3A_823 {offsets = [14], sizes = [1], strides = [1]} : vector<16xf32> to vector<1xf32>
        %squeeze3A_941 = vector.extract %slice3A_940[0] : f32 from vector<1xf32>
        %get3A_942 = arith.index_cast %scan3A_818 : i32 to index
        %get3A_943 = arith.constant 96 : index
        %get3A_944 = tpu.vector_load %arg14[%get3A_942, %get3A_943] {strides = array<i32>} : memref<125x128xf32, #tpu.memory_space<vmem>>, vector<1x16xf32>,
        %get3A_945 = vector.shape_cast %get3A_944 : vector<1x16xf32> to vector<16xf32>
        %mul3A_946 = vector.broadcast %squeeze3A_941 : f32 to vector<16xf32>
        %mul3A_947 = arith.mulf %mul3A_946, %get3A_945 : vector<16xf32>
        %slice3A_948 = vector.extract_strided_slice %get3A_823 {offsets = [15], sizes = [1], strides = [1]} : vector<16xf32> to vector<1xf32>
        %squeeze3A_949 = vector.extract %slice3A_948[0] : f32 from vector<1xf32>
        %get3A_950 = arith.index_cast %scan3A_818 : i32 to index
        %get3A_951 = arith.constant 112 : index
        %get3A_952 = tpu.vector_load %arg14[%get3A_950, %get3A_951] {strides = array<i32>} : memref<125x128xf32, #tpu.memory_space<vmem>>, vector<1x16xf32>,
        %get3A_953 = vector.shape_cast %get3A_952 : vector<1x16xf32> to vector<16xf32>
        %mul3A_954 = vector.broadcast %squeeze3A_949 : f32 to vector<16xf32>
        %mul3A_955 = arith.mulf %mul3A_954, %get3A_953 : vector<16xf32>
        %add3A_956 = arith.addf %get3A_827, %mul3A_835 : vector<16xf32>
        %add3A_957 = arith.addf %mul3A_843, %mul3A_851 : vector<16xf32>
        %add3A_958 = arith.addf %mul3A_859, %mul3A_867 : vector<16xf32>
        %add3A_959 = arith.addf %mul3A_875, %mul3A_883 : vector<16xf32>
        %add3A_960 = arith.addf %mul3A_891, %mul3A_899 : vector<16xf32>
        %add3A_961 = arith.addf %mul3A_907, %mul3A_915 : vector<16xf32>
        %add3A_962 = arith.addf %mul3A_923, %mul3A_931 : vector<16xf32>
        %add3A_963 = arith.addf %mul3A_939, %mul3A_947 : vector<16xf32>
        %add3A_964 = arith.addf %add3A_956, %add3A_957 : vector<16xf32>
        %add3A_965 = arith.addf %add3A_958, %add3A_959 : vector<16xf32>
        %add3A_966 = arith.addf %add3A_960, %add3A_961 : vector<16xf32>
        %add3A_967 = arith.addf %add3A_962, %add3A_963 : vector<16xf32>
        %add3A_968 = arith.addf %add3A_964, %add3A_965 : vector<16xf32>
        %add3A_969 = arith.addf %add3A_966, %add3A_967 : vector<16xf32>
        %add3A_970 = arith.addf %add3A_968, %add3A_969 : vector<16xf32>
        %add3A_971 = arith.addf %add3A_970, %mul3A_955 : vector<16xf32>
        %swap3A_972 = arith.index_cast %scan3A_818 : i32 to index
        %swap3A_973 = arith.constant 0 : index
        %swap3A_974 = tpu.vector_load %arg20[%swap3A_972, %swap3A_973] {strides = array<i32>} : memref<125x16xf32, #tpu.memory_space<vmem>>, vector<1x16xf32>,
        %swap3A_975 = vector.shape_cast %swap3A_974 : vector<1x16xf32> to vector<16xf32>
        %swap3A_976 = vector.shape_cast %add3A_971 : vector<16xf32> to vector<1x16xf32>
        tpu.vector_store %arg20[%swap3A_972, %swap3A_973], %swap3A_976 {strides = array<i32>} : memref<125x16xf32, #tpu.memory_space<vmem>>, vector<1x16xf32>,
      }
      %scan3A_127 = arith.constant 125 : i32
      %dma_start3A_128 = arith.constant 0 : i32
      %dma_start3A_129 = tpu.memref_slice %arg11[%mul3A_94, %dma_start3A_128] : memref<40x125xi32, #tpu.memory_space<vmem>> -> memref<1x125xi32, #tpu.memory_space<vmem>>
      %dma_start3A_130 = tpu.memref_squeeze %dma_start3A_129 : memref<1x125xi32, #tpu.memory_space<vmem>> -> memref<125xi32, #tpu.memory_space<vmem>>
      %dma_start3A_131 = arith.constant 0 : i32
      %dma_start3A_132 = arith.constant 0 : i32
      %dma_start3A_133 = tpu.memref_slice %arg23[%dma_start3A_131, %dma_start3A_132] : memref<10240x16xf32, #tpu.memory_space<vmem_shared>> -> memref<10240x16xf32, #tpu.memory_space<vmem_shared>>
      tpu.enqueue_indirect_dma source(%arg20 : memref<125x16xf32, #tpu.memory_space<vmem>>) target(%dma_start3A_133 : memref<10240x16xf32, #tpu.memory_space<vmem_shared>>) offsets(%dma_start3A_130 : memref<125xi32, #tpu.memory_space<vmem>>) semaphore(%arg26 : memref<!tpu.dma_semaphore, #tpu.memory_space<semaphore_mem>>) {add = true}
      %lt3A = arith.constant 19 : i32
      %lt3A_134 = arith.cmpi slt, %scan3A_65, %lt3A : i32
      %convert_element_type3A_135 = arith.extui %lt3A_134 : i1 to i32
      %cond3A_136 = arith.constant 0 : i32
      %cond3A_137 = arith.cmpi ne, %convert_element_type3A_135, %cond3A_136 : i32
      scf.if %cond3A_137 {
        %mul3A_182 = arith.constant 2 : i32
        %mul3A_183 = arith.muli %mul3A_182, %scan3A_65 : i32
        %add3A_184 = arith.constant 2 : i32
        %add3A_185 = arith.addi %mul3A_183, %add3A_184 : i32
        %dma_start3A_186 = arith.constant 0 : i32
        %dma_start3A_187 = tpu.memref_slice %arg10[%add3A_185, %dma_start3A_186] : memref<40x125xi32, #tpu.memory_space<vmem>> -> memref<1x125xi32, #tpu.memory_space<vmem>>
        %dma_start3A_188 = tpu.memref_squeeze %dma_start3A_187 : memref<1x125xi32, #tpu.memory_space<vmem>> -> memref<125xi32, #tpu.memory_space<vmem>>
        %dma_start3A_189 = arith.constant 0 : i32
        %dma_start3A_190 = arith.constant 0 : i32
        %dma_start3A_191 = tpu.memref_slice %arg2[%dma_start3A_189, %dma_start3A_190] : memref<10000x128xf32, #tpu.memory_space<hbm>> -> memref<10000x128xf32, #tpu.memory_space<hbm>>
        tpu.enqueue_indirect_dma source(%dma_start3A_191 : memref<10000x128xf32, #tpu.memory_space<hbm>>) target(%arg12 : memref<125x128xf32, #tpu.memory_space<vmem>>) offsets(%dma_start3A_188 : memref<125xi32, #tpu.memory_space<vmem>>) semaphore(%arg24 : memref<!tpu.dma_semaphore, #tpu.memory_space<semaphore_mem>>)
        %dma_start3A_192 = arith.constant 0 : i32
        %dma_start3A_193 = tpu.memref_slice %arg10[%add3A_185, %dma_start3A_192] : memref<40x125xi32, #tpu.memory_space<vmem>> -> memref<1x125xi32, #tpu.memory_space<vmem>>
        %dma_start3A_194 = tpu.memref_squeeze %dma_start3A_193 : memref<1x125xi32, #tpu.memory_space<vmem>> -> memref<125xi32, #tpu.memory_space<vmem>>
        %dma_start3A_195 = arith.constant 0 : i32
        %dma_start3A_196 = arith.constant 0 : i32
        %dma_start3A_197 = tpu.memref_slice %arg3[%dma_start3A_195, %dma_start3A_196] : memref<10000x128xf32, #tpu.memory_space<hbm>> -> memref<10000x128xf32, #tpu.memory_space<hbm>>
        tpu.enqueue_indirect_dma source(%dma_start3A_197 : memref<10000x128xf32, #tpu.memory_space<hbm>>) target(%arg14 : memref<125x128xf32, #tpu.memory_space<vmem>>) offsets(%dma_start3A_194 : memref<125xi32, #tpu.memory_space<vmem>>) semaphore(%arg24 : memref<!tpu.dma_semaphore, #tpu.memory_space<semaphore_mem>>)
        %dma_start3A_198 = arith.constant 0 : i32
        %dma_start3A_199 = tpu.memref_slice %arg10[%add3A_185, %dma_start3A_198] : memref<40x125xi32, #tpu.memory_space<vmem>> -> memref<1x125xi32, #tpu.memory_space<vmem>>
        %dma_start3A_200 = tpu.memref_squeeze %dma_start3A_199 : memref<1x125xi32, #tpu.memory_space<vmem>> -> memref<125xi32, #tpu.memory_space<vmem>>
        %dma_start3A_201 = arith.constant 0 : i32
        %dma_start3A_202 = arith.constant 0 : i32
        %dma_start3A_203 = tpu.memref_slice %arg4[%dma_start3A_201, %dma_start3A_202] : memref<10000x16xf32, #tpu.memory_space<hbm>> -> memref<10000x16xf32, #tpu.memory_space<hbm>>
        tpu.enqueue_indirect_dma source(%dma_start3A_203 : memref<10000x16xf32, #tpu.memory_space<hbm>>) target(%arg16 : memref<125x16xf32, #tpu.memory_space<vmem>>) offsets(%dma_start3A_200 : memref<125xi32, #tpu.memory_space<vmem>>) semaphore(%arg24 : memref<!tpu.dma_semaphore, #tpu.memory_space<semaphore_mem>>)
        %mul3A_204 = arith.constant 2000 : i32
        %mul3A_205 = arith.muli %add3A_185, %mul3A_204 : i32
        %add3A_206 = arith.addi %mul3A_11, %mul3A_205 : i32
        %dma_start3A_207 = tpu.memref_slice %arg5[%add3A_206] : memref<2560000xf32, #tpu.memory_space<hbm>> -> memref<2000xf32, #tpu.memory_space<hbm>>
        %dma_start3A_208 = tpu.memref_slice %arg5[%add3A_206] : memref<2560000xf32, #tpu.memory_space<hbm>> -> memref<2000xf32, #tpu.memory_space<hbm>>
        tpu.enqueue_dma source(%dma_start3A_208 : memref<2000xf32, #tpu.memory_space<hbm>>) target(%arg18 : memref<2000xf32, #tpu.memory_space<vmem>>) target_semaphore(%arg24 : memref<!tpu.dma_semaphore, #tpu.memory_space<semaphore_mem>>)
      } else {
      }
      %mul3A_138 = arith.constant 2 : i32
      %mul3A_139 = arith.muli %mul3A_138, %scan3A_65 : i32
      %add3A_140 = arith.constant 1 : i32
      %add3A_141 = arith.addi %mul3A_139, %add3A_140 : i32
      %dma_wait3A_142 = arith.constant 0 : i32
      %dma_wait3A_143 = tpu.memref_slice %arg10[%add3A_141, %dma_wait3A_142] : memref<40x125xi32, #tpu.memory_space<vmem>> -> memref<1x125xi32, #tpu.memory_space<vmem>>
      %dma_wait3A_144 = tpu.memref_squeeze %dma_wait3A_143 : memref<1x125xi32, #tpu.memory_space<vmem>> -> memref<125xi32, #tpu.memory_space<vmem>>
      %dma_wait3A_145 = arith.constant 0 : i32
      %dma_wait3A_146 = arith.constant 0 : i32
      %dma_wait3A_147 = tpu.memref_slice %arg2[%dma_wait3A_145, %dma_wait3A_146] : memref<10000x128xf32, #tpu.memory_space<hbm>> -> memref<10000x128xf32, #tpu.memory_space<hbm>>
      tpu.wait_indirect_dma semaphore(%arg25 : memref<!tpu.dma_semaphore, #tpu.memory_space<semaphore_mem>>) src(%dma_wait3A_147 : memref<10000x128xf32, #tpu.memory_space<hbm>>) dst(%arg13 : memref<125x128xf32, #tpu.memory_space<vmem>>)
      %dma_wait3A_148 = arith.constant 0 : i32
      %dma_wait3A_149 = tpu.memref_slice %arg10[%add3A_141, %dma_wait3A_148] : memref<40x125xi32, #tpu.memory_space<vmem>> -> memref<1x125xi32, #tpu.memory_space<vmem>>
      %dma_wait3A_150 = tpu.memref_squeeze %dma_wait3A_149 : memref<1x125xi32, #tpu.memory_space<vmem>> -> memref<125xi32, #tpu.memory_space<vmem>>
      %dma_wait3A_151 = arith.constant 0 : i32
      %dma_wait3A_152 = arith.constant 0 : i32
      %dma_wait3A_153 = tpu.memref_slice %arg3[%dma_wait3A_151, %dma_wait3A_152] : memref<10000x128xf32, #tpu.memory_space<hbm>> -> memref<10000x128xf32, #tpu.memory_space<hbm>>
      tpu.wait_indirect_dma semaphore(%arg25 : memref<!tpu.dma_semaphore, #tpu.memory_space<semaphore_mem>>) src(%dma_wait3A_153 : memref<10000x128xf32, #tpu.memory_space<hbm>>) dst(%arg15 : memref<125x128xf32, #tpu.memory_space<vmem>>)
      %dma_wait3A_154 = arith.constant 0 : i32
      %dma_wait3A_155 = tpu.memref_slice %arg10[%add3A_141, %dma_wait3A_154] : memref<40x125xi32, #tpu.memory_space<vmem>> -> memref<1x125xi32, #tpu.memory_space<vmem>>
      %dma_wait3A_156 = tpu.memref_squeeze %dma_wait3A_155 : memref<1x125xi32, #tpu.memory_space<vmem>> -> memref<125xi32, #tpu.memory_space<vmem>>
      %dma_wait3A_157 = arith.constant 0 : i32
      %dma_wait3A_158 = arith.constant 0 : i32
      %dma_wait3A_159 = tpu.memref_slice %arg4[%dma_wait3A_157, %dma_wait3A_158] : memref<10000x16xf32, #tpu.memory_space<hbm>> -> memref<10000x16xf32, #tpu.memory_space<hbm>>
      tpu.wait_indirect_dma semaphore(%arg25 : memref<!tpu.dma_semaphore, #tpu.memory_space<semaphore_mem>>) src(%dma_wait3A_159 : memref<10000x16xf32, #tpu.memory_space<hbm>>) dst(%arg17 : memref<125x16xf32, #tpu.memory_space<vmem>>)
      %mul3A_160 = arith.constant 2000 : i32
      %mul3A_161 = arith.muli %add3A_141, %mul3A_160 : i32
      %add3A_162 = arith.addi %mul3A_11, %mul3A_161 : i32
      %dma_wait3A_163 = tpu.memref_slice %arg5[%add3A_162] : memref<2560000xf32, #tpu.memory_space<hbm>> -> memref<2000xf32, #tpu.memory_space<hbm>>
      %dma_wait3A_164 = tpu.memref_slice %arg5[%add3A_162] : memref<2560000xf32, #tpu.memory_space<hbm>> -> memref<2000xf32, #tpu.memory_space<hbm>>
      tpu.wait_dma2 semaphore(%arg25 : memref<!tpu.dma_semaphore, #tpu.memory_space<semaphore_mem>>) src(%dma_wait3A_164 : memref<2000xf32, #tpu.memory_space<hbm>>) dst(%arg19 : memref<2000xf32, #tpu.memory_space<vmem>>)
      %gt3A_165 = arith.constant 0 : i32
      %gt3A_166 = arith.cmpi sgt, %scan3A_65, %gt3A_165 : i32
      %convert_element_type3A_167 = arith.extui %gt3A_166 : i1 to i32
      %cond3A_168 = arith.constant 0 : i32
      %cond3A_169 = arith.cmpi ne, %convert_element_type3A_167, %cond3A_168 : i32
      scf.if %cond3A_169 {
        %dma_wait3A_182 = arith.constant 0 : i32
        %dma_wait3A_183 = tpu.memref_slice %arg11[%add3A_141, %dma_wait3A_182] : memref<40x125xi32, #tpu.memory_space<vmem>> -> memref<1x125xi32, #tpu.memory_space<vmem>>
        %dma_wait3A_184 = tpu.memref_squeeze %dma_wait3A_183 : memref<1x125xi32, #tpu.memory_space<vmem>> -> memref<125xi32, #tpu.memory_space<vmem>>
        %dma_wait3A_185 = arith.constant 0 : i32
        %dma_wait3A_186 = arith.constant 0 : i32
        %dma_wait3A_187 = tpu.memref_slice %arg23[%dma_wait3A_185, %dma_wait3A_186] : memref<10240x16xf32, #tpu.memory_space<vmem_shared>> -> memref<10240x16xf32, #tpu.memory_space<vmem_shared>>
        tpu.wait_indirect_dma semaphore(%arg27 : memref<!tpu.dma_semaphore, #tpu.memory_space<semaphore_mem>>) src(%arg21 : memref<125x16xf32, #tpu.memory_space<vmem>>) dst(%dma_wait3A_187 : memref<10240x16xf32, #tpu.memory_space<vmem_shared>>)
      } else {
      }
      %scan3A_170 = arith.constant 0 : i32
      %scan3A_171 = arith.constant 0 : i32
      %scan3A_172 = arith.constant 125 : i32
      %scan3A_173 = arith.addi %scan3A_171, %scan3A_172 : i32
      %scan3A_174 = arith.constant 5 : i32
      scf.for %scan3A_182 = %scan3A_171 to %scan3A_173 step %scan3A_174  : i32 {
        %mul3A_183 = arith.constant 16 : i32
        %mul3A_184 = arith.muli %scan3A_182, %mul3A_183 : i32
        %get3A = arith.index_cast %mul3A_184 : i32 to index
        %get3A_185 = tpu.vector_load %arg19[%get3A] {strides = array<i32>} : memref<2000xf32, #tpu.memory_space<vmem>>, vector<16xf32>,
        %get3A_186 = vector.shape_cast %get3A_185 : vector<16xf32> to vector<16xf32>
        %get3A_187 = arith.index_cast %scan3A_182 : i32 to index
        %get3A_188 = arith.constant 0 : index
        %get3A_189 = tpu.vector_load %arg17[%get3A_187, %get3A_188] {strides = array<i32>} : memref<125x16xf32, #tpu.memory_space<vmem>>, vector<1x16xf32>,
        %get3A_190 = vector.shape_cast %get3A_189 : vector<1x16xf32> to vector<16xf32>
        %slice3A = vector.extract_strided_slice %get3A_186 {offsets = [0], sizes = [1], strides = [1]} : vector<16xf32> to vector<1xf32>
        %squeeze3A = vector.extract %slice3A[0] : f32 from vector<1xf32>
        %get3A_191 = arith.index_cast %scan3A_182 : i32 to index
        %get3A_192 = arith.constant 0 : index
        %get3A_193 = tpu.vector_load %arg13[%get3A_191, %get3A_192] {strides = array<i32>} : memref<125x128xf32, #tpu.memory_space<vmem>>, vector<1x16xf32>,
        %get3A_194 = vector.shape_cast %get3A_193 : vector<1x16xf32> to vector<16xf32>
        %mul3A_195 = vector.broadcast %squeeze3A : f32 to vector<16xf32>
        %mul3A_196 = arith.mulf %mul3A_195, %get3A_194 : vector<16xf32>
        %slice3A_197 = vector.extract_strided_slice %get3A_186 {offsets = [1], sizes = [1], strides = [1]} : vector<16xf32> to vector<1xf32>
        %squeeze3A_198 = vector.extract %slice3A_197[0] : f32 from vector<1xf32>
        %get3A_199 = arith.index_cast %scan3A_182 : i32 to index
        %get3A_200 = arith.constant 16 : index
        %get3A_201 = tpu.vector_load %arg13[%get3A_199, %get3A_200] {strides = array<i32>} : memref<125x128xf32, #tpu.memory_space<vmem>>, vector<1x16xf32>,
        %get3A_202 = vector.shape_cast %get3A_201 : vector<1x16xf32> to vector<16xf32>
        %mul3A_203 = vector.broadcast %squeeze3A_198 : f32 to vector<16xf32>
        %mul3A_204 = arith.mulf %mul3A_203, %get3A_202 : vector<16xf32>
        %slice3A_205 = vector.extract_strided_slice %get3A_186 {offsets = [2], sizes = [1], strides = [1]} : vector<16xf32> to vector<1xf32>
        %squeeze3A_206 = vector.extract %slice3A_205[0] : f32 from vector<1xf32>
        %get3A_207 = arith.index_cast %scan3A_182 : i32 to index
        %get3A_208 = arith.constant 32 : index
        %get3A_209 = tpu.vector_load %arg13[%get3A_207, %get3A_208] {strides = array<i32>} : memref<125x128xf32, #tpu.memory_space<vmem>>, vector<1x16xf32>,
        %get3A_210 = vector.shape_cast %get3A_209 : vector<1x16xf32> to vector<16xf32>
        %mul3A_211 = vector.broadcast %squeeze3A_206 : f32 to vector<16xf32>
        %mul3A_212 = arith.mulf %mul3A_211, %get3A_210 : vector<16xf32>
        %slice3A_213 = vector.extract_strided_slice %get3A_186 {offsets = [3], sizes = [1], strides = [1]} : vector<16xf32> to vector<1xf32>
        %squeeze3A_214 = vector.extract %slice3A_213[0] : f32 from vector<1xf32>
        %get3A_215 = arith.index_cast %scan3A_182 : i32 to index
        %get3A_216 = arith.constant 48 : index
        %get3A_217 = tpu.vector_load %arg13[%get3A_215, %get3A_216] {strides = array<i32>} : memref<125x128xf32, #tpu.memory_space<vmem>>, vector<1x16xf32>,
        %get3A_218 = vector.shape_cast %get3A_217 : vector<1x16xf32> to vector<16xf32>
        %mul3A_219 = vector.broadcast %squeeze3A_214 : f32 to vector<16xf32>
        %mul3A_220 = arith.mulf %mul3A_219, %get3A_218 : vector<16xf32>
        %slice3A_221 = vector.extract_strided_slice %get3A_186 {offsets = [4], sizes = [1], strides = [1]} : vector<16xf32> to vector<1xf32>
        %squeeze3A_222 = vector.extract %slice3A_221[0] : f32 from vector<1xf32>
        %get3A_223 = arith.index_cast %scan3A_182 : i32 to index
        %get3A_224 = arith.constant 64 : index
        %get3A_225 = tpu.vector_load %arg13[%get3A_223, %get3A_224] {strides = array<i32>} : memref<125x128xf32, #tpu.memory_space<vmem>>, vector<1x16xf32>,
        %get3A_226 = vector.shape_cast %get3A_225 : vector<1x16xf32> to vector<16xf32>
        %mul3A_227 = vector.broadcast %squeeze3A_222 : f32 to vector<16xf32>
        %mul3A_228 = arith.mulf %mul3A_227, %get3A_226 : vector<16xf32>
        %slice3A_229 = vector.extract_strided_slice %get3A_186 {offsets = [5], sizes = [1], strides = [1]} : vector<16xf32> to vector<1xf32>
        %squeeze3A_230 = vector.extract %slice3A_229[0] : f32 from vector<1xf32>
        %get3A_231 = arith.index_cast %scan3A_182 : i32 to index
        %get3A_232 = arith.constant 80 : index
        %get3A_233 = tpu.vector_load %arg13[%get3A_231, %get3A_232] {strides = array<i32>} : memref<125x128xf32, #tpu.memory_space<vmem>>, vector<1x16xf32>,
        %get3A_234 = vector.shape_cast %get3A_233 : vector<1x16xf32> to vector<16xf32>
        %mul3A_235 = vector.broadcast %squeeze3A_230 : f32 to vector<16xf32>
        %mul3A_236 = arith.mulf %mul3A_235, %get3A_234 : vector<16xf32>
        %slice3A_237 = vector.extract_strided_slice %get3A_186 {offsets = [6], sizes = [1], strides = [1]} : vector<16xf32> to vector<1xf32>
        %squeeze3A_238 = vector.extract %slice3A_237[0] : f32 from vector<1xf32>
        %get3A_239 = arith.index_cast %scan3A_182 : i32 to index
        %get3A_240 = arith.constant 96 : index
        %get3A_241 = tpu.vector_load %arg13[%get3A_239, %get3A_240] {strides = array<i32>} : memref<125x128xf32, #tpu.memory_space<vmem>>, vector<1x16xf32>,
        %get3A_242 = vector.shape_cast %get3A_241 : vector<1x16xf32> to vector<16xf32>
        %mul3A_243 = vector.broadcast %squeeze3A_238 : f32 to vector<16xf32>
        %mul3A_244 = arith.mulf %mul3A_243, %get3A_242 : vector<16xf32>
        %slice3A_245 = vector.extract_strided_slice %get3A_186 {offsets = [7], sizes = [1], strides = [1]} : vector<16xf32> to vector<1xf32>
        %squeeze3A_246 = vector.extract %slice3A_245[0] : f32 from vector<1xf32>
        %get3A_247 = arith.index_cast %scan3A_182 : i32 to index
        %get3A_248 = arith.constant 112 : index
        %get3A_249 = tpu.vector_load %arg13[%get3A_247, %get3A_248] {strides = array<i32>} : memref<125x128xf32, #tpu.memory_space<vmem>>, vector<1x16xf32>,
        %get3A_250 = vector.shape_cast %get3A_249 : vector<1x16xf32> to vector<16xf32>
        %mul3A_251 = vector.broadcast %squeeze3A_246 : f32 to vector<16xf32>
        %mul3A_252 = arith.mulf %mul3A_251, %get3A_250 : vector<16xf32>
        %slice3A_253 = vector.extract_strided_slice %get3A_186 {offsets = [8], sizes = [1], strides = [1]} : vector<16xf32> to vector<1xf32>
        %squeeze3A_254 = vector.extract %slice3A_253[0] : f32 from vector<1xf32>
        %get3A_255 = arith.index_cast %scan3A_182 : i32 to index
        %get3A_256 = arith.constant 0 : index
        %get3A_257 = tpu.vector_load %arg15[%get3A_255, %get3A_256] {strides = array<i32>} : memref<125x128xf32, #tpu.memory_space<vmem>>, vector<1x16xf32>,
        %get3A_258 = vector.shape_cast %get3A_257 : vector<1x16xf32> to vector<16xf32>
        %mul3A_259 = vector.broadcast %squeeze3A_254 : f32 to vector<16xf32>
        %mul3A_260 = arith.mulf %mul3A_259, %get3A_258 : vector<16xf32>
        %slice3A_261 = vector.extract_strided_slice %get3A_186 {offsets = [9], sizes = [1], strides = [1]} : vector<16xf32> to vector<1xf32>
        %squeeze3A_262 = vector.extract %slice3A_261[0] : f32 from vector<1xf32>
        %get3A_263 = arith.index_cast %scan3A_182 : i32 to index
        %get3A_264 = arith.constant 16 : index
        %get3A_265 = tpu.vector_load %arg15[%get3A_263, %get3A_264] {strides = array<i32>} : memref<125x128xf32, #tpu.memory_space<vmem>>, vector<1x16xf32>,
        %get3A_266 = vector.shape_cast %get3A_265 : vector<1x16xf32> to vector<16xf32>
        %mul3A_267 = vector.broadcast %squeeze3A_262 : f32 to vector<16xf32>
        %mul3A_268 = arith.mulf %mul3A_267, %get3A_266 : vector<16xf32>
        %slice3A_269 = vector.extract_strided_slice %get3A_186 {offsets = [10], sizes = [1], strides = [1]} : vector<16xf32> to vector<1xf32>
        %squeeze3A_270 = vector.extract %slice3A_269[0] : f32 from vector<1xf32>
        %get3A_271 = arith.index_cast %scan3A_182 : i32 to index
        %get3A_272 = arith.constant 32 : index
        %get3A_273 = tpu.vector_load %arg15[%get3A_271, %get3A_272] {strides = array<i32>} : memref<125x128xf32, #tpu.memory_space<vmem>>, vector<1x16xf32>,
        %get3A_274 = vector.shape_cast %get3A_273 : vector<1x16xf32> to vector<16xf32>
        %mul3A_275 = vector.broadcast %squeeze3A_270 : f32 to vector<16xf32>
        %mul3A_276 = arith.mulf %mul3A_275, %get3A_274 : vector<16xf32>
        %slice3A_277 = vector.extract_strided_slice %get3A_186 {offsets = [11], sizes = [1], strides = [1]} : vector<16xf32> to vector<1xf32>
        %squeeze3A_278 = vector.extract %slice3A_277[0] : f32 from vector<1xf32>
        %get3A_279 = arith.index_cast %scan3A_182 : i32 to index
        %get3A_280 = arith.constant 48 : index
        %get3A_281 = tpu.vector_load %arg15[%get3A_279, %get3A_280] {strides = array<i32>} : memref<125x128xf32, #tpu.memory_space<vmem>>, vector<1x16xf32>,
        %get3A_282 = vector.shape_cast %get3A_281 : vector<1x16xf32> to vector<16xf32>
        %mul3A_283 = vector.broadcast %squeeze3A_278 : f32 to vector<16xf32>
        %mul3A_284 = arith.mulf %mul3A_283, %get3A_282 : vector<16xf32>
        %slice3A_285 = vector.extract_strided_slice %get3A_186 {offsets = [12], sizes = [1], strides = [1]} : vector<16xf32> to vector<1xf32>
        %squeeze3A_286 = vector.extract %slice3A_285[0] : f32 from vector<1xf32>
        %get3A_287 = arith.index_cast %scan3A_182 : i32 to index
        %get3A_288 = arith.constant 64 : index
        %get3A_289 = tpu.vector_load %arg15[%get3A_287, %get3A_288] {strides = array<i32>} : memref<125x128xf32, #tpu.memory_space<vmem>>, vector<1x16xf32>,
        %get3A_290 = vector.shape_cast %get3A_289 : vector<1x16xf32> to vector<16xf32>
        %mul3A_291 = vector.broadcast %squeeze3A_286 : f32 to vector<16xf32>
        %mul3A_292 = arith.mulf %mul3A_291, %get3A_290 : vector<16xf32>
        %slice3A_293 = vector.extract_strided_slice %get3A_186 {offsets = [13], sizes = [1], strides = [1]} : vector<16xf32> to vector<1xf32>
        %squeeze3A_294 = vector.extract %slice3A_293[0] : f32 from vector<1xf32>
        %get3A_295 = arith.index_cast %scan3A_182 : i32 to index
        %get3A_296 = arith.constant 80 : index
        %get3A_297 = tpu.vector_load %arg15[%get3A_295, %get3A_296] {strides = array<i32>} : memref<125x128xf32, #tpu.memory_space<vmem>>, vector<1x16xf32>,
        %get3A_298 = vector.shape_cast %get3A_297 : vector<1x16xf32> to vector<16xf32>
        %mul3A_299 = vector.broadcast %squeeze3A_294 : f32 to vector<16xf32>
        %mul3A_300 = arith.mulf %mul3A_299, %get3A_298 : vector<16xf32>
        %slice3A_301 = vector.extract_strided_slice %get3A_186 {offsets = [14], sizes = [1], strides = [1]} : vector<16xf32> to vector<1xf32>
        %squeeze3A_302 = vector.extract %slice3A_301[0] : f32 from vector<1xf32>
        %get3A_303 = arith.index_cast %scan3A_182 : i32 to index
        %get3A_304 = arith.constant 96 : index
        %get3A_305 = tpu.vector_load %arg15[%get3A_303, %get3A_304] {strides = array<i32>} : memref<125x128xf32, #tpu.memory_space<vmem>>, vector<1x16xf32>,
        %get3A_306 = vector.shape_cast %get3A_305 : vector<1x16xf32> to vector<16xf32>
        %mul3A_307 = vector.broadcast %squeeze3A_302 : f32 to vector<16xf32>
        %mul3A_308 = arith.mulf %mul3A_307, %get3A_306 : vector<16xf32>
        %slice3A_309 = vector.extract_strided_slice %get3A_186 {offsets = [15], sizes = [1], strides = [1]} : vector<16xf32> to vector<1xf32>
        %squeeze3A_310 = vector.extract %slice3A_309[0] : f32 from vector<1xf32>
        %get3A_311 = arith.index_cast %scan3A_182 : i32 to index
        %get3A_312 = arith.constant 112 : index
        %get3A_313 = tpu.vector_load %arg15[%get3A_311, %get3A_312] {strides = array<i32>} : memref<125x128xf32, #tpu.memory_space<vmem>>, vector<1x16xf32>,
        %get3A_314 = vector.shape_cast %get3A_313 : vector<1x16xf32> to vector<16xf32>
        %mul3A_315 = vector.broadcast %squeeze3A_310 : f32 to vector<16xf32>
        %mul3A_316 = arith.mulf %mul3A_315, %get3A_314 : vector<16xf32>
        %add3A_317 = arith.addf %get3A_190, %mul3A_196 : vector<16xf32>
        %add3A_318 = arith.addf %mul3A_204, %mul3A_212 : vector<16xf32>
        %add3A_319 = arith.addf %mul3A_220, %mul3A_228 : vector<16xf32>
        %add3A_320 = arith.addf %mul3A_236, %mul3A_244 : vector<16xf32>
        %add3A_321 = arith.addf %mul3A_252, %mul3A_260 : vector<16xf32>
        %add3A_322 = arith.addf %mul3A_268, %mul3A_276 : vector<16xf32>
        %add3A_323 = arith.addf %mul3A_284, %mul3A_292 : vector<16xf32>
        %add3A_324 = arith.addf %mul3A_300, %mul3A_308 : vector<16xf32>
        %add3A_325 = arith.addf %add3A_317, %add3A_318 : vector<16xf32>
        %add3A_326 = arith.addf %add3A_319, %add3A_320 : vector<16xf32>
        %add3A_327 = arith.addf %add3A_321, %add3A_322 : vector<16xf32>
        %add3A_328 = arith.addf %add3A_323, %add3A_324 : vector<16xf32>
        %add3A_329 = arith.addf %add3A_325, %add3A_326 : vector<16xf32>
        %add3A_330 = arith.addf %add3A_327, %add3A_328 : vector<16xf32>
        %add3A_331 = arith.addf %add3A_329, %add3A_330 : vector<16xf32>
        %add3A_332 = arith.addf %add3A_331, %mul3A_316 : vector<16xf32>
        %swap3A = arith.index_cast %scan3A_182 : i32 to index
        %swap3A_333 = arith.constant 0 : index
        %swap3A_334 = tpu.vector_load %arg21[%swap3A, %swap3A_333] {strides = array<i32>} : memref<125x16xf32, #tpu.memory_space<vmem>>, vector<1x16xf32>,
        %swap3A_335 = vector.shape_cast %swap3A_334 : vector<1x16xf32> to vector<16xf32>
        %swap3A_336 = vector.shape_cast %add3A_332 : vector<16xf32> to vector<1x16xf32>
        tpu.vector_store %arg21[%swap3A, %swap3A_333], %swap3A_336 {strides = array<i32>} : memref<125x16xf32, #tpu.memory_space<vmem>>, vector<1x16xf32>,
        %scan3A_337 = arith.constant 1 : i32
        %scan3A_338 = arith.addi %scan3A_182, %scan3A_337 : i32
        %mul3A_339 = arith.constant 16 : i32
        %mul3A_340 = arith.muli %scan3A_338, %mul3A_339 : i32
        %get3A_341 = arith.index_cast %mul3A_340 : i32 to index
        %get3A_342 = tpu.vector_load %arg19[%get3A_341] {strides = array<i32>} : memref<2000xf32, #tpu.memory_space<vmem>>, vector<16xf32>,
        %get3A_343 = vector.shape_cast %get3A_342 : vector<16xf32> to vector<16xf32>
        %get3A_344 = arith.index_cast %scan3A_338 : i32 to index
        %get3A_345 = arith.constant 0 : index
        %get3A_346 = tpu.vector_load %arg17[%get3A_344, %get3A_345] {strides = array<i32>} : memref<125x16xf32, #tpu.memory_space<vmem>>, vector<1x16xf32>,
        %get3A_347 = vector.shape_cast %get3A_346 : vector<1x16xf32> to vector<16xf32>
        %slice3A_348 = vector.extract_strided_slice %get3A_343 {offsets = [0], sizes = [1], strides = [1]} : vector<16xf32> to vector<1xf32>
        %squeeze3A_349 = vector.extract %slice3A_348[0] : f32 from vector<1xf32>
        %get3A_350 = arith.index_cast %scan3A_338 : i32 to index
        %get3A_351 = arith.constant 0 : index
        %get3A_352 = tpu.vector_load %arg13[%get3A_350, %get3A_351] {strides = array<i32>} : memref<125x128xf32, #tpu.memory_space<vmem>>, vector<1x16xf32>,
        %get3A_353 = vector.shape_cast %get3A_352 : vector<1x16xf32> to vector<16xf32>
        %mul3A_354 = vector.broadcast %squeeze3A_349 : f32 to vector<16xf32>
        %mul3A_355 = arith.mulf %mul3A_354, %get3A_353 : vector<16xf32>
        %slice3A_356 = vector.extract_strided_slice %get3A_343 {offsets = [1], sizes = [1], strides = [1]} : vector<16xf32> to vector<1xf32>
        %squeeze3A_357 = vector.extract %slice3A_356[0] : f32 from vector<1xf32>
        %get3A_358 = arith.index_cast %scan3A_338 : i32 to index
        %get3A_359 = arith.constant 16 : index
        %get3A_360 = tpu.vector_load %arg13[%get3A_358, %get3A_359] {strides = array<i32>} : memref<125x128xf32, #tpu.memory_space<vmem>>, vector<1x16xf32>,
        %get3A_361 = vector.shape_cast %get3A_360 : vector<1x16xf32> to vector<16xf32>
        %mul3A_362 = vector.broadcast %squeeze3A_357 : f32 to vector<16xf32>
        %mul3A_363 = arith.mulf %mul3A_362, %get3A_361 : vector<16xf32>
        %slice3A_364 = vector.extract_strided_slice %get3A_343 {offsets = [2], sizes = [1], strides = [1]} : vector<16xf32> to vector<1xf32>
        %squeeze3A_365 = vector.extract %slice3A_364[0] : f32 from vector<1xf32>
        %get3A_366 = arith.index_cast %scan3A_338 : i32 to index
        %get3A_367 = arith.constant 32 : index
        %get3A_368 = tpu.vector_load %arg13[%get3A_366, %get3A_367] {strides = array<i32>} : memref<125x128xf32, #tpu.memory_space<vmem>>, vector<1x16xf32>,
        %get3A_369 = vector.shape_cast %get3A_368 : vector<1x16xf32> to vector<16xf32>
        %mul3A_370 = vector.broadcast %squeeze3A_365 : f32 to vector<16xf32>
        %mul3A_371 = arith.mulf %mul3A_370, %get3A_369 : vector<16xf32>
        %slice3A_372 = vector.extract_strided_slice %get3A_343 {offsets = [3], sizes = [1], strides = [1]} : vector<16xf32> to vector<1xf32>
        %squeeze3A_373 = vector.extract %slice3A_372[0] : f32 from vector<1xf32>
        %get3A_374 = arith.index_cast %scan3A_338 : i32 to index
        %get3A_375 = arith.constant 48 : index
        %get3A_376 = tpu.vector_load %arg13[%get3A_374, %get3A_375] {strides = array<i32>} : memref<125x128xf32, #tpu.memory_space<vmem>>, vector<1x16xf32>,
        %get3A_377 = vector.shape_cast %get3A_376 : vector<1x16xf32> to vector<16xf32>
        %mul3A_378 = vector.broadcast %squeeze3A_373 : f32 to vector<16xf32>
        %mul3A_379 = arith.mulf %mul3A_378, %get3A_377 : vector<16xf32>
        %slice3A_380 = vector.extract_strided_slice %get3A_343 {offsets = [4], sizes = [1], strides = [1]} : vector<16xf32> to vector<1xf32>
        %squeeze3A_381 = vector.extract %slice3A_380[0] : f32 from vector<1xf32>
        %get3A_382 = arith.index_cast %scan3A_338 : i32 to index
        %get3A_383 = arith.constant 64 : index
        %get3A_384 = tpu.vector_load %arg13[%get3A_382, %get3A_383] {strides = array<i32>} : memref<125x128xf32, #tpu.memory_space<vmem>>, vector<1x16xf32>,
        %get3A_385 = vector.shape_cast %get3A_384 : vector<1x16xf32> to vector<16xf32>
        %mul3A_386 = vector.broadcast %squeeze3A_381 : f32 to vector<16xf32>
        %mul3A_387 = arith.mulf %mul3A_386, %get3A_385 : vector<16xf32>
        %slice3A_388 = vector.extract_strided_slice %get3A_343 {offsets = [5], sizes = [1], strides = [1]} : vector<16xf32> to vector<1xf32>
        %squeeze3A_389 = vector.extract %slice3A_388[0] : f32 from vector<1xf32>
        %get3A_390 = arith.index_cast %scan3A_338 : i32 to index
        %get3A_391 = arith.constant 80 : index
        %get3A_392 = tpu.vector_load %arg13[%get3A_390, %get3A_391] {strides = array<i32>} : memref<125x128xf32, #tpu.memory_space<vmem>>, vector<1x16xf32>,
        %get3A_393 = vector.shape_cast %get3A_392 : vector<1x16xf32> to vector<16xf32>
        %mul3A_394 = vector.broadcast %squeeze3A_389 : f32 to vector<16xf32>
        %mul3A_395 = arith.mulf %mul3A_394, %get3A_393 : vector<16xf32>
        %slice3A_396 = vector.extract_strided_slice %get3A_343 {offsets = [6], sizes = [1], strides = [1]} : vector<16xf32> to vector<1xf32>
        %squeeze3A_397 = vector.extract %slice3A_396[0] : f32 from vector<1xf32>
        %get3A_398 = arith.index_cast %scan3A_338 : i32 to index
        %get3A_399 = arith.constant 96 : index
        %get3A_400 = tpu.vector_load %arg13[%get3A_398, %get3A_399] {strides = array<i32>} : memref<125x128xf32, #tpu.memory_space<vmem>>, vector<1x16xf32>,
        %get3A_401 = vector.shape_cast %get3A_400 : vector<1x16xf32> to vector<16xf32>
        %mul3A_402 = vector.broadcast %squeeze3A_397 : f32 to vector<16xf32>
        %mul3A_403 = arith.mulf %mul3A_402, %get3A_401 : vector<16xf32>
        %slice3A_404 = vector.extract_strided_slice %get3A_343 {offsets = [7], sizes = [1], strides = [1]} : vector<16xf32> to vector<1xf32>
        %squeeze3A_405 = vector.extract %slice3A_404[0] : f32 from vector<1xf32>
        %get3A_406 = arith.index_cast %scan3A_338 : i32 to index
        %get3A_407 = arith.constant 112 : index
        %get3A_408 = tpu.vector_load %arg13[%get3A_406, %get3A_407] {strides = array<i32>} : memref<125x128xf32, #tpu.memory_space<vmem>>, vector<1x16xf32>,
        %get3A_409 = vector.shape_cast %get3A_408 : vector<1x16xf32> to vector<16xf32>
        %mul3A_410 = vector.broadcast %squeeze3A_405 : f32 to vector<16xf32>
        %mul3A_411 = arith.mulf %mul3A_410, %get3A_409 : vector<16xf32>
        %slice3A_412 = vector.extract_strided_slice %get3A_343 {offsets = [8], sizes = [1], strides = [1]} : vector<16xf32> to vector<1xf32>
        %squeeze3A_413 = vector.extract %slice3A_412[0] : f32 from vector<1xf32>
        %get3A_414 = arith.index_cast %scan3A_338 : i32 to index
        %get3A_415 = arith.constant 0 : index
        %get3A_416 = tpu.vector_load %arg15[%get3A_414, %get3A_415] {strides = array<i32>} : memref<125x128xf32, #tpu.memory_space<vmem>>, vector<1x16xf32>,
        %get3A_417 = vector.shape_cast %get3A_416 : vector<1x16xf32> to vector<16xf32>
        %mul3A_418 = vector.broadcast %squeeze3A_413 : f32 to vector<16xf32>
        %mul3A_419 = arith.mulf %mul3A_418, %get3A_417 : vector<16xf32>
        %slice3A_420 = vector.extract_strided_slice %get3A_343 {offsets = [9], sizes = [1], strides = [1]} : vector<16xf32> to vector<1xf32>
        %squeeze3A_421 = vector.extract %slice3A_420[0] : f32 from vector<1xf32>
        %get3A_422 = arith.index_cast %scan3A_338 : i32 to index
        %get3A_423 = arith.constant 16 : index
        %get3A_424 = tpu.vector_load %arg15[%get3A_422, %get3A_423] {strides = array<i32>} : memref<125x128xf32, #tpu.memory_space<vmem>>, vector<1x16xf32>,
        %get3A_425 = vector.shape_cast %get3A_424 : vector<1x16xf32> to vector<16xf32>
        %mul3A_426 = vector.broadcast %squeeze3A_421 : f32 to vector<16xf32>
        %mul3A_427 = arith.mulf %mul3A_426, %get3A_425 : vector<16xf32>
        %slice3A_428 = vector.extract_strided_slice %get3A_343 {offsets = [10], sizes = [1], strides = [1]} : vector<16xf32> to vector<1xf32>
        %squeeze3A_429 = vector.extract %slice3A_428[0] : f32 from vector<1xf32>
        %get3A_430 = arith.index_cast %scan3A_338 : i32 to index
        %get3A_431 = arith.constant 32 : index
        %get3A_432 = tpu.vector_load %arg15[%get3A_430, %get3A_431] {strides = array<i32>} : memref<125x128xf32, #tpu.memory_space<vmem>>, vector<1x16xf32>,
        %get3A_433 = vector.shape_cast %get3A_432 : vector<1x16xf32> to vector<16xf32>
        %mul3A_434 = vector.broadcast %squeeze3A_429 : f32 to vector<16xf32>
        %mul3A_435 = arith.mulf %mul3A_434, %get3A_433 : vector<16xf32>
        %slice3A_436 = vector.extract_strided_slice %get3A_343 {offsets = [11], sizes = [1], strides = [1]} : vector<16xf32> to vector<1xf32>
        %squeeze3A_437 = vector.extract %slice3A_436[0] : f32 from vector<1xf32>
        %get3A_438 = arith.index_cast %scan3A_338 : i32 to index
        %get3A_439 = arith.constant 48 : index
        %get3A_440 = tpu.vector_load %arg15[%get3A_438, %get3A_439] {strides = array<i32>} : memref<125x128xf32, #tpu.memory_space<vmem>>, vector<1x16xf32>,
        %get3A_441 = vector.shape_cast %get3A_440 : vector<1x16xf32> to vector<16xf32>
        %mul3A_442 = vector.broadcast %squeeze3A_437 : f32 to vector<16xf32>
        %mul3A_443 = arith.mulf %mul3A_442, %get3A_441 : vector<16xf32>
        %slice3A_444 = vector.extract_strided_slice %get3A_343 {offsets = [12], sizes = [1], strides = [1]} : vector<16xf32> to vector<1xf32>
        %squeeze3A_445 = vector.extract %slice3A_444[0] : f32 from vector<1xf32>
        %get3A_446 = arith.index_cast %scan3A_338 : i32 to index
        %get3A_447 = arith.constant 64 : index
        %get3A_448 = tpu.vector_load %arg15[%get3A_446, %get3A_447] {strides = array<i32>} : memref<125x128xf32, #tpu.memory_space<vmem>>, vector<1x16xf32>,
        %get3A_449 = vector.shape_cast %get3A_448 : vector<1x16xf32> to vector<16xf32>
        %mul3A_450 = vector.broadcast %squeeze3A_445 : f32 to vector<16xf32>
        %mul3A_451 = arith.mulf %mul3A_450, %get3A_449 : vector<16xf32>
        %slice3A_452 = vector.extract_strided_slice %get3A_343 {offsets = [13], sizes = [1], strides = [1]} : vector<16xf32> to vector<1xf32>
        %squeeze3A_453 = vector.extract %slice3A_452[0] : f32 from vector<1xf32>
        %get3A_454 = arith.index_cast %scan3A_338 : i32 to index
        %get3A_455 = arith.constant 80 : index
        %get3A_456 = tpu.vector_load %arg15[%get3A_454, %get3A_455] {strides = array<i32>} : memref<125x128xf32, #tpu.memory_space<vmem>>, vector<1x16xf32>,
        %get3A_457 = vector.shape_cast %get3A_456 : vector<1x16xf32> to vector<16xf32>
        %mul3A_458 = vector.broadcast %squeeze3A_453 : f32 to vector<16xf32>
        %mul3A_459 = arith.mulf %mul3A_458, %get3A_457 : vector<16xf32>
        %slice3A_460 = vector.extract_strided_slice %get3A_343 {offsets = [14], sizes = [1], strides = [1]} : vector<16xf32> to vector<1xf32>
        %squeeze3A_461 = vector.extract %slice3A_460[0] : f32 from vector<1xf32>
        %get3A_462 = arith.index_cast %scan3A_338 : i32 to index
        %get3A_463 = arith.constant 96 : index
        %get3A_464 = tpu.vector_load %arg15[%get3A_462, %get3A_463] {strides = array<i32>} : memref<125x128xf32, #tpu.memory_space<vmem>>, vector<1x16xf32>,
        %get3A_465 = vector.shape_cast %get3A_464 : vector<1x16xf32> to vector<16xf32>
        %mul3A_466 = vector.broadcast %squeeze3A_461 : f32 to vector<16xf32>
        %mul3A_467 = arith.mulf %mul3A_466, %get3A_465 : vector<16xf32>
        %slice3A_468 = vector.extract_strided_slice %get3A_343 {offsets = [15], sizes = [1], strides = [1]} : vector<16xf32> to vector<1xf32>
        %squeeze3A_469 = vector.extract %slice3A_468[0] : f32 from vector<1xf32>
        %get3A_470 = arith.index_cast %scan3A_338 : i32 to index
        %get3A_471 = arith.constant 112 : index
        %get3A_472 = tpu.vector_load %arg15[%get3A_470, %get3A_471] {strides = array<i32>} : memref<125x128xf32, #tpu.memory_space<vmem>>, vector<1x16xf32>,
        %get3A_473 = vector.shape_cast %get3A_472 : vector<1x16xf32> to vector<16xf32>
        %mul3A_474 = vector.broadcast %squeeze3A_469 : f32 to vector<16xf32>
        %mul3A_475 = arith.mulf %mul3A_474, %get3A_473 : vector<16xf32>
        %add3A_476 = arith.addf %get3A_347, %mul3A_355 : vector<16xf32>
        %add3A_477 = arith.addf %mul3A_363, %mul3A_371 : vector<16xf32>
        %add3A_478 = arith.addf %mul3A_379, %mul3A_387 : vector<16xf32>
        %add3A_479 = arith.addf %mul3A_395, %mul3A_403 : vector<16xf32>
        %add3A_480 = arith.addf %mul3A_411, %mul3A_419 : vector<16xf32>
        %add3A_481 = arith.addf %mul3A_427, %mul3A_435 : vector<16xf32>
        %add3A_482 = arith.addf %mul3A_443, %mul3A_451 : vector<16xf32>
        %add3A_483 = arith.addf %mul3A_459, %mul3A_467 : vector<16xf32>
        %add3A_484 = arith.addf %add3A_476, %add3A_477 : vector<16xf32>
        %add3A_485 = arith.addf %add3A_478, %add3A_479 : vector<16xf32>
        %add3A_486 = arith.addf %add3A_480, %add3A_481 : vector<16xf32>
        %add3A_487 = arith.addf %add3A_482, %add3A_483 : vector<16xf32>
        %add3A_488 = arith.addf %add3A_484, %add3A_485 : vector<16xf32>
        %add3A_489 = arith.addf %add3A_486, %add3A_487 : vector<16xf32>
        %add3A_490 = arith.addf %add3A_488, %add3A_489 : vector<16xf32>
        %add3A_491 = arith.addf %add3A_490, %mul3A_475 : vector<16xf32>
        %swap3A_492 = arith.index_cast %scan3A_338 : i32 to index
        %swap3A_493 = arith.constant 0 : index
        %swap3A_494 = tpu.vector_load %arg21[%swap3A_492, %swap3A_493] {strides = array<i32>} : memref<125x16xf32, #tpu.memory_space<vmem>>, vector<1x16xf32>,
        %swap3A_495 = vector.shape_cast %swap3A_494 : vector<1x16xf32> to vector<16xf32>
        %swap3A_496 = vector.shape_cast %add3A_491 : vector<16xf32> to vector<1x16xf32>
        tpu.vector_store %arg21[%swap3A_492, %swap3A_493], %swap3A_496 {strides = array<i32>} : memref<125x16xf32, #tpu.memory_space<vmem>>, vector<1x16xf32>,
        %scan3A_497 = arith.constant 2 : i32
        %scan3A_498 = arith.addi %scan3A_182, %scan3A_497 : i32
        %mul3A_499 = arith.constant 16 : i32
        %mul3A_500 = arith.muli %scan3A_498, %mul3A_499 : i32
        %get3A_501 = arith.index_cast %mul3A_500 : i32 to index
        %get3A_502 = tpu.vector_load %arg19[%get3A_501] {strides = array<i32>} : memref<2000xf32, #tpu.memory_space<vmem>>, vector<16xf32>,
        %get3A_503 = vector.shape_cast %get3A_502 : vector<16xf32> to vector<16xf32>
        %get3A_504 = arith.index_cast %scan3A_498 : i32 to index
        %get3A_505 = arith.constant 0 : index
        %get3A_506 = tpu.vector_load %arg17[%get3A_504, %get3A_505] {strides = array<i32>} : memref<125x16xf32, #tpu.memory_space<vmem>>, vector<1x16xf32>,
        %get3A_507 = vector.shape_cast %get3A_506 : vector<1x16xf32> to vector<16xf32>
        %slice3A_508 = vector.extract_strided_slice %get3A_503 {offsets = [0], sizes = [1], strides = [1]} : vector<16xf32> to vector<1xf32>
        %squeeze3A_509 = vector.extract %slice3A_508[0] : f32 from vector<1xf32>
        %get3A_510 = arith.index_cast %scan3A_498 : i32 to index
        %get3A_511 = arith.constant 0 : index
        %get3A_512 = tpu.vector_load %arg13[%get3A_510, %get3A_511] {strides = array<i32>} : memref<125x128xf32, #tpu.memory_space<vmem>>, vector<1x16xf32>,
        %get3A_513 = vector.shape_cast %get3A_512 : vector<1x16xf32> to vector<16xf32>
        %mul3A_514 = vector.broadcast %squeeze3A_509 : f32 to vector<16xf32>
        %mul3A_515 = arith.mulf %mul3A_514, %get3A_513 : vector<16xf32>
        %slice3A_516 = vector.extract_strided_slice %get3A_503 {offsets = [1], sizes = [1], strides = [1]} : vector<16xf32> to vector<1xf32>
        %squeeze3A_517 = vector.extract %slice3A_516[0] : f32 from vector<1xf32>
        %get3A_518 = arith.index_cast %scan3A_498 : i32 to index
        %get3A_519 = arith.constant 16 : index
        %get3A_520 = tpu.vector_load %arg13[%get3A_518, %get3A_519] {strides = array<i32>} : memref<125x128xf32, #tpu.memory_space<vmem>>, vector<1x16xf32>,
        %get3A_521 = vector.shape_cast %get3A_520 : vector<1x16xf32> to vector<16xf32>
        %mul3A_522 = vector.broadcast %squeeze3A_517 : f32 to vector<16xf32>
        %mul3A_523 = arith.mulf %mul3A_522, %get3A_521 : vector<16xf32>
        %slice3A_524 = vector.extract_strided_slice %get3A_503 {offsets = [2], sizes = [1], strides = [1]} : vector<16xf32> to vector<1xf32>
        %squeeze3A_525 = vector.extract %slice3A_524[0] : f32 from vector<1xf32>
        %get3A_526 = arith.index_cast %scan3A_498 : i32 to index
        %get3A_527 = arith.constant 32 : index
        %get3A_528 = tpu.vector_load %arg13[%get3A_526, %get3A_527] {strides = array<i32>} : memref<125x128xf32, #tpu.memory_space<vmem>>, vector<1x16xf32>,
        %get3A_529 = vector.shape_cast %get3A_528 : vector<1x16xf32> to vector<16xf32>
        %mul3A_530 = vector.broadcast %squeeze3A_525 : f32 to vector<16xf32>
        %mul3A_531 = arith.mulf %mul3A_530, %get3A_529 : vector<16xf32>
        %slice3A_532 = vector.extract_strided_slice %get3A_503 {offsets = [3], sizes = [1], strides = [1]} : vector<16xf32> to vector<1xf32>
        %squeeze3A_533 = vector.extract %slice3A_532[0] : f32 from vector<1xf32>
        %get3A_534 = arith.index_cast %scan3A_498 : i32 to index
        %get3A_535 = arith.constant 48 : index
        %get3A_536 = tpu.vector_load %arg13[%get3A_534, %get3A_535] {strides = array<i32>} : memref<125x128xf32, #tpu.memory_space<vmem>>, vector<1x16xf32>,
        %get3A_537 = vector.shape_cast %get3A_536 : vector<1x16xf32> to vector<16xf32>
        %mul3A_538 = vector.broadcast %squeeze3A_533 : f32 to vector<16xf32>
        %mul3A_539 = arith.mulf %mul3A_538, %get3A_537 : vector<16xf32>
        %slice3A_540 = vector.extract_strided_slice %get3A_503 {offsets = [4], sizes = [1], strides = [1]} : vector<16xf32> to vector<1xf32>
        %squeeze3A_541 = vector.extract %slice3A_540[0] : f32 from vector<1xf32>
        %get3A_542 = arith.index_cast %scan3A_498 : i32 to index
        %get3A_543 = arith.constant 64 : index
        %get3A_544 = tpu.vector_load %arg13[%get3A_542, %get3A_543] {strides = array<i32>} : memref<125x128xf32, #tpu.memory_space<vmem>>, vector<1x16xf32>,
        %get3A_545 = vector.shape_cast %get3A_544 : vector<1x16xf32> to vector<16xf32>
        %mul3A_546 = vector.broadcast %squeeze3A_541 : f32 to vector<16xf32>
        %mul3A_547 = arith.mulf %mul3A_546, %get3A_545 : vector<16xf32>
        %slice3A_548 = vector.extract_strided_slice %get3A_503 {offsets = [5], sizes = [1], strides = [1]} : vector<16xf32> to vector<1xf32>
        %squeeze3A_549 = vector.extract %slice3A_548[0] : f32 from vector<1xf32>
        %get3A_550 = arith.index_cast %scan3A_498 : i32 to index
        %get3A_551 = arith.constant 80 : index
        %get3A_552 = tpu.vector_load %arg13[%get3A_550, %get3A_551] {strides = array<i32>} : memref<125x128xf32, #tpu.memory_space<vmem>>, vector<1x16xf32>,
        %get3A_553 = vector.shape_cast %get3A_552 : vector<1x16xf32> to vector<16xf32>
        %mul3A_554 = vector.broadcast %squeeze3A_549 : f32 to vector<16xf32>
        %mul3A_555 = arith.mulf %mul3A_554, %get3A_553 : vector<16xf32>
        %slice3A_556 = vector.extract_strided_slice %get3A_503 {offsets = [6], sizes = [1], strides = [1]} : vector<16xf32> to vector<1xf32>
        %squeeze3A_557 = vector.extract %slice3A_556[0] : f32 from vector<1xf32>
        %get3A_558 = arith.index_cast %scan3A_498 : i32 to index
        %get3A_559 = arith.constant 96 : index
        %get3A_560 = tpu.vector_load %arg13[%get3A_558, %get3A_559] {strides = array<i32>} : memref<125x128xf32, #tpu.memory_space<vmem>>, vector<1x16xf32>,
        %get3A_561 = vector.shape_cast %get3A_560 : vector<1x16xf32> to vector<16xf32>
        %mul3A_562 = vector.broadcast %squeeze3A_557 : f32 to vector<16xf32>
        %mul3A_563 = arith.mulf %mul3A_562, %get3A_561 : vector<16xf32>
        %slice3A_564 = vector.extract_strided_slice %get3A_503 {offsets = [7], sizes = [1], strides = [1]} : vector<16xf32> to vector<1xf32>
        %squeeze3A_565 = vector.extract %slice3A_564[0] : f32 from vector<1xf32>
        %get3A_566 = arith.index_cast %scan3A_498 : i32 to index
        %get3A_567 = arith.constant 112 : index
        %get3A_568 = tpu.vector_load %arg13[%get3A_566, %get3A_567] {strides = array<i32>} : memref<125x128xf32, #tpu.memory_space<vmem>>, vector<1x16xf32>,
        %get3A_569 = vector.shape_cast %get3A_568 : vector<1x16xf32> to vector<16xf32>
        %mul3A_570 = vector.broadcast %squeeze3A_565 : f32 to vector<16xf32>
        %mul3A_571 = arith.mulf %mul3A_570, %get3A_569 : vector<16xf32>
        %slice3A_572 = vector.extract_strided_slice %get3A_503 {offsets = [8], sizes = [1], strides = [1]} : vector<16xf32> to vector<1xf32>
        %squeeze3A_573 = vector.extract %slice3A_572[0] : f32 from vector<1xf32>
        %get3A_574 = arith.index_cast %scan3A_498 : i32 to index
        %get3A_575 = arith.constant 0 : index
        %get3A_576 = tpu.vector_load %arg15[%get3A_574, %get3A_575] {strides = array<i32>} : memref<125x128xf32, #tpu.memory_space<vmem>>, vector<1x16xf32>,
        %get3A_577 = vector.shape_cast %get3A_576 : vector<1x16xf32> to vector<16xf32>
        %mul3A_578 = vector.broadcast %squeeze3A_573 : f32 to vector<16xf32>
        %mul3A_579 = arith.mulf %mul3A_578, %get3A_577 : vector<16xf32>
        %slice3A_580 = vector.extract_strided_slice %get3A_503 {offsets = [9], sizes = [1], strides = [1]} : vector<16xf32> to vector<1xf32>
        %squeeze3A_581 = vector.extract %slice3A_580[0] : f32 from vector<1xf32>
        %get3A_582 = arith.index_cast %scan3A_498 : i32 to index
        %get3A_583 = arith.constant 16 : index
        %get3A_584 = tpu.vector_load %arg15[%get3A_582, %get3A_583] {strides = array<i32>} : memref<125x128xf32, #tpu.memory_space<vmem>>, vector<1x16xf32>,
        %get3A_585 = vector.shape_cast %get3A_584 : vector<1x16xf32> to vector<16xf32>
        %mul3A_586 = vector.broadcast %squeeze3A_581 : f32 to vector<16xf32>
        %mul3A_587 = arith.mulf %mul3A_586, %get3A_585 : vector<16xf32>
        %slice3A_588 = vector.extract_strided_slice %get3A_503 {offsets = [10], sizes = [1], strides = [1]} : vector<16xf32> to vector<1xf32>
        %squeeze3A_589 = vector.extract %slice3A_588[0] : f32 from vector<1xf32>
        %get3A_590 = arith.index_cast %scan3A_498 : i32 to index
        %get3A_591 = arith.constant 32 : index
        %get3A_592 = tpu.vector_load %arg15[%get3A_590, %get3A_591] {strides = array<i32>} : memref<125x128xf32, #tpu.memory_space<vmem>>, vector<1x16xf32>,
        %get3A_593 = vector.shape_cast %get3A_592 : vector<1x16xf32> to vector<16xf32>
        %mul3A_594 = vector.broadcast %squeeze3A_589 : f32 to vector<16xf32>
        %mul3A_595 = arith.mulf %mul3A_594, %get3A_593 : vector<16xf32>
        %slice3A_596 = vector.extract_strided_slice %get3A_503 {offsets = [11], sizes = [1], strides = [1]} : vector<16xf32> to vector<1xf32>
        %squeeze3A_597 = vector.extract %slice3A_596[0] : f32 from vector<1xf32>
        %get3A_598 = arith.index_cast %scan3A_498 : i32 to index
        %get3A_599 = arith.constant 48 : index
        %get3A_600 = tpu.vector_load %arg15[%get3A_598, %get3A_599] {strides = array<i32>} : memref<125x128xf32, #tpu.memory_space<vmem>>, vector<1x16xf32>,
        %get3A_601 = vector.shape_cast %get3A_600 : vector<1x16xf32> to vector<16xf32>
        %mul3A_602 = vector.broadcast %squeeze3A_597 : f32 to vector<16xf32>
        %mul3A_603 = arith.mulf %mul3A_602, %get3A_601 : vector<16xf32>
        %slice3A_604 = vector.extract_strided_slice %get3A_503 {offsets = [12], sizes = [1], strides = [1]} : vector<16xf32> to vector<1xf32>
        %squeeze3A_605 = vector.extract %slice3A_604[0] : f32 from vector<1xf32>
        %get3A_606 = arith.index_cast %scan3A_498 : i32 to index
        %get3A_607 = arith.constant 64 : index
        %get3A_608 = tpu.vector_load %arg15[%get3A_606, %get3A_607] {strides = array<i32>} : memref<125x128xf32, #tpu.memory_space<vmem>>, vector<1x16xf32>,
        %get3A_609 = vector.shape_cast %get3A_608 : vector<1x16xf32> to vector<16xf32>
        %mul3A_610 = vector.broadcast %squeeze3A_605 : f32 to vector<16xf32>
        %mul3A_611 = arith.mulf %mul3A_610, %get3A_609 : vector<16xf32>
        %slice3A_612 = vector.extract_strided_slice %get3A_503 {offsets = [13], sizes = [1], strides = [1]} : vector<16xf32> to vector<1xf32>
        %squeeze3A_613 = vector.extract %slice3A_612[0] : f32 from vector<1xf32>
        %get3A_614 = arith.index_cast %scan3A_498 : i32 to index
        %get3A_615 = arith.constant 80 : index
        %get3A_616 = tpu.vector_load %arg15[%get3A_614, %get3A_615] {strides = array<i32>} : memref<125x128xf32, #tpu.memory_space<vmem>>, vector<1x16xf32>,
        %get3A_617 = vector.shape_cast %get3A_616 : vector<1x16xf32> to vector<16xf32>
        %mul3A_618 = vector.broadcast %squeeze3A_613 : f32 to vector<16xf32>
        %mul3A_619 = arith.mulf %mul3A_618, %get3A_617 : vector<16xf32>
        %slice3A_620 = vector.extract_strided_slice %get3A_503 {offsets = [14], sizes = [1], strides = [1]} : vector<16xf32> to vector<1xf32>
        %squeeze3A_621 = vector.extract %slice3A_620[0] : f32 from vector<1xf32>
        %get3A_622 = arith.index_cast %scan3A_498 : i32 to index
        %get3A_623 = arith.constant 96 : index
        %get3A_624 = tpu.vector_load %arg15[%get3A_622, %get3A_623] {strides = array<i32>} : memref<125x128xf32, #tpu.memory_space<vmem>>, vector<1x16xf32>,
        %get3A_625 = vector.shape_cast %get3A_624 : vector<1x16xf32> to vector<16xf32>
        %mul3A_626 = vector.broadcast %squeeze3A_621 : f32 to vector<16xf32>
        %mul3A_627 = arith.mulf %mul3A_626, %get3A_625 : vector<16xf32>
        %slice3A_628 = vector.extract_strided_slice %get3A_503 {offsets = [15], sizes = [1], strides = [1]} : vector<16xf32> to vector<1xf32>
        %squeeze3A_629 = vector.extract %slice3A_628[0] : f32 from vector<1xf32>
        %get3A_630 = arith.index_cast %scan3A_498 : i32 to index
        %get3A_631 = arith.constant 112 : index
        %get3A_632 = tpu.vector_load %arg15[%get3A_630, %get3A_631] {strides = array<i32>} : memref<125x128xf32, #tpu.memory_space<vmem>>, vector<1x16xf32>,
        %get3A_633 = vector.shape_cast %get3A_632 : vector<1x16xf32> to vector<16xf32>
        %mul3A_634 = vector.broadcast %squeeze3A_629 : f32 to vector<16xf32>
        %mul3A_635 = arith.mulf %mul3A_634, %get3A_633 : vector<16xf32>
        %add3A_636 = arith.addf %get3A_507, %mul3A_515 : vector<16xf32>
        %add3A_637 = arith.addf %mul3A_523, %mul3A_531 : vector<16xf32>
        %add3A_638 = arith.addf %mul3A_539, %mul3A_547 : vector<16xf32>
        %add3A_639 = arith.addf %mul3A_555, %mul3A_563 : vector<16xf32>
        %add3A_640 = arith.addf %mul3A_571, %mul3A_579 : vector<16xf32>
        %add3A_641 = arith.addf %mul3A_587, %mul3A_595 : vector<16xf32>
        %add3A_642 = arith.addf %mul3A_603, %mul3A_611 : vector<16xf32>
        %add3A_643 = arith.addf %mul3A_619, %mul3A_627 : vector<16xf32>
        %add3A_644 = arith.addf %add3A_636, %add3A_637 : vector<16xf32>
        %add3A_645 = arith.addf %add3A_638, %add3A_639 : vector<16xf32>
        %add3A_646 = arith.addf %add3A_640, %add3A_641 : vector<16xf32>
        %add3A_647 = arith.addf %add3A_642, %add3A_643 : vector<16xf32>
        %add3A_648 = arith.addf %add3A_644, %add3A_645 : vector<16xf32>
        %add3A_649 = arith.addf %add3A_646, %add3A_647 : vector<16xf32>
        %add3A_650 = arith.addf %add3A_648, %add3A_649 : vector<16xf32>
        %add3A_651 = arith.addf %add3A_650, %mul3A_635 : vector<16xf32>
        %swap3A_652 = arith.index_cast %scan3A_498 : i32 to index
        %swap3A_653 = arith.constant 0 : index
        %swap3A_654 = tpu.vector_load %arg21[%swap3A_652, %swap3A_653] {strides = array<i32>} : memref<125x16xf32, #tpu.memory_space<vmem>>, vector<1x16xf32>,
        %swap3A_655 = vector.shape_cast %swap3A_654 : vector<1x16xf32> to vector<16xf32>
        %swap3A_656 = vector.shape_cast %add3A_651 : vector<16xf32> to vector<1x16xf32>
        tpu.vector_store %arg21[%swap3A_652, %swap3A_653], %swap3A_656 {strides = array<i32>} : memref<125x16xf32, #tpu.memory_space<vmem>>, vector<1x16xf32>,
        %scan3A_657 = arith.constant 3 : i32
        %scan3A_658 = arith.addi %scan3A_182, %scan3A_657 : i32
        %mul3A_659 = arith.constant 16 : i32
        %mul3A_660 = arith.muli %scan3A_658, %mul3A_659 : i32
        %get3A_661 = arith.index_cast %mul3A_660 : i32 to index
        %get3A_662 = tpu.vector_load %arg19[%get3A_661] {strides = array<i32>} : memref<2000xf32, #tpu.memory_space<vmem>>, vector<16xf32>,
        %get3A_663 = vector.shape_cast %get3A_662 : vector<16xf32> to vector<16xf32>
        %get3A_664 = arith.index_cast %scan3A_658 : i32 to index
        %get3A_665 = arith.constant 0 : index
        %get3A_666 = tpu.vector_load %arg17[%get3A_664, %get3A_665] {strides = array<i32>} : memref<125x16xf32, #tpu.memory_space<vmem>>, vector<1x16xf32>,
        %get3A_667 = vector.shape_cast %get3A_666 : vector<1x16xf32> to vector<16xf32>
        %slice3A_668 = vector.extract_strided_slice %get3A_663 {offsets = [0], sizes = [1], strides = [1]} : vector<16xf32> to vector<1xf32>
        %squeeze3A_669 = vector.extract %slice3A_668[0] : f32 from vector<1xf32>
        %get3A_670 = arith.index_cast %scan3A_658 : i32 to index
        %get3A_671 = arith.constant 0 : index
        %get3A_672 = tpu.vector_load %arg13[%get3A_670, %get3A_671] {strides = array<i32>} : memref<125x128xf32, #tpu.memory_space<vmem>>, vector<1x16xf32>,
        %get3A_673 = vector.shape_cast %get3A_672 : vector<1x16xf32> to vector<16xf32>
        %mul3A_674 = vector.broadcast %squeeze3A_669 : f32 to vector<16xf32>
        %mul3A_675 = arith.mulf %mul3A_674, %get3A_673 : vector<16xf32>
        %slice3A_676 = vector.extract_strided_slice %get3A_663 {offsets = [1], sizes = [1], strides = [1]} : vector<16xf32> to vector<1xf32>
        %squeeze3A_677 = vector.extract %slice3A_676[0] : f32 from vector<1xf32>
        %get3A_678 = arith.index_cast %scan3A_658 : i32 to index
        %get3A_679 = arith.constant 16 : index
        %get3A_680 = tpu.vector_load %arg13[%get3A_678, %get3A_679] {strides = array<i32>} : memref<125x128xf32, #tpu.memory_space<vmem>>, vector<1x16xf32>,
        %get3A_681 = vector.shape_cast %get3A_680 : vector<1x16xf32> to vector<16xf32>
        %mul3A_682 = vector.broadcast %squeeze3A_677 : f32 to vector<16xf32>
        %mul3A_683 = arith.mulf %mul3A_682, %get3A_681 : vector<16xf32>
        %slice3A_684 = vector.extract_strided_slice %get3A_663 {offsets = [2], sizes = [1], strides = [1]} : vector<16xf32> to vector<1xf32>
        %squeeze3A_685 = vector.extract %slice3A_684[0] : f32 from vector<1xf32>
        %get3A_686 = arith.index_cast %scan3A_658 : i32 to index
        %get3A_687 = arith.constant 32 : index
        %get3A_688 = tpu.vector_load %arg13[%get3A_686, %get3A_687] {strides = array<i32>} : memref<125x128xf32, #tpu.memory_space<vmem>>, vector<1x16xf32>,
        %get3A_689 = vector.shape_cast %get3A_688 : vector<1x16xf32> to vector<16xf32>
        %mul3A_690 = vector.broadcast %squeeze3A_685 : f32 to vector<16xf32>
        %mul3A_691 = arith.mulf %mul3A_690, %get3A_689 : vector<16xf32>
        %slice3A_692 = vector.extract_strided_slice %get3A_663 {offsets = [3], sizes = [1], strides = [1]} : vector<16xf32> to vector<1xf32>
        %squeeze3A_693 = vector.extract %slice3A_692[0] : f32 from vector<1xf32>
        %get3A_694 = arith.index_cast %scan3A_658 : i32 to index
        %get3A_695 = arith.constant 48 : index
        %get3A_696 = tpu.vector_load %arg13[%get3A_694, %get3A_695] {strides = array<i32>} : memref<125x128xf32, #tpu.memory_space<vmem>>, vector<1x16xf32>,
        %get3A_697 = vector.shape_cast %get3A_696 : vector<1x16xf32> to vector<16xf32>
        %mul3A_698 = vector.broadcast %squeeze3A_693 : f32 to vector<16xf32>
        %mul3A_699 = arith.mulf %mul3A_698, %get3A_697 : vector<16xf32>
        %slice3A_700 = vector.extract_strided_slice %get3A_663 {offsets = [4], sizes = [1], strides = [1]} : vector<16xf32> to vector<1xf32>
        %squeeze3A_701 = vector.extract %slice3A_700[0] : f32 from vector<1xf32>
        %get3A_702 = arith.index_cast %scan3A_658 : i32 to index
        %get3A_703 = arith.constant 64 : index
        %get3A_704 = tpu.vector_load %arg13[%get3A_702, %get3A_703] {strides = array<i32>} : memref<125x128xf32, #tpu.memory_space<vmem>>, vector<1x16xf32>,
        %get3A_705 = vector.shape_cast %get3A_704 : vector<1x16xf32> to vector<16xf32>
        %mul3A_706 = vector.broadcast %squeeze3A_701 : f32 to vector<16xf32>
        %mul3A_707 = arith.mulf %mul3A_706, %get3A_705 : vector<16xf32>
        %slice3A_708 = vector.extract_strided_slice %get3A_663 {offsets = [5], sizes = [1], strides = [1]} : vector<16xf32> to vector<1xf32>
        %squeeze3A_709 = vector.extract %slice3A_708[0] : f32 from vector<1xf32>
        %get3A_710 = arith.index_cast %scan3A_658 : i32 to index
        %get3A_711 = arith.constant 80 : index
        %get3A_712 = tpu.vector_load %arg13[%get3A_710, %get3A_711] {strides = array<i32>} : memref<125x128xf32, #tpu.memory_space<vmem>>, vector<1x16xf32>,
        %get3A_713 = vector.shape_cast %get3A_712 : vector<1x16xf32> to vector<16xf32>
        %mul3A_714 = vector.broadcast %squeeze3A_709 : f32 to vector<16xf32>
        %mul3A_715 = arith.mulf %mul3A_714, %get3A_713 : vector<16xf32>
        %slice3A_716 = vector.extract_strided_slice %get3A_663 {offsets = [6], sizes = [1], strides = [1]} : vector<16xf32> to vector<1xf32>
        %squeeze3A_717 = vector.extract %slice3A_716[0] : f32 from vector<1xf32>
        %get3A_718 = arith.index_cast %scan3A_658 : i32 to index
        %get3A_719 = arith.constant 96 : index
        %get3A_720 = tpu.vector_load %arg13[%get3A_718, %get3A_719] {strides = array<i32>} : memref<125x128xf32, #tpu.memory_space<vmem>>, vector<1x16xf32>,
        %get3A_721 = vector.shape_cast %get3A_720 : vector<1x16xf32> to vector<16xf32>
        %mul3A_722 = vector.broadcast %squeeze3A_717 : f32 to vector<16xf32>
        %mul3A_723 = arith.mulf %mul3A_722, %get3A_721 : vector<16xf32>
        %slice3A_724 = vector.extract_strided_slice %get3A_663 {offsets = [7], sizes = [1], strides = [1]} : vector<16xf32> to vector<1xf32>
        %squeeze3A_725 = vector.extract %slice3A_724[0] : f32 from vector<1xf32>
        %get3A_726 = arith.index_cast %scan3A_658 : i32 to index
        %get3A_727 = arith.constant 112 : index
        %get3A_728 = tpu.vector_load %arg13[%get3A_726, %get3A_727] {strides = array<i32>} : memref<125x128xf32, #tpu.memory_space<vmem>>, vector<1x16xf32>,
        %get3A_729 = vector.shape_cast %get3A_728 : vector<1x16xf32> to vector<16xf32>
        %mul3A_730 = vector.broadcast %squeeze3A_725 : f32 to vector<16xf32>
        %mul3A_731 = arith.mulf %mul3A_730, %get3A_729 : vector<16xf32>
        %slice3A_732 = vector.extract_strided_slice %get3A_663 {offsets = [8], sizes = [1], strides = [1]} : vector<16xf32> to vector<1xf32>
        %squeeze3A_733 = vector.extract %slice3A_732[0] : f32 from vector<1xf32>
        %get3A_734 = arith.index_cast %scan3A_658 : i32 to index
        %get3A_735 = arith.constant 0 : index
        %get3A_736 = tpu.vector_load %arg15[%get3A_734, %get3A_735] {strides = array<i32>} : memref<125x128xf32, #tpu.memory_space<vmem>>, vector<1x16xf32>,
        %get3A_737 = vector.shape_cast %get3A_736 : vector<1x16xf32> to vector<16xf32>
        %mul3A_738 = vector.broadcast %squeeze3A_733 : f32 to vector<16xf32>
        %mul3A_739 = arith.mulf %mul3A_738, %get3A_737 : vector<16xf32>
        %slice3A_740 = vector.extract_strided_slice %get3A_663 {offsets = [9], sizes = [1], strides = [1]} : vector<16xf32> to vector<1xf32>
        %squeeze3A_741 = vector.extract %slice3A_740[0] : f32 from vector<1xf32>
        %get3A_742 = arith.index_cast %scan3A_658 : i32 to index
        %get3A_743 = arith.constant 16 : index
        %get3A_744 = tpu.vector_load %arg15[%get3A_742, %get3A_743] {strides = array<i32>} : memref<125x128xf32, #tpu.memory_space<vmem>>, vector<1x16xf32>,
        %get3A_745 = vector.shape_cast %get3A_744 : vector<1x16xf32> to vector<16xf32>
        %mul3A_746 = vector.broadcast %squeeze3A_741 : f32 to vector<16xf32>
        %mul3A_747 = arith.mulf %mul3A_746, %get3A_745 : vector<16xf32>
        %slice3A_748 = vector.extract_strided_slice %get3A_663 {offsets = [10], sizes = [1], strides = [1]} : vector<16xf32> to vector<1xf32>
        %squeeze3A_749 = vector.extract %slice3A_748[0] : f32 from vector<1xf32>
        %get3A_750 = arith.index_cast %scan3A_658 : i32 to index
        %get3A_751 = arith.constant 32 : index
        %get3A_752 = tpu.vector_load %arg15[%get3A_750, %get3A_751] {strides = array<i32>} : memref<125x128xf32, #tpu.memory_space<vmem>>, vector<1x16xf32>,
        %get3A_753 = vector.shape_cast %get3A_752 : vector<1x16xf32> to vector<16xf32>
        %mul3A_754 = vector.broadcast %squeeze3A_749 : f32 to vector<16xf32>
        %mul3A_755 = arith.mulf %mul3A_754, %get3A_753 : vector<16xf32>
        %slice3A_756 = vector.extract_strided_slice %get3A_663 {offsets = [11], sizes = [1], strides = [1]} : vector<16xf32> to vector<1xf32>
        %squeeze3A_757 = vector.extract %slice3A_756[0] : f32 from vector<1xf32>
        %get3A_758 = arith.index_cast %scan3A_658 : i32 to index
        %get3A_759 = arith.constant 48 : index
        %get3A_760 = tpu.vector_load %arg15[%get3A_758, %get3A_759] {strides = array<i32>} : memref<125x128xf32, #tpu.memory_space<vmem>>, vector<1x16xf32>,
        %get3A_761 = vector.shape_cast %get3A_760 : vector<1x16xf32> to vector<16xf32>
        %mul3A_762 = vector.broadcast %squeeze3A_757 : f32 to vector<16xf32>
        %mul3A_763 = arith.mulf %mul3A_762, %get3A_761 : vector<16xf32>
        %slice3A_764 = vector.extract_strided_slice %get3A_663 {offsets = [12], sizes = [1], strides = [1]} : vector<16xf32> to vector<1xf32>
        %squeeze3A_765 = vector.extract %slice3A_764[0] : f32 from vector<1xf32>
        %get3A_766 = arith.index_cast %scan3A_658 : i32 to index
        %get3A_767 = arith.constant 64 : index
        %get3A_768 = tpu.vector_load %arg15[%get3A_766, %get3A_767] {strides = array<i32>} : memref<125x128xf32, #tpu.memory_space<vmem>>, vector<1x16xf32>,
        %get3A_769 = vector.shape_cast %get3A_768 : vector<1x16xf32> to vector<16xf32>
        %mul3A_770 = vector.broadcast %squeeze3A_765 : f32 to vector<16xf32>
        %mul3A_771 = arith.mulf %mul3A_770, %get3A_769 : vector<16xf32>
        %slice3A_772 = vector.extract_strided_slice %get3A_663 {offsets = [13], sizes = [1], strides = [1]} : vector<16xf32> to vector<1xf32>
        %squeeze3A_773 = vector.extract %slice3A_772[0] : f32 from vector<1xf32>
        %get3A_774 = arith.index_cast %scan3A_658 : i32 to index
        %get3A_775 = arith.constant 80 : index
        %get3A_776 = tpu.vector_load %arg15[%get3A_774, %get3A_775] {strides = array<i32>} : memref<125x128xf32, #tpu.memory_space<vmem>>, vector<1x16xf32>,
        %get3A_777 = vector.shape_cast %get3A_776 : vector<1x16xf32> to vector<16xf32>
        %mul3A_778 = vector.broadcast %squeeze3A_773 : f32 to vector<16xf32>
        %mul3A_779 = arith.mulf %mul3A_778, %get3A_777 : vector<16xf32>
        %slice3A_780 = vector.extract_strided_slice %get3A_663 {offsets = [14], sizes = [1], strides = [1]} : vector<16xf32> to vector<1xf32>
        %squeeze3A_781 = vector.extract %slice3A_780[0] : f32 from vector<1xf32>
        %get3A_782 = arith.index_cast %scan3A_658 : i32 to index
        %get3A_783 = arith.constant 96 : index
        %get3A_784 = tpu.vector_load %arg15[%get3A_782, %get3A_783] {strides = array<i32>} : memref<125x128xf32, #tpu.memory_space<vmem>>, vector<1x16xf32>,
        %get3A_785 = vector.shape_cast %get3A_784 : vector<1x16xf32> to vector<16xf32>
        %mul3A_786 = vector.broadcast %squeeze3A_781 : f32 to vector<16xf32>
        %mul3A_787 = arith.mulf %mul3A_786, %get3A_785 : vector<16xf32>
        %slice3A_788 = vector.extract_strided_slice %get3A_663 {offsets = [15], sizes = [1], strides = [1]} : vector<16xf32> to vector<1xf32>
        %squeeze3A_789 = vector.extract %slice3A_788[0] : f32 from vector<1xf32>
        %get3A_790 = arith.index_cast %scan3A_658 : i32 to index
        %get3A_791 = arith.constant 112 : index
        %get3A_792 = tpu.vector_load %arg15[%get3A_790, %get3A_791] {strides = array<i32>} : memref<125x128xf32, #tpu.memory_space<vmem>>, vector<1x16xf32>,
        %get3A_793 = vector.shape_cast %get3A_792 : vector<1x16xf32> to vector<16xf32>
        %mul3A_794 = vector.broadcast %squeeze3A_789 : f32 to vector<16xf32>
        %mul3A_795 = arith.mulf %mul3A_794, %get3A_793 : vector<16xf32>
        %add3A_796 = arith.addf %get3A_667, %mul3A_675 : vector<16xf32>
        %add3A_797 = arith.addf %mul3A_683, %mul3A_691 : vector<16xf32>
        %add3A_798 = arith.addf %mul3A_699, %mul3A_707 : vector<16xf32>
        %add3A_799 = arith.addf %mul3A_715, %mul3A_723 : vector<16xf32>
        %add3A_800 = arith.addf %mul3A_731, %mul3A_739 : vector<16xf32>
        %add3A_801 = arith.addf %mul3A_747, %mul3A_755 : vector<16xf32>
        %add3A_802 = arith.addf %mul3A_763, %mul3A_771 : vector<16xf32>
        %add3A_803 = arith.addf %mul3A_779, %mul3A_787 : vector<16xf32>
        %add3A_804 = arith.addf %add3A_796, %add3A_797 : vector<16xf32>
        %add3A_805 = arith.addf %add3A_798, %add3A_799 : vector<16xf32>
        %add3A_806 = arith.addf %add3A_800, %add3A_801 : vector<16xf32>
        %add3A_807 = arith.addf %add3A_802, %add3A_803 : vector<16xf32>
        %add3A_808 = arith.addf %add3A_804, %add3A_805 : vector<16xf32>
        %add3A_809 = arith.addf %add3A_806, %add3A_807 : vector<16xf32>
        %add3A_810 = arith.addf %add3A_808, %add3A_809 : vector<16xf32>
        %add3A_811 = arith.addf %add3A_810, %mul3A_795 : vector<16xf32>
        %swap3A_812 = arith.index_cast %scan3A_658 : i32 to index
        %swap3A_813 = arith.constant 0 : index
        %swap3A_814 = tpu.vector_load %arg21[%swap3A_812, %swap3A_813] {strides = array<i32>} : memref<125x16xf32, #tpu.memory_space<vmem>>, vector<1x16xf32>,
        %swap3A_815 = vector.shape_cast %swap3A_814 : vector<1x16xf32> to vector<16xf32>
        %swap3A_816 = vector.shape_cast %add3A_811 : vector<16xf32> to vector<1x16xf32>
        tpu.vector_store %arg21[%swap3A_812, %swap3A_813], %swap3A_816 {strides = array<i32>} : memref<125x16xf32, #tpu.memory_space<vmem>>, vector<1x16xf32>,
        %scan3A_817 = arith.constant 4 : i32
        %scan3A_818 = arith.addi %scan3A_182, %scan3A_817 : i32
        %mul3A_819 = arith.constant 16 : i32
        %mul3A_820 = arith.muli %scan3A_818, %mul3A_819 : i32
        %get3A_821 = arith.index_cast %mul3A_820 : i32 to index
        %get3A_822 = tpu.vector_load %arg19[%get3A_821] {strides = array<i32>} : memref<2000xf32, #tpu.memory_space<vmem>>, vector<16xf32>,
        %get3A_823 = vector.shape_cast %get3A_822 : vector<16xf32> to vector<16xf32>
        %get3A_824 = arith.index_cast %scan3A_818 : i32 to index
        %get3A_825 = arith.constant 0 : index
        %get3A_826 = tpu.vector_load %arg17[%get3A_824, %get3A_825] {strides = array<i32>} : memref<125x16xf32, #tpu.memory_space<vmem>>, vector<1x16xf32>,
        %get3A_827 = vector.shape_cast %get3A_826 : vector<1x16xf32> to vector<16xf32>
        %slice3A_828 = vector.extract_strided_slice %get3A_823 {offsets = [0], sizes = [1], strides = [1]} : vector<16xf32> to vector<1xf32>
        %squeeze3A_829 = vector.extract %slice3A_828[0] : f32 from vector<1xf32>
        %get3A_830 = arith.index_cast %scan3A_818 : i32 to index
        %get3A_831 = arith.constant 0 : index
        %get3A_832 = tpu.vector_load %arg13[%get3A_830, %get3A_831] {strides = array<i32>} : memref<125x128xf32, #tpu.memory_space<vmem>>, vector<1x16xf32>,
        %get3A_833 = vector.shape_cast %get3A_832 : vector<1x16xf32> to vector<16xf32>
        %mul3A_834 = vector.broadcast %squeeze3A_829 : f32 to vector<16xf32>
        %mul3A_835 = arith.mulf %mul3A_834, %get3A_833 : vector<16xf32>
        %slice3A_836 = vector.extract_strided_slice %get3A_823 {offsets = [1], sizes = [1], strides = [1]} : vector<16xf32> to vector<1xf32>
        %squeeze3A_837 = vector.extract %slice3A_836[0] : f32 from vector<1xf32>
        %get3A_838 = arith.index_cast %scan3A_818 : i32 to index
        %get3A_839 = arith.constant 16 : index
        %get3A_840 = tpu.vector_load %arg13[%get3A_838, %get3A_839] {strides = array<i32>} : memref<125x128xf32, #tpu.memory_space<vmem>>, vector<1x16xf32>,
        %get3A_841 = vector.shape_cast %get3A_840 : vector<1x16xf32> to vector<16xf32>
        %mul3A_842 = vector.broadcast %squeeze3A_837 : f32 to vector<16xf32>
        %mul3A_843 = arith.mulf %mul3A_842, %get3A_841 : vector<16xf32>
        %slice3A_844 = vector.extract_strided_slice %get3A_823 {offsets = [2], sizes = [1], strides = [1]} : vector<16xf32> to vector<1xf32>
        %squeeze3A_845 = vector.extract %slice3A_844[0] : f32 from vector<1xf32>
        %get3A_846 = arith.index_cast %scan3A_818 : i32 to index
        %get3A_847 = arith.constant 32 : index
        %get3A_848 = tpu.vector_load %arg13[%get3A_846, %get3A_847] {strides = array<i32>} : memref<125x128xf32, #tpu.memory_space<vmem>>, vector<1x16xf32>,
        %get3A_849 = vector.shape_cast %get3A_848 : vector<1x16xf32> to vector<16xf32>
        %mul3A_850 = vector.broadcast %squeeze3A_845 : f32 to vector<16xf32>
        %mul3A_851 = arith.mulf %mul3A_850, %get3A_849 : vector<16xf32>
        %slice3A_852 = vector.extract_strided_slice %get3A_823 {offsets = [3], sizes = [1], strides = [1]} : vector<16xf32> to vector<1xf32>
        %squeeze3A_853 = vector.extract %slice3A_852[0] : f32 from vector<1xf32>
        %get3A_854 = arith.index_cast %scan3A_818 : i32 to index
        %get3A_855 = arith.constant 48 : index
        %get3A_856 = tpu.vector_load %arg13[%get3A_854, %get3A_855] {strides = array<i32>} : memref<125x128xf32, #tpu.memory_space<vmem>>, vector<1x16xf32>,
        %get3A_857 = vector.shape_cast %get3A_856 : vector<1x16xf32> to vector<16xf32>
        %mul3A_858 = vector.broadcast %squeeze3A_853 : f32 to vector<16xf32>
        %mul3A_859 = arith.mulf %mul3A_858, %get3A_857 : vector<16xf32>
        %slice3A_860 = vector.extract_strided_slice %get3A_823 {offsets = [4], sizes = [1], strides = [1]} : vector<16xf32> to vector<1xf32>
        %squeeze3A_861 = vector.extract %slice3A_860[0] : f32 from vector<1xf32>
        %get3A_862 = arith.index_cast %scan3A_818 : i32 to index
        %get3A_863 = arith.constant 64 : index
        %get3A_864 = tpu.vector_load %arg13[%get3A_862, %get3A_863] {strides = array<i32>} : memref<125x128xf32, #tpu.memory_space<vmem>>, vector<1x16xf32>,
        %get3A_865 = vector.shape_cast %get3A_864 : vector<1x16xf32> to vector<16xf32>
        %mul3A_866 = vector.broadcast %squeeze3A_861 : f32 to vector<16xf32>
        %mul3A_867 = arith.mulf %mul3A_866, %get3A_865 : vector<16xf32>
        %slice3A_868 = vector.extract_strided_slice %get3A_823 {offsets = [5], sizes = [1], strides = [1]} : vector<16xf32> to vector<1xf32>
        %squeeze3A_869 = vector.extract %slice3A_868[0] : f32 from vector<1xf32>
        %get3A_870 = arith.index_cast %scan3A_818 : i32 to index
        %get3A_871 = arith.constant 80 : index
        %get3A_872 = tpu.vector_load %arg13[%get3A_870, %get3A_871] {strides = array<i32>} : memref<125x128xf32, #tpu.memory_space<vmem>>, vector<1x16xf32>,
        %get3A_873 = vector.shape_cast %get3A_872 : vector<1x16xf32> to vector<16xf32>
        %mul3A_874 = vector.broadcast %squeeze3A_869 : f32 to vector<16xf32>
        %mul3A_875 = arith.mulf %mul3A_874, %get3A_873 : vector<16xf32>
        %slice3A_876 = vector.extract_strided_slice %get3A_823 {offsets = [6], sizes = [1], strides = [1]} : vector<16xf32> to vector<1xf32>
        %squeeze3A_877 = vector.extract %slice3A_876[0] : f32 from vector<1xf32>
        %get3A_878 = arith.index_cast %scan3A_818 : i32 to index
        %get3A_879 = arith.constant 96 : index
        %get3A_880 = tpu.vector_load %arg13[%get3A_878, %get3A_879] {strides = array<i32>} : memref<125x128xf32, #tpu.memory_space<vmem>>, vector<1x16xf32>,
        %get3A_881 = vector.shape_cast %get3A_880 : vector<1x16xf32> to vector<16xf32>
        %mul3A_882 = vector.broadcast %squeeze3A_877 : f32 to vector<16xf32>
        %mul3A_883 = arith.mulf %mul3A_882, %get3A_881 : vector<16xf32>
        %slice3A_884 = vector.extract_strided_slice %get3A_823 {offsets = [7], sizes = [1], strides = [1]} : vector<16xf32> to vector<1xf32>
        %squeeze3A_885 = vector.extract %slice3A_884[0] : f32 from vector<1xf32>
        %get3A_886 = arith.index_cast %scan3A_818 : i32 to index
        %get3A_887 = arith.constant 112 : index
        %get3A_888 = tpu.vector_load %arg13[%get3A_886, %get3A_887] {strides = array<i32>} : memref<125x128xf32, #tpu.memory_space<vmem>>, vector<1x16xf32>,
        %get3A_889 = vector.shape_cast %get3A_888 : vector<1x16xf32> to vector<16xf32>
        %mul3A_890 = vector.broadcast %squeeze3A_885 : f32 to vector<16xf32>
        %mul3A_891 = arith.mulf %mul3A_890, %get3A_889 : vector<16xf32>
        %slice3A_892 = vector.extract_strided_slice %get3A_823 {offsets = [8], sizes = [1], strides = [1]} : vector<16xf32> to vector<1xf32>
        %squeeze3A_893 = vector.extract %slice3A_892[0] : f32 from vector<1xf32>
        %get3A_894 = arith.index_cast %scan3A_818 : i32 to index
        %get3A_895 = arith.constant 0 : index
        %get3A_896 = tpu.vector_load %arg15[%get3A_894, %get3A_895] {strides = array<i32>} : memref<125x128xf32, #tpu.memory_space<vmem>>, vector<1x16xf32>,
        %get3A_897 = vector.shape_cast %get3A_896 : vector<1x16xf32> to vector<16xf32>
        %mul3A_898 = vector.broadcast %squeeze3A_893 : f32 to vector<16xf32>
        %mul3A_899 = arith.mulf %mul3A_898, %get3A_897 : vector<16xf32>
        %slice3A_900 = vector.extract_strided_slice %get3A_823 {offsets = [9], sizes = [1], strides = [1]} : vector<16xf32> to vector<1xf32>
        %squeeze3A_901 = vector.extract %slice3A_900[0] : f32 from vector<1xf32>
        %get3A_902 = arith.index_cast %scan3A_818 : i32 to index
        %get3A_903 = arith.constant 16 : index
        %get3A_904 = tpu.vector_load %arg15[%get3A_902, %get3A_903] {strides = array<i32>} : memref<125x128xf32, #tpu.memory_space<vmem>>, vector<1x16xf32>,
        %get3A_905 = vector.shape_cast %get3A_904 : vector<1x16xf32> to vector<16xf32>
        %mul3A_906 = vector.broadcast %squeeze3A_901 : f32 to vector<16xf32>
        %mul3A_907 = arith.mulf %mul3A_906, %get3A_905 : vector<16xf32>
        %slice3A_908 = vector.extract_strided_slice %get3A_823 {offsets = [10], sizes = [1], strides = [1]} : vector<16xf32> to vector<1xf32>
        %squeeze3A_909 = vector.extract %slice3A_908[0] : f32 from vector<1xf32>
        %get3A_910 = arith.index_cast %scan3A_818 : i32 to index
        %get3A_911 = arith.constant 32 : index
        %get3A_912 = tpu.vector_load %arg15[%get3A_910, %get3A_911] {strides = array<i32>} : memref<125x128xf32, #tpu.memory_space<vmem>>, vector<1x16xf32>,
        %get3A_913 = vector.shape_cast %get3A_912 : vector<1x16xf32> to vector<16xf32>
        %mul3A_914 = vector.broadcast %squeeze3A_909 : f32 to vector<16xf32>
        %mul3A_915 = arith.mulf %mul3A_914, %get3A_913 : vector<16xf32>
        %slice3A_916 = vector.extract_strided_slice %get3A_823 {offsets = [11], sizes = [1], strides = [1]} : vector<16xf32> to vector<1xf32>
        %squeeze3A_917 = vector.extract %slice3A_916[0] : f32 from vector<1xf32>
        %get3A_918 = arith.index_cast %scan3A_818 : i32 to index
        %get3A_919 = arith.constant 48 : index
        %get3A_920 = tpu.vector_load %arg15[%get3A_918, %get3A_919] {strides = array<i32>} : memref<125x128xf32, #tpu.memory_space<vmem>>, vector<1x16xf32>,
        %get3A_921 = vector.shape_cast %get3A_920 : vector<1x16xf32> to vector<16xf32>
        %mul3A_922 = vector.broadcast %squeeze3A_917 : f32 to vector<16xf32>
        %mul3A_923 = arith.mulf %mul3A_922, %get3A_921 : vector<16xf32>
        %slice3A_924 = vector.extract_strided_slice %get3A_823 {offsets = [12], sizes = [1], strides = [1]} : vector<16xf32> to vector<1xf32>
        %squeeze3A_925 = vector.extract %slice3A_924[0] : f32 from vector<1xf32>
        %get3A_926 = arith.index_cast %scan3A_818 : i32 to index
        %get3A_927 = arith.constant 64 : index
        %get3A_928 = tpu.vector_load %arg15[%get3A_926, %get3A_927] {strides = array<i32>} : memref<125x128xf32, #tpu.memory_space<vmem>>, vector<1x16xf32>,
        %get3A_929 = vector.shape_cast %get3A_928 : vector<1x16xf32> to vector<16xf32>
        %mul3A_930 = vector.broadcast %squeeze3A_925 : f32 to vector<16xf32>
        %mul3A_931 = arith.mulf %mul3A_930, %get3A_929 : vector<16xf32>
        %slice3A_932 = vector.extract_strided_slice %get3A_823 {offsets = [13], sizes = [1], strides = [1]} : vector<16xf32> to vector<1xf32>
        %squeeze3A_933 = vector.extract %slice3A_932[0] : f32 from vector<1xf32>
        %get3A_934 = arith.index_cast %scan3A_818 : i32 to index
        %get3A_935 = arith.constant 80 : index
        %get3A_936 = tpu.vector_load %arg15[%get3A_934, %get3A_935] {strides = array<i32>} : memref<125x128xf32, #tpu.memory_space<vmem>>, vector<1x16xf32>,
        %get3A_937 = vector.shape_cast %get3A_936 : vector<1x16xf32> to vector<16xf32>
        %mul3A_938 = vector.broadcast %squeeze3A_933 : f32 to vector<16xf32>
        %mul3A_939 = arith.mulf %mul3A_938, %get3A_937 : vector<16xf32>
        %slice3A_940 = vector.extract_strided_slice %get3A_823 {offsets = [14], sizes = [1], strides = [1]} : vector<16xf32> to vector<1xf32>
        %squeeze3A_941 = vector.extract %slice3A_940[0] : f32 from vector<1xf32>
        %get3A_942 = arith.index_cast %scan3A_818 : i32 to index
        %get3A_943 = arith.constant 96 : index
        %get3A_944 = tpu.vector_load %arg15[%get3A_942, %get3A_943] {strides = array<i32>} : memref<125x128xf32, #tpu.memory_space<vmem>>, vector<1x16xf32>,
        %get3A_945 = vector.shape_cast %get3A_944 : vector<1x16xf32> to vector<16xf32>
        %mul3A_946 = vector.broadcast %squeeze3A_941 : f32 to vector<16xf32>
        %mul3A_947 = arith.mulf %mul3A_946, %get3A_945 : vector<16xf32>
        %slice3A_948 = vector.extract_strided_slice %get3A_823 {offsets = [15], sizes = [1], strides = [1]} : vector<16xf32> to vector<1xf32>
        %squeeze3A_949 = vector.extract %slice3A_948[0] : f32 from vector<1xf32>
        %get3A_950 = arith.index_cast %scan3A_818 : i32 to index
        %get3A_951 = arith.constant 112 : index
        %get3A_952 = tpu.vector_load %arg15[%get3A_950, %get3A_951] {strides = array<i32>} : memref<125x128xf32, #tpu.memory_space<vmem>>, vector<1x16xf32>,
        %get3A_953 = vector.shape_cast %get3A_952 : vector<1x16xf32> to vector<16xf32>
        %mul3A_954 = vector.broadcast %squeeze3A_949 : f32 to vector<16xf32>
        %mul3A_955 = arith.mulf %mul3A_954, %get3A_953 : vector<16xf32>
        %add3A_956 = arith.addf %get3A_827, %mul3A_835 : vector<16xf32>
        %add3A_957 = arith.addf %mul3A_843, %mul3A_851 : vector<16xf32>
        %add3A_958 = arith.addf %mul3A_859, %mul3A_867 : vector<16xf32>
        %add3A_959 = arith.addf %mul3A_875, %mul3A_883 : vector<16xf32>
        %add3A_960 = arith.addf %mul3A_891, %mul3A_899 : vector<16xf32>
        %add3A_961 = arith.addf %mul3A_907, %mul3A_915 : vector<16xf32>
        %add3A_962 = arith.addf %mul3A_923, %mul3A_931 : vector<16xf32>
        %add3A_963 = arith.addf %mul3A_939, %mul3A_947 : vector<16xf32>
        %add3A_964 = arith.addf %add3A_956, %add3A_957 : vector<16xf32>
        %add3A_965 = arith.addf %add3A_958, %add3A_959 : vector<16xf32>
        %add3A_966 = arith.addf %add3A_960, %add3A_961 : vector<16xf32>
        %add3A_967 = arith.addf %add3A_962, %add3A_963 : vector<16xf32>
        %add3A_968 = arith.addf %add3A_964, %add3A_965 : vector<16xf32>
        %add3A_969 = arith.addf %add3A_966, %add3A_967 : vector<16xf32>
        %add3A_970 = arith.addf %add3A_968, %add3A_969 : vector<16xf32>
        %add3A_971 = arith.addf %add3A_970, %mul3A_955 : vector<16xf32>
        %swap3A_972 = arith.index_cast %scan3A_818 : i32 to index
        %swap3A_973 = arith.constant 0 : index
        %swap3A_974 = tpu.vector_load %arg21[%swap3A_972, %swap3A_973] {strides = array<i32>} : memref<125x16xf32, #tpu.memory_space<vmem>>, vector<1x16xf32>,
        %swap3A_975 = vector.shape_cast %swap3A_974 : vector<1x16xf32> to vector<16xf32>
        %swap3A_976 = vector.shape_cast %add3A_971 : vector<16xf32> to vector<1x16xf32>
        tpu.vector_store %arg21[%swap3A_972, %swap3A_973], %swap3A_976 {strides = array<i32>} : memref<125x16xf32, #tpu.memory_space<vmem>>, vector<1x16xf32>,
      }
      %scan3A_175 = arith.constant 125 : i32
      %dma_start3A_176 = arith.constant 0 : i32
      %dma_start3A_177 = tpu.memref_slice %arg11[%add3A_141, %dma_start3A_176] : memref<40x125xi32, #tpu.memory_space<vmem>> -> memref<1x125xi32, #tpu.memory_space<vmem>>
      %dma_start3A_178 = tpu.memref_squeeze %dma_start3A_177 : memref<1x125xi32, #tpu.memory_space<vmem>> -> memref<125xi32, #tpu.memory_space<vmem>>
      %dma_start3A_179 = arith.constant 0 : i32
      %dma_start3A_180 = arith.constant 0 : i32
      %dma_start3A_181 = tpu.memref_slice %arg23[%dma_start3A_179, %dma_start3A_180] : memref<10240x16xf32, #tpu.memory_space<vmem_shared>> -> memref<10240x16xf32, #tpu.memory_space<vmem_shared>>
      tpu.enqueue_indirect_dma source(%arg21 : memref<125x16xf32, #tpu.memory_space<vmem>>) target(%dma_start3A_181 : memref<10240x16xf32, #tpu.memory_space<vmem_shared>>) offsets(%dma_start3A_178 : memref<125xi32, #tpu.memory_space<vmem>>) semaphore(%arg27 : memref<!tpu.dma_semaphore, #tpu.memory_space<semaphore_mem>>) {add = true}
    }
    %scan3A_41 = arith.constant 20 : i32
    %dma_wait3A = arith.constant 0 : i32
    %dma_wait3A_42 = arith.constant 0 : i32
    %dma_wait3A_43 = tpu.memref_slice %arg11[%dma_wait3A, %dma_wait3A_42] : memref<40x125xi32, #tpu.memory_space<vmem>> -> memref<1x125xi32, #tpu.memory_space<vmem>>
    %dma_wait3A_44 = tpu.memref_squeeze %dma_wait3A_43 : memref<1x125xi32, #tpu.memory_space<vmem>> -> memref<125xi32, #tpu.memory_space<vmem>>
    %dma_wait3A_45 = arith.constant 0 : i32
    %dma_wait3A_46 = arith.constant 0 : i32
    %dma_wait3A_47 = tpu.memref_slice %arg23[%dma_wait3A_45, %dma_wait3A_46] : memref<10240x16xf32, #tpu.memory_space<vmem_shared>> -> memref<10240x16xf32, #tpu.memory_space<vmem_shared>>
    tpu.wait_indirect_dma semaphore(%arg26 : memref<!tpu.dma_semaphore, #tpu.memory_space<semaphore_mem>>) src(%arg20 : memref<125x16xf32, #tpu.memory_space<vmem>>) dst(%dma_wait3A_47 : memref<10240x16xf32, #tpu.memory_space<vmem_shared>>)
    %dma_wait3A_48 = arith.constant 0 : i32
    %dma_wait3A_49 = arith.constant 0 : i32
    %dma_wait3A_50 = tpu.memref_slice %arg11[%dma_wait3A_48, %dma_wait3A_49] : memref<40x125xi32, #tpu.memory_space<vmem>> -> memref<1x125xi32, #tpu.memory_space<vmem>>
    %dma_wait3A_51 = tpu.memref_squeeze %dma_wait3A_50 : memref<1x125xi32, #tpu.memory_space<vmem>> -> memref<125xi32, #tpu.memory_space<vmem>>
    %dma_wait3A_52 = arith.constant 0 : i32
    %dma_wait3A_53 = arith.constant 0 : i32
    %dma_wait3A_54 = tpu.memref_slice %arg23[%dma_wait3A_52, %dma_wait3A_53] : memref<10240x16xf32, #tpu.memory_space<vmem_shared>> -> memref<10240x16xf32, #tpu.memory_space<vmem_shared>>
    tpu.wait_indirect_dma semaphore(%arg27 : memref<!tpu.dma_semaphore, #tpu.memory_space<semaphore_mem>>) src(%arg21 : memref<125x16xf32, #tpu.memory_space<vmem>>) dst(%dma_wait3A_54 : memref<10240x16xf32, #tpu.memory_space<vmem_shared>>)
    %barrier3A_55 = arith.constant 0 : index
    tpu.barrier barrier_id(%barrier3A_55)
    %mul3A_56 = arith.constant 640 : i32
    %mul3A_57 = arith.muli %arg1, %mul3A_56 : i32
    %eq3A = arith.constant 0 : i32
    %eq3A_58 = arith.cmpi eq, %arg0, %eq3A : i32
    %convert_element_type3A = arith.extui %eq3A_58 : i1 to i32
    %cond3A = arith.constant 0 : i32
    %cond3A_59 = arith.cmpi ne, %convert_element_type3A, %cond3A : i32
    scf.if %cond3A_59 {
      "tpu.region"() ({
        %run_scoped3A = tpu.sem_alloc : memref<!tpu.dma_semaphore, #tpu.memory_space<semaphore_mem>>
        %dma_start3A_65 = arith.constant 0 : i32
        %dma_start3A_66 = tpu.memref_slice %arg8[%mul3A_57, %dma_start3A_65] : memref<10240x16xf32, #tpu.memory_space<hbm>> -> memref<640x16xf32, #tpu.memory_space<hbm>>
        %dma_start3A_67 = arith.constant 0 : i32
        %dma_start3A_68 = tpu.memref_slice %arg23[%mul3A_57, %dma_start3A_67] : memref<10240x16xf32, #tpu.memory_space<vmem_shared>> -> memref<640x16xf32, #tpu.memory_space<vmem_shared>>
        tpu.enqueue_dma source(%dma_start3A_68 : memref<640x16xf32, #tpu.memory_space<vmem_shared>>) target(%dma_start3A_66 : memref<640x16xf32, #tpu.memory_space<hbm>>) target_semaphore(%run_scoped3A : memref<!tpu.dma_semaphore, #tpu.memory_space<semaphore_mem>>)
        %dma_wait3A_69 = arith.constant 0 : i32
        %dma_wait3A_70 = tpu.memref_slice %arg8[%mul3A_57, %dma_wait3A_69] : memref<10240x16xf32, #tpu.memory_space<hbm>> -> memref<640x16xf32, #tpu.memory_space<hbm>>
        %dma_wait3A_71 = arith.constant 0 : i32
        %dma_wait3A_72 = tpu.memref_slice %arg23[%mul3A_57, %dma_wait3A_71] : memref<10240x16xf32, #tpu.memory_space<vmem_shared>> -> memref<640x16xf32, #tpu.memory_space<vmem_shared>>
        tpu.wait_dma2 semaphore(%run_scoped3A : memref<!tpu.dma_semaphore, #tpu.memory_space<semaphore_mem>>) src(%dma_wait3A_72 : memref<640x16xf32, #tpu.memory_space<vmem_shared>>) dst(%dma_wait3A_70 : memref<640x16xf32, #tpu.memory_space<hbm>>)
        tpu.yield
      }) : () -> ()
    } else {
    }
    %eq3A_60 = arith.constant 1 : i32
    %eq3A_61 = arith.cmpi eq, %arg0, %eq3A_60 : i32
    %convert_element_type3A_62 = arith.extui %eq3A_61 : i1 to i32
    %cond3A_63 = arith.constant 0 : i32
    %cond3A_64 = arith.cmpi ne, %convert_element_type3A_62, %cond3A_63 : i32
    scf.if %cond3A_64 {
      "tpu.region"() ({
        %run_scoped3A = tpu.sem_alloc : memref<!tpu.dma_semaphore, #tpu.memory_space<semaphore_mem>>
        %dma_start3A_65 = arith.constant 0 : i32
        %dma_start3A_66 = tpu.memref_slice %arg9[%mul3A_57, %dma_start3A_65] : memref<10240x16xf32, #tpu.memory_space<hbm>> -> memref<640x16xf32, #tpu.memory_space<hbm>>
        %dma_start3A_67 = arith.constant 0 : i32
        %dma_start3A_68 = tpu.memref_slice %arg23[%mul3A_57, %dma_start3A_67] : memref<10240x16xf32, #tpu.memory_space<vmem_shared>> -> memref<640x16xf32, #tpu.memory_space<vmem_shared>>
        tpu.enqueue_dma source(%dma_start3A_68 : memref<640x16xf32, #tpu.memory_space<vmem_shared>>) target(%dma_start3A_66 : memref<640x16xf32, #tpu.memory_space<hbm>>) target_semaphore(%run_scoped3A : memref<!tpu.dma_semaphore, #tpu.memory_space<semaphore_mem>>)
        %dma_wait3A_69 = arith.constant 0 : i32
        %dma_wait3A_70 = tpu.memref_slice %arg9[%mul3A_57, %dma_wait3A_69] : memref<10240x16xf32, #tpu.memory_space<hbm>> -> memref<640x16xf32, #tpu.memory_space<hbm>>
        %dma_wait3A_71 = arith.constant 0 : i32
        %dma_wait3A_72 = tpu.memref_slice %arg23[%mul3A_57, %dma_wait3A_71] : memref<10240x16xf32, #tpu.memory_space<vmem_shared>> -> memref<640x16xf32, #tpu.memory_space<vmem_shared>>
        tpu.wait_dma2 semaphore(%run_scoped3A : memref<!tpu.dma_semaphore, #tpu.memory_space<semaphore_mem>>) src(%dma_wait3A_72 : memref<640x16xf32, #tpu.memory_space<vmem_shared>>) dst(%dma_wait3A_70 : memref<640x16xf32, #tpu.memory_space<hbm>>)
        tpu.yield
      }) : () -> ()
    } else {
    }
    return
  }
}

module attributes {stable_mosaic.version = 14 : i64} {
  func.func @_pre_body(%arg0: i32, %arg1: memref<1000x128xf32, #tpu.memory_space<vmem>>, %arg2: memref<128x128xf32, #tpu.memory_space<vmem>>, %arg3: memref<128x128xf32, #tpu.memory_space<vmem>>, %arg4: memref<128x16xf32, #tpu.memory_space<vmem>>, %arg5: memref<2000x128xf32, #tpu.memory_space<vmem>>, %arg6: memref<128x128xf32, #tpu.memory_space<vmem>>, %arg7: memref<1x128xf32, #tpu.memory_space<vmem>>, %arg8: memref<128x16xf32, #tpu.memory_space<vmem>>, %arg9: memref<1x16xf32, #tpu.memory_space<vmem>>, %arg10: memref<1000x128xf32, #tpu.memory_space<vmem>>, %arg11: memref<1000x128xf32, #tpu.memory_space<vmem>>, %arg12: memref<1000x16xf32, #tpu.memory_space<vmem>>, %arg13: memref<2000x128xf32, #tpu.memory_space<vmem>>, %arg14: memref<1000x16xf32, #tpu.memory_space<vmem>>) attributes {dimension_semantics = [#tpu.dimension_semantics<arbitrary>], iteration_bounds = array<i64: 10>, scalar_prefetch = 0 : i64, scratch_operands = 0 : i64, tpu.core_type = #tpu.core_type<tc>, window_params = [{transform_indices = @transform_0, window_bounds = array<i64: 1000, 128>}, {pipeline_mode = #tpu.pipeline_mode<synchronous>, transform_indices = @transform_1, window_bounds = array<i64: 128, 128>}, {pipeline_mode = #tpu.pipeline_mode<synchronous>, transform_indices = @transform_2, window_bounds = array<i64: 128, 128>}, {pipeline_mode = #tpu.pipeline_mode<synchronous>, transform_indices = @transform_3, window_bounds = array<i64: 128, 16>}, {transform_indices = @transform_4, window_bounds = array<i64: 2000, 128>}, {pipeline_mode = #tpu.pipeline_mode<synchronous>, transform_indices = @transform_5, window_bounds = array<i64: 128, 128>}, {pipeline_mode = #tpu.pipeline_mode<synchronous>, transform_indices = @transform_6, window_bounds = array<i64: 1, 128>}, {pipeline_mode = #tpu.pipeline_mode<synchronous>, transform_indices = @transform_7, window_bounds = array<i64: 128, 16>}, {pipeline_mode = #tpu.pipeline_mode<synchronous>, transform_indices = @transform_8, window_bounds = array<i64: 1, 16>}, {transform_indices = @transform_9, window_bounds = array<i64: 1000, 128>}, {transform_indices = @transform_10, window_bounds = array<i64: 1000, 128>}, {transform_indices = @transform_11, window_bounds = array<i64: 1000, 16>}, {transform_indices = @transform_12, window_bounds = array<i64: 2000, 128>}, {transform_indices = @transform_13, window_bounds = array<i64: 1000, 16>}]} {
    %get3A = arith.constant 0 : index
    %get3A_0 = arith.constant 0 : index
    %get3A_1 = vector.load %arg1[%get3A, %get3A_0] : memref<1000x128xf32, #tpu.memory_space<vmem>>, vector<1000x128xf32>
    %get3A_2 = arith.constant 0 : index
    %get3A_3 = arith.constant 0 : index
    %get3A_4 = vector.load %arg2[%get3A_2, %get3A_3] : memref<128x128xf32, #tpu.memory_space<vmem>>, vector<128x128xf32>
    %dot_general3A = arith.constant dense<0.000000e+00> : vector<1000x128xf32>
    %dot_general3A_5 = tpu.matmul %get3A_1, %get3A_4, %dot_general3A {dimension_numbers = #tpu.dot_dimension_numbers<[1], [0], [0], [1], [0, 0, 1, 1], [], []>, transpose_lhs_hint = false} : vector<1000x128xf32>, vector<128x128xf32>, vector<1000x128xf32> -> vector<1000x128xf32>
    %swap3A = arith.constant 0 : index
    %swap3A_6 = arith.constant 0 : index
    %swap3A_7 = vector.load %arg10[%swap3A, %swap3A_6] : memref<1000x128xf32, #tpu.memory_space<vmem>>, vector<1000x128xf32>
    tpu.vector_store %arg10[%swap3A, %swap3A_6], %dot_general3A_5 {strides = array<i32>} : memref<1000x128xf32, #tpu.memory_space<vmem>>, vector<1000x128xf32>,
    %get3A_8 = arith.constant 0 : index
    %get3A_9 = arith.constant 0 : index
    %get3A_10 = vector.load %arg3[%get3A_8, %get3A_9] : memref<128x128xf32, #tpu.memory_space<vmem>>, vector<128x128xf32>
    %dot_general3A_11 = arith.constant dense<0.000000e+00> : vector<1000x128xf32>
    %dot_general3A_12 = tpu.matmul %get3A_1, %get3A_10, %dot_general3A_11 {dimension_numbers = #tpu.dot_dimension_numbers<[1], [0], [0], [1], [0, 0, 1, 1], [], []>, transpose_lhs_hint = false} : vector<1000x128xf32>, vector<128x128xf32>, vector<1000x128xf32> -> vector<1000x128xf32>
    %swap3A_13 = arith.constant 0 : index
    %swap3A_14 = arith.constant 0 : index
    %swap3A_15 = vector.load %arg11[%swap3A_13, %swap3A_14] : memref<1000x128xf32, #tpu.memory_space<vmem>>, vector<1000x128xf32>
    tpu.vector_store %arg11[%swap3A_13, %swap3A_14], %dot_general3A_12 {strides = array<i32>} : memref<1000x128xf32, #tpu.memory_space<vmem>>, vector<1000x128xf32>,
    %get3A_16 = arith.constant 0 : index
    %get3A_17 = arith.constant 0 : index
    %get3A_18 = vector.load %arg4[%get3A_16, %get3A_17] : memref<128x16xf32, #tpu.memory_space<vmem>>, vector<128x16xf32>
    %dot_general3A_19 = arith.constant dense<0.000000e+00> : vector<1000x16xf32>
    %dot_general3A_20 = tpu.matmul %get3A_1, %get3A_18, %dot_general3A_19 {dimension_numbers = #tpu.dot_dimension_numbers<[1], [0], [0], [1], [0, 0, 1, 1], [], []>, transpose_lhs_hint = false} : vector<1000x128xf32>, vector<128x16xf32>, vector<1000x16xf32> -> vector<1000x16xf32>
    %swap3A_21 = arith.constant 0 : index
    %swap3A_22 = arith.constant 0 : index
    %swap3A_23 = vector.load %arg12[%swap3A_21, %swap3A_22] : memref<1000x16xf32, #tpu.memory_space<vmem>>, vector<1000x16xf32>
    tpu.vector_store %arg12[%swap3A_21, %swap3A_22], %dot_general3A_20 {strides = array<i32>} : memref<1000x16xf32, #tpu.memory_space<vmem>>, vector<1000x16xf32>,
    %get3A_24 = arith.constant 0 : index
    %get3A_25 = arith.constant 0 : index
    %get3A_26 = vector.load %arg5[%get3A_24, %get3A_25] : memref<2000x128xf32, #tpu.memory_space<vmem>>, vector<2000x128xf32>
    %get3A_27 = arith.constant 0 : index
    %get3A_28 = arith.constant 0 : index
    %get3A_29 = vector.load %arg6[%get3A_27, %get3A_28] : memref<128x128xf32, #tpu.memory_space<vmem>>, vector<128x128xf32>
    %dot_general3A_30 = arith.constant dense<0.000000e+00> : vector<2000x128xf32>
    %dot_general3A_31 = tpu.matmul %get3A_26, %get3A_29, %dot_general3A_30 {dimension_numbers = #tpu.dot_dimension_numbers<[1], [0], [0], [1], [0, 0, 1, 1], [], []>, transpose_lhs_hint = false} : vector<2000x128xf32>, vector<128x128xf32>, vector<2000x128xf32> -> vector<2000x128xf32>
    %get3A_32 = arith.constant 0 : index
    %get3A_33 = arith.constant 0 : index
    %get3A_34 = vector.load %arg7[%get3A_32, %get3A_33] : memref<1x128xf32, #tpu.memory_space<vmem>>, vector<1x128xf32>
    %add3A = vector.broadcast %get3A_34 : vector<1x128xf32> to vector<2000x128xf32>
    %add3A_35 = arith.addf %dot_general3A_31, %add3A : vector<2000x128xf32>
    %max3A = arith.constant 0.000000e+00 : f32
    %max3A_36 = vector.broadcast %max3A : f32 to vector<2000x128xf32>
    %max3A_37 = arith.maximumf %add3A_35, %max3A_36 : vector<2000x128xf32>
    %swap3A_38 = arith.constant 0 : index
    %swap3A_39 = arith.constant 0 : index
    %swap3A_40 = vector.load %arg13[%swap3A_38, %swap3A_39] : memref<2000x128xf32, #tpu.memory_space<vmem>>, vector<2000x128xf32>
    tpu.vector_store %arg13[%swap3A_38, %swap3A_39], %max3A_37 {strides = array<i32>} : memref<2000x128xf32, #tpu.memory_space<vmem>>, vector<2000x128xf32>,
    %get3A_41 = arith.constant 0 : index
    %get3A_42 = arith.constant 0 : index
    %get3A_43 = vector.load %arg8[%get3A_41, %get3A_42] : memref<128x16xf32, #tpu.memory_space<vmem>>, vector<128x16xf32>
    %dot_general3A_44 = arith.constant dense<0.000000e+00> : vector<1000x16xf32>
    %dot_general3A_45 = tpu.matmul %get3A_1, %get3A_43, %dot_general3A_44 {dimension_numbers = #tpu.dot_dimension_numbers<[1], [0], [0], [1], [0, 0, 1, 1], [], []>, transpose_lhs_hint = false} : vector<1000x128xf32>, vector<128x16xf32>, vector<1000x16xf32> -> vector<1000x16xf32>
    %get3A_46 = arith.constant 0 : index
    %get3A_47 = arith.constant 0 : index
    %get3A_48 = vector.load %arg9[%get3A_46, %get3A_47] : memref<1x16xf32, #tpu.memory_space<vmem>>, vector<1x16xf32>
    %add3A_49 = vector.broadcast %get3A_48 : vector<1x16xf32> to vector<1000x16xf32>
    %add3A_50 = arith.addf %dot_general3A_45, %add3A_49 : vector<1000x16xf32>
    %swap3A_51 = arith.constant 0 : index
    %swap3A_52 = arith.constant 0 : index
    %swap3A_53 = vector.load %arg14[%swap3A_51, %swap3A_52] : memref<1000x16xf32, #tpu.memory_space<vmem>>, vector<1000x16xf32>
    tpu.vector_store %arg14[%swap3A_51, %swap3A_52], %add3A_50 {strides = array<i32>} : memref<1000x16xf32, #tpu.memory_space<vmem>>, vector<1000x16xf32>,
    return
  }
  func.func @transform_0(%arg0: i32) -> (i32, i32) {
    %c0_i32 = arith.constant 0 : i32
    %c0_i32_0 = arith.constant 0 : i32
    return %arg0, %c0_i32 : i32, i32
  }
  func.func @transform_1(%arg0: i32) -> (i32, i32) {
    %c0_i32 = arith.constant 0 : i32
    %c0_i32_0 = arith.constant 0 : i32
    %c0_i32_1 = arith.constant 0 : i32
    return %c0_i32, %c0_i32_0 : i32, i32
  }
  func.func @transform_2(%arg0: i32) -> (i32, i32) {
    %c0_i32 = arith.constant 0 : i32
    %c0_i32_0 = arith.constant 0 : i32
    %c0_i32_1 = arith.constant 0 : i32
    return %c0_i32, %c0_i32_0 : i32, i32
  }
  func.func @transform_3(%arg0: i32) -> (i32, i32) {
    %c0_i32 = arith.constant 0 : i32
    %c0_i32_0 = arith.constant 0 : i32
    %c0_i32_1 = arith.constant 0 : i32
    return %c0_i32, %c0_i32_0 : i32, i32
  }
  func.func @transform_4(%arg0: i32) -> (i32, i32) {
    %c0_i32 = arith.constant 0 : i32
    %c0_i32_0 = arith.constant 0 : i32
    return %arg0, %c0_i32 : i32, i32
  }
  func.func @transform_5(%arg0: i32) -> (i32, i32) {
    %c0_i32 = arith.constant 0 : i32
    %c0_i32_0 = arith.constant 0 : i32
    %c0_i32_1 = arith.constant 0 : i32
    return %c0_i32, %c0_i32_0 : i32, i32
  }
  func.func @transform_6(%arg0: i32) -> (i32, i32) {
    %c0_i32 = arith.constant 0 : i32
    %c0_i32_0 = arith.constant 0 : i32
    %c0_i32_1 = arith.constant 0 : i32
    return %c0_i32, %c0_i32_0 : i32, i32
  }
  func.func @transform_7(%arg0: i32) -> (i32, i32) {
    %c0_i32 = arith.constant 0 : i32
    %c0_i32_0 = arith.constant 0 : i32
    %c0_i32_1 = arith.constant 0 : i32
    return %c0_i32, %c0_i32_0 : i32, i32
  }
  func.func @transform_8(%arg0: i32) -> (i32, i32) {
    %c0_i32 = arith.constant 0 : i32
    %c0_i32_0 = arith.constant 0 : i32
    %c0_i32_1 = arith.constant 0 : i32
    return %c0_i32, %c0_i32_0 : i32, i32
  }
  func.func @transform_9(%arg0: i32) -> (i32, i32) {
    %c0_i32 = arith.constant 0 : i32
    %c0_i32_0 = arith.constant 0 : i32
    return %arg0, %c0_i32 : i32, i32
  }
  func.func @transform_10(%arg0: i32) -> (i32, i32) {
    %c0_i32 = arith.constant 0 : i32
    %c0_i32_0 = arith.constant 0 : i32
    return %arg0, %c0_i32 : i32, i32
  }
  func.func @transform_11(%arg0: i32) -> (i32, i32) {
    %c0_i32 = arith.constant 0 : i32
    %c0_i32_0 = arith.constant 0 : i32
    return %arg0, %c0_i32 : i32, i32
  }
  func.func @transform_12(%arg0: i32) -> (i32, i32) {
    %c0_i32 = arith.constant 0 : i32
    %c0_i32_0 = arith.constant 0 : i32
    return %arg0, %c0_i32 : i32, i32
  }
  func.func @transform_13(%arg0: i32) -> (i32, i32) {
    %c0_i32 = arith.constant 0 : i32
    %c0_i32_0 = arith.constant 0 : i32
    return %arg0, %c0_i32 : i32, i32
  }
}

module attributes {stable_mosaic.version = 14 : i64} {
  func.func @_combine_body(%arg0: i32, %arg1: memref<2000x16xf32, #tpu.memory_space<vmem>>, %arg2: memref<2000x16xf32, #tpu.memory_space<vmem>>, %arg3: memref<2000x16xf32, #tpu.memory_space<vmem>>, %arg4: memref<2000x16xf32, #tpu.memory_space<vmem>>) attributes {dimension_semantics = [#tpu.dimension_semantics<arbitrary>], iteration_bounds = array<i64: 5>, scalar_prefetch = 0 : i64, scratch_operands = 0 : i64, tpu.core_type = #tpu.core_type<tc>, window_params = [{transform_indices = @transform_0, window_bounds = array<i64: 2000, 16>}, {transform_indices = @transform_1, window_bounds = array<i64: 2000, 16>}, {transform_indices = @transform_2, window_bounds = array<i64: 2000, 16>}, {transform_indices = @transform_3, window_bounds = array<i64: 2000, 16>}]} {
    %get3A = arith.constant 0 : index
    %get3A_0 = arith.constant 0 : index
    %get3A_1 = vector.load %arg1[%get3A, %get3A_0] : memref<2000x16xf32, #tpu.memory_space<vmem>>, vector<2000x16xf32>
    %get3A_2 = arith.constant 0 : index
    %get3A_3 = arith.constant 0 : index
    %get3A_4 = vector.load %arg2[%get3A_2, %get3A_3] : memref<2000x16xf32, #tpu.memory_space<vmem>>, vector<2000x16xf32>
    %add3A = arith.addf %get3A_1, %get3A_4 : vector<2000x16xf32>
    %get3A_5 = arith.constant 0 : index
    %get3A_6 = arith.constant 0 : index
    %get3A_7 = vector.load %arg3[%get3A_5, %get3A_6] : memref<2000x16xf32, #tpu.memory_space<vmem>>, vector<2000x16xf32>
    %add3A_8 = arith.addf %add3A, %get3A_7 : vector<2000x16xf32>
    %swap3A = arith.constant 0 : index
    %swap3A_9 = arith.constant 0 : index
    %swap3A_10 = vector.load %arg4[%swap3A, %swap3A_9] : memref<2000x16xf32, #tpu.memory_space<vmem>>, vector<2000x16xf32>
    tpu.vector_store %arg4[%swap3A, %swap3A_9], %add3A_8 {strides = array<i32>} : memref<2000x16xf32, #tpu.memory_space<vmem>>, vector<2000x16xf32>,
    return
  }
  func.func @transform_0(%arg0: i32) -> (i32, i32) {
    %c0_i32 = arith.constant 0 : i32
    %c0_i32_0 = arith.constant 0 : i32
    return %arg0, %c0_i32 : i32, i32
  }
  func.func @transform_1(%arg0: i32) -> (i32, i32) {
    %c0_i32 = arith.constant 0 : i32
    %c0_i32_0 = arith.constant 0 : i32
    return %arg0, %c0_i32 : i32, i32
  }
  func.func @transform_2(%arg0: i32) -> (i32, i32) {
    %c0_i32 = arith.constant 0 : i32
    %c0_i32_0 = arith.constant 0 : i32
    return %arg0, %c0_i32 : i32, i32
  }
  func.func @transform_3(%arg0: i32) -> (i32, i32) {
    %c0_i32 = arith.constant 0 : i32
    %c0_i32_0 = arith.constant 0 : i32
    return %arg0, %c0_i32 : i32, i32
  }
}

</mosaic_0001>

<sc_bundles>
// kernel: kernel.5.cloned.1.call-start
scs
__scs_entry_jumppad:
0x0: {  	(pc) =	sbr.rel $0x88, $3  }
0x1: {  	(tag) =	ssettag $0x0;
	lr =	simm.s32 $0x1  }
0x2: {  	[smem:$0x3F98] =	sst lr;
	_ =	strace $0xD0000000  }
0x3: {  	_ = 	snop  }
0x4: {  	_ = 	snop  }
0x5: {  	_ = 	snop  }
0x6: {  	_ = 	snop  }
0x7: {  	_ = 	snop  }
__scs_overlays_trampoline_lowered:
0x8: {  	[smem:$0x3FA7] =	sst s0  }
0x9: {  	[smem:$0x3FA8] =	sst s1  }
0xa: {  	[smem:$0x3FA9] =	sst s2  }
0xb: {  	[smem:$0x3FAA] =	sst s3  }
0xc: {  	[smem:$0x3FAB] =	sst s4  }
0xd: {  	[smem:$0x3FAC] =	sst s5  }
0xe: {  	[smem:$0x3FAD] =	sst s6  }
0xf: {  	[smem:$0x3FAE] =	sst s7  }
0x10: {  	[smem:$0x3FAF] =	sst s8  }
0x11: {  	[smem:$0x3FB0] =	sst s9;
	s0 =	simm.s32 @!p0 $0x0  }
0x12: {  	s1 =	sld [smem:$0x3F96];
	s0 =	simm.s32 @p0 $0x1  }
0x13: {  	[smem:$0x3FB1] =	sst s0;
	s0 =	simm.s32 @!p1 $0x0  }
0x14: {  	s2 =	sld [smem:$0x3F95];
	s0 =	simm.s32 @p1 $0x1  }
0x15: {  	[smem:$0x3FB2] =	sst s0;
	s0 =	simm.s32 @!p2 $0x0  }
0x16: {  	s3 =	sld [smem:$0x3FDB];
	s0 =	simm.s32 @p2 $0x1  }
0x17: {  	s4 =	simm.s32 $0x1BF5;
	[smem:$0x3FB4] =	sst s0  }
0x18: {  	s0 =	sld [smem:$0x3F97];
	_ =	swait.ge [sflag:s4], $0x0  }
0x19: {  	s7 =	sld [smem:$0x3F98]  }
0x1a: {  	s8 =	sadd.s32 $0xFFFFE003, lr  }
0x1b: {  	s9 =	sadd.s32 $0xFFFFFEF7, lr;
	s5 =	simm.s32 $0xFFFFFFFF;
	p2 =	slt.u32 s8, $0xFFFFF086  }
0x1c: {  	p1 =	slt.u32 s9, $0xF7A;
	s5 =	simm.s32 @!p2 $0x0  }
0x1d: {  	s5 =	simm.s32 @p1 $0x1;
	p0 =	seq.s32 s7, s2  }
0x1e: {  	s7 =	smul.u32 @!p0 $0xF7A, s2;
	p2 =	seq.s32 @!p0 s5, $0x0  }
0x1f: {  	s9 =	smul.u32 $0xF7A, s1;
	s8 =	simm.s32 @!p0 $0x1BF5;
	p2 =	por !p2, p0  }
0x20: {  	[sflag:s8] =	ssyncset.s32 @!p0 $0xFFFFF086;
	s6 =	sadd.s32 @!p0 s3, s7;
	s7 =	simm.s32 @!p0 $0x108  }
0x21: {  	s3 =	sadd.s32 s3, s9;
	s6 =	sadd.s32 @!p0 $0x88, s6;
	s7 =	simm.s32 @p2 $0x1082  }
0x22: {  	[simem:s7], [sflag:s8] =	dma.local @!p0 [hbm:s6], $0xF7A  }
0x23: {  	s9 =	sor.u32 $0xD0000000, s2;
	s6 =	simm.s32 $0x108;
	_ =	swait.ge @!p0 [sflag:s8], $0x0  }
0x24: {  	s3 =	sadd.s32 $0x88, s3;
	s6 =	simm.s32 @!p1 $0x1082;
	[sflag:s4] =	ssyncset.s32 $0xFFFFF086  }
0x25: {  	[simem:s6], [sflag:s4] =	dma.local [hbm:s3], $0xF7A  }
0x26: {  	[smem:$0x3F98] =	sst s1;
	(tag) =	ssettag s2;
	_ =	strace s9  }
0x27: {  	s1 =	sld [smem:$0x3FA8]  }
0x28: {  	s2 =	sld [smem:$0x3FA9]  }
0x29: {  	s4 =	sld [smem:$0x3FAB]  }
0x2a: {  	p0 =	seq.s32 s5, $0x0;
	s5 =	sld [smem:$0x3FAC]  }
0x2b: {  	s6 =	sld [smem:$0x3FAD]  }
0x2c: {  	s7 =	sld [smem:$0x3FAE]  }
0x2d: {  	s3 =	simm.s32 $0x108;
	s8 =	sld [smem:$0x3FAF]  }
0x2e: {  	s3 =	simm.s32 @!p0 $0x1082;
	s9 =	sld [smem:$0x3FB0]  }
0x2f: {  	lr =	sadd.s32 s0, s3;
	s0 =	sld [smem:$0x3FA7]  }
0x30: {  	s3 =	sld [smem:$0x3FAA]  }
0x31: {  	[smem:$0x3FB3] =	sst s10  }
0x32: {  	s10 =	sld [smem:$0x3FB1];
	_ =	sdelay $0x3  }
0x33: {  	p0 =	seq.s32 s10, $0x1;
	s10 =	sld [smem:$0x3FB3];
	_ =	sdelay $0x3  }
0x34: {  	[smem:$0x3FB3] =	sst s10  }
0x35: {  	s10 =	sld [smem:$0x3FB2];
	_ =	sdelay $0x3  }
0x36: {  	p1 =	seq.s32 s10, $0x1;
	s10 =	sld [smem:$0x3FB3];
	_ =	sdelay $0x3  }
0x37: {  	[smem:$0x3FB3] =	sst s10  }
0x38: {  	s10 =	sld [smem:$0x3FB4]  }
0x39: {  	_ = 	snop;
	(pc) =	sbr.ind lr, $3  }
0x3a: {  	_ = 	snop  }
0x3b: {  	_ = 	snop  }
0x3c: {  	p2 =	seq.s32 s10, $0x1;
	s10 =	sld [smem:$0x3FB3]  }
0x3d: {  	_ =	shalt  }
0x3e: {  	_ =	shalt  }
0x3f: {  	_ =	shalt  }
0x40: {  	_ =	shalt  }
0x41: {  	_ =	shalt  }
0x42: {  	_ =	shalt  }
0x43: {  	_ =	shalt  }
0x44: {  	_ =	shalt  }
0x45: {  	_ =	shalt  }
0x46: {  	_ =	shalt  }
0x47: {  	_ =	shalt  }
0x48: {  	_ =	shalt  }
0x49: {  	_ =	shalt  }
0x4a: {  	_ =	shalt  }
0x4b: {  	_ =	shalt  }
0x4c: {  	_ =	shalt  }
0x4d: {  	_ =	shalt  }
0x4e: {  	_ =	shalt  }
0x4f: {  	_ =	shalt  }
0x50: {  	_ =	shalt  }
0x51: {  	_ =	shalt  }
0x52: {  	_ =	shalt  }
0x53: {  	_ =	shalt  }
0x54: {  	_ =	shalt  }
0x55: {  	_ =	shalt  }
0x56: {  	_ =	shalt  }
0x57: {  	_ =	shalt  }
0x58: {  	_ =	shalt  }
0x59: {  	_ =	shalt  }
0x5a: {  	_ =	shalt  }
0x5b: {  	_ =	shalt  }
0x5c: {  	_ =	shalt  }
0x5d: {  	_ =	shalt  }
0x5e: {  	_ =	shalt  }
0x5f: {  	_ =	shalt  }
0x60: {  	_ =	shalt  }
0x61: {  	_ =	shalt  }
0x62: {  	_ =	shalt  }
0x63: {  	_ =	shalt  }
0x64: {  	_ =	shalt  }
0x65: {  	_ =	shalt  }
0x66: {  	_ =	shalt  }
0x67: {  	_ =	shalt  }
0x68: {  	_ =	shalt  }
0x69: {  	_ =	shalt  }
0x6a: {  	_ =	shalt  }
0x6b: {  	_ =	shalt  }
0x6c: {  	_ =	shalt  }
0x6d: {  	_ =	shalt  }
0x6e: {  	_ =	shalt  }
0x6f: {  	_ =	shalt  }
0x70: {  	_ =	shalt  }
0x71: {  	_ =	shalt  }
0x72: {  	_ =	shalt  }
0x73: {  	_ =	shalt  }
0x74: {  	_ =	shalt  }
0x75: {  	_ =	shalt  }
0x76: {  	_ =	shalt  }
0x77: {  	_ =	shalt  }
0x78: {  	_ =	shalt  }
0x79: {  	_ =	shalt  }
0x7a: {  	_ =	shalt  }
0x7b: {  	_ =	shalt  }
0x7c: {  	_ =	shalt  }
0x7d: {  	_ =	shalt  }
0x7e: {  	_ =	shalt  }
0x7f: {  	_ =	shalt  }
0x80: {  	_ =	shalt  }
0x81: {  	_ =	shalt  }
0x82: {  	_ =	shalt  }
0x83: {  	_ =	shalt  }
0x84: {  	_ =	shalt  }
0x85: {  	_ =	shalt  }
0x86: {  	_ =	shalt  }
0x87: {  	_ =	shalt  }
.Lfunc_end0:
.L_simem_size_0:
called_computation_lowered:
.L_overlay_start_0:
0x88: {  	s2 =	sld [smem:$0x3FD9]  }
0x89: {  	s3 =	sld [smem:$0x3FFE];
	_ =	sdelay $0x1  }
0x8a: {  	s1 =	srdreg.scid  }
0x8b: {  	s0 =	sand.u32 $0x1, s1  }
0x8c: {  	s17 =	sshll.u32 s0, $0xA;
	s2 =	sadd.s32 s3, s2  }
0x8d: {  	s2 =	sadd.s32 s2, s17  }
0x8e: {  	[smem:$0x3FBF] =	sst s2  }
0x8f: {  	_ = 	snop  }
0x90: {  	s2 =	sld [smem:$0x3FD0];
	(tm) =	ssettm $0x1  }
0x91: {  	s18 =	sld [smem:$0x3FFB];
	_ =	sdelay $0x3  }
0x92: {  	_ =	strace s18  }
0x93: {  	s3 =	sld [smem:$0x3FFC];
	_ =	sdelay $0x3  }
0x94: {  	_ =	strace s3  }
0x95: {  	s3 =	sld [smem:$0x3FFD];
	_ =	sdelay $0x3  }
0x96: {  	_ =	strace s3  }
0x97: {  	_ =	strace $0x8FFFFFFF  }
0x98: {  	s19 =	sld [smem:$0x3FDB];
	_ =	sdelay $0x1  }
0x99: {  	s4 =	simm.s32 $_scs_section_size  }
0x9a: {  	s5 =	simm.s32 $_size__tile_overlayer_lowered;
	s6 =	simm.s32 $_tile_overlayer_lowered  }
0x9b: {  	s22 =	simm.s32 $0x1BFF;
	s21 =	sshll.u32 s6, $0x1;
	s3 =	sadd.s32 s4, s19  }
0x9c: {  	s7 =	simm.s32 $0x0;
	s20 =	sshll.u32 s5, $0x1;
	s5 =	sadd.s32 s21, s3  }
0x9d: {  	[timem:s7], [sflag:s22] =	dma.local [hbm:s5], s20  }
0x9e: {  	_ =	swait.ge [sflag:s22], s20  }
0x9f: {  	s4 =	ssub.s32 $0x0, s20;
	[sflag:s22] =	ssyncset.done $0x0  }
0xa0: {  	[sflag:s22] =	ssyncadd.s32 s4;
	_ =	sdelay $0x1  }
0xa1: {  	s23 =	simm.s32 $0x1B8B  }
0xa2: {  	_ =	swait.ge [sflag:s23], $0x1  }
0xa3: {  	[sflag:s23] =	ssyncset.done $0x0  }
0xa4: {  	s25 =	simm.s32 $0x1B8E;
	s24 =	sld [smem:$0x3FFE];
	[sflag:s23] =	ssyncadd.s32 $0xFFFFFFFF  }
0xa5: {  	s26 =	simm.s32 $execute0_lowered;
	[smem:$0x3FD2] =	sst s25  }
0xa6: {  	s5 =	sshll.u32 s26, $0x1;
	_ =	strace $0x80000046;
	[dreg:$0x1] =	wrdreg $0xFFFFFFFF  }
0xa7: {  	s28 =	simm.s32 $_size_execute0_lowered;
	s3 =	sadd.s32 s3, s5;
	[dreg:$0x0] =	wrdreg $0x0  }
0xa8: {  	s5 =	sshll.u32 s28, $0x1;
	[dreg:$0x2] =	wrdreg s3  }
0xa9: {  	[dreg:$0x3] =	wrdreg s5  }
0xaa: {  	[dreg:$0x4] =	wrdreg $0xC0  }
0xab: {  	_ =	task [dreg:s7], $0x5FFFF  }
0xac: {  	[dreg:$0x1] =	wrdreg $0xFFFFFFFF  }
0xad: {  	[dreg:$0x0] =	wrdreg $0x60  }
0xae: {  	[dreg:$0x2] =	wrdreg s24  }
0xaf: {  	[dreg:$0x3] =	wrdreg s2  }
0xb0: {  	[dreg:$0x4] =	wrdreg $0x178E00  }
0xb1: {  	[dreg:$0x5] =	wrdreg $0x9  }
0xb2: {  	_ =	task.clear_ibuf [dreg:s7], $0x6FFFF;
	_ =	strace $0x90000046  }
0xb3: {  	s29 =	simm.s32 $0x9;
	_ =	strace $0x80000048  }
0xb4: {  	_ =	swait.ge [sflag:s29], $0x1  }
0xb5: {  	[sflag:s29] =	ssyncadd.s32 $0xFFFFFFFF  }
0xb6: {  	_ =	strace $0x90000048  }
0xb7: {  	_ =	sfence  }
0xb8: {  	s30 =	sld [smem:$0x0];
	_ =	sdelay $0x2  }
0xb9: {  	s31 =	sshll.u32 s1, $0xD;
	s1 =	sshrl.u32 s1, $0x2  }
0xba: {  	s3 =	sand.u32 $0x4000, s31;
	s1 =	sadd.s32 s1, s30  }
0xbb: {  	s0 =	sor.u32 s3, s0;
	s1 =	sshll.u32 s1, $0x11  }
0xbc: {  	s0 =	sor.u32 s1, s0  }
0xbd: {  	s0 =	sadd.s32 $0x8F2B, s0  }
0xbe: {  	[sflag:s0] =	ssyncadd.remote.s32 $0x1  }
0xbf: {  	_ =	sfence.sel $0xFFFF  }
0xc0: {  	[dreg:$0x0] =	wrdreg $0xFFFFFFFF;
	(pc) =	sbr.abs _section_cstart, $3  }
0xc1: {  	[dreg:$0x1] =	wrdreg $0xFFFFFFFF  }
0xc2: {  	_ =	task.clear_ibuf [dreg:s7], $0x2FFFF;
	_ =	strace $0x9FFFFFFF  }
0xc3: {  	(tm) =	ssettm $0x7FFFFFFF  }
tec
execute0_lowered:
.L_overlay_start_1:
0x0: {  	(tag) =	ssettag $0x1  }
0x1: {  	s0 =	rddreg [dreg:$0x0]  }
0x2: {  	s2 =	rddreg [dreg:$0x1]  }
0x3: {  	s3 =	rddreg [dreg:$0x2]  }
0x4: {  	s1 =	srdreg.scid;
	s7 =	stileid.u32  }
0x5: {  	s4 =	simm.s32 $0x0;
	s16 =	simm.s32 $0x5;
	s18 =	simm.s32 $0x7D  }
0x6: {  	s23 =	simm.s32 $0x6680;
	s28 =	simm.s32 $0x1;
	s29 =	simm.s32 $0x14140  }
0x7: {  	s30 =	simm.s32 $0x2;
	s31 =	simm.s32 $0x14910;
	s15 =	simm.s32 $0x4  }
0x8: {  	s17 =	simm.s32 $0x0;
	s1 =	sand.u32 $0x1, s1;
	s5 =	sshll.u32 s7, $0x1  }
0x9: {  	[smem:$0x7FF] =	sst s4;
	s6 =	sadd.s32 $0x76A00, s0;
	s11 =	smul.u32 $0x2800, s7  }
0xa: {  	s7 =	sadd.s32 $0x1600, s0;
	s9 =	sor.u32 s1, s5;
	_ =	strace $0x80000047  }
0xb: {  	s5 =	sadd.s32 $0x4F800, s0;
	s10 =	ssub.s32 $0x2, s1;
	p0 =	seq.s32 s1, $0x1  }
0xc: {  	s1 =	simm.s32 $0xA7C00;
	s8 =	smul.u32 $0x280, s9;
	s24 =	sshrl.u32 s10, $0x1  }
0xd: {  	s9 =	smul.u32 $0x13880, s9;
	s1 =	simm.s32 @!p0 $0xACC00;
	s10 =	ssub.s32 s10, s24  }
0xe: {  	s24 =	simm.s32 $0xE380;
	s12 =	sadd.s32 s8, s0;
	s8 =	sadd.s32 s11, s3  }
0xf: {  	s25 =	sshrl.u32 s9, $0x3;
	s11 =	sshrl.u32 s11, $0x3;
	s26 =	smax.u32 s10, $0x1  }
0x10: {  	s0 =	sadd.s32 s1, s0;
	s13 =	sadd.s32 $0xA2C00, s12;
	[dreg:$0x7] =	wrdreg s26  }
0x11: {  	s12 =	sadd.s32 $0x9DC00, s12;
	s14 =	sadd.s32 s0, s11;
	[dreg:$0x4] =	wrdreg s13  }
0x12: {  	s26 =	simm.s32 $0x13970;
	[dreg:$0x5] =	wrdreg s12;
	s12 =	sadd.s32 s7, s25  }
0x13: {  	v0 =	vimm.f32 $0.0e+00;
	s0 =	simm.s32 $0x3;
	s25 =	simm.s32 $0x129D0;
	[dreg:$0x6] =	wrdreg s12  }
.LBB2_1:
0x14: {  	s1 =	simm.s32 $0x40;
	s10 =	simm.s32 $0x0  }
.LBB2_2:
0x15: {  	p0 =	sne.s32 s1, $0x9FC0;
	[tilespmem:s10+$0x150E0] =	vst v0;
	s10 =	smov.u32 s1;
	s1 =	sadd.s32 $0x40, s1  }
.Ltmp0:
0x16: {  	(pc) =	sbr.rel @p0 .LBB2_2-.Ltmp0, $2  }
0x17: {  	_ =	sdelay $0x2  }
0x18: {  	s10 =	sshra.s32 s10, $0x2  }
0x19: {  	[tilespmem:s10+$0x150E0] =	vst v0;
	s1 =	simm.s32 $0x150E0  }
0x1a: {  	[spmem:s8] =	stream.linear.scatter [tilespmem:s1], [sflag:$0x5], $0x2800, $0x38;
	[tilespmem:$0x1A0E0] =	vst v63  }
0x1b: {  	_ =	swait.ge [sflag:s16], $0x2800  }
0x1c: {  	[sflag:s16] =	ssyncset.done $0x0  }
0x1d: {  	[sflag:s16] =	ssyncadd.s32 $0xFFFFD800  }
0x1e: {  	[bflag:$0x0] =	sbarrier.arrive $0xFFFF  }
0x1f: {  	s19 =	simm.s32 $0x0;
	s22 =	rddreg [dreg:$0x4]  }
0x20: {  	[tilespmem:s19], [sflag:$0x5] =	stream.linear.gather [hbm4b:s22+s19], $0x1400, $0x38;
	[tilespmem:$0x1A0E0] =	vst v63  }
0x21: {  	_ =	swait.ge [sflag:s16], $0x1400  }
0x22: {  	[sflag:s16] =	ssyncset.done $0x0  }
0x23: {  	s11 =	simm.s32 $0x1400;
	s10 =	rddreg [dreg:$0x5];
	[sflag:s16] =	ssyncadd.s32 $0xFFFFEC00  }
0x24: {  	[tilespmem:s11], [sflag:$0x5] =	stream.linear.gather [hbm4b:s10+s19], $0x1400, $0x38;
	[tilespmem:$0x1A0E0] =	vst v63  }
0x25: {  	_ =	swait.ge [sflag:s16], $0x1400  }
0x26: {  	[sflag:s16] =	ssyncset.done $0x0  }
0x27: {  	s12 =	simm.s32 $0x2800;
	[sflag:s16] =	ssyncadd.s32 $0xFFFFEC00  }
0x28: {  	[tilespmem:s12], [sflag:$0x1] =	stream.indirect.gather [hbm4b:s5+s18], $0x80, s19, s18, $0xb8;
	[tilespmem:$0x1A0E0] =	vst v63  }
0x29: {  	s13 =	simm.s32 $0xA500  }
0x2a: {  	[tilespmem:s13], [sflag:$0x1] =	stream.indirect.gather [hbm4b:s6+s18], $0x80, s19, s18, $0xb8;
	[tilespmem:$0x1A0E0] =	vst v63  }
0x2b: {  	s20 =	simm.s32 $0x12200  }
0x2c: {  	[tilespmem:s20], [sflag:$0x1] =	stream.indirect.gather [hbm4b:s2+s18], $0x10, s19, s18, $0xb8;
	[tilespmem:$0x1A0E0] =	vst v63  }
0x2d: {  	s22 =	simm.s32 $0x131A0;
	s21 =	rddreg [dreg:$0x6]  }
0x2e: {  	[tilespmem:s22], [sflag:$0x1] =	stream.linear.gather [hbm4b:s21+s19], $0x7D0, $0x38;
	[tilespmem:$0x1A0E0] =	vst v63  }
.LBB2_4:
0x2f: {  	s1 =	sshllo.u32 s19, $0x1  }
0x30: {  	s20 =	sshll.u32 s1, $0x7;
	s1 =	smul.u32 $0x7D0, s1  }
0x31: {  	[tilespmem:s23], [sflag:$0x2] =	stream.indirect.gather [hbm4b:s5+s18], $0x80, s20, s18, $0xb8;
	[tilespmem:$0x1A0E0] =	vst v63  }
0x32: {  	s1 =	sadd.s32 s9, s1  }
0x33: {  	[tilespmem:s24], [sflag:$0x2] =	stream.indirect.gather [hbm4b:s6+s18], $0x80, s20, s18, $0xb8;
	[tilespmem:$0x1A0E0] =	vst v63  }
0x34: {  	s1 =	sshrl.u32 s1, $0x3  }
0x35: {  	[tilespmem:s25], [sflag:$0x2] =	stream.indirect.gather [hbm4b:s2+s18], $0x10, s20, s18, $0xb8;
	[tilespmem:$0x1A0E0] =	vst v63  }
0x36: {  	s1 =	sadd.s32 s7, s1  }
0x37: {  	[tilespmem:s26], [sflag:$0x2] =	stream.linear.gather [hbm4b:s1+s4], $0x7D0, $0x38;
	[tilespmem:$0x1A0E0] =	vst v63  }
0x38: {  	_ =	swait.ge [sflag:s28], $0x3E80  }
0x39: {  	[sflag:s28] =	ssyncset.done $0x0  }
0x3a: {  	[sflag:s28] =	ssyncadd.s32 $0xFFFFC180  }
0x3b: {  	_ =	swait.ge [sflag:s28], $0x3E80  }
0x3c: {  	[sflag:s28] =	ssyncset.done $0x0  }
0x3d: {  	[sflag:s28] =	ssyncadd.s32 $0xFFFFC180  }
0x3e: {  	_ =	swait.ge [sflag:s28], $0x7D0  }
0x3f: {  	[sflag:s28] =	ssyncset.done $0x0  }
0x40: {  	[sflag:s28] =	ssyncadd.s32 $0xFFFFF830  }
0x41: {  	_ =	swait.ge [sflag:s28], $0x7D0  }
0x42: {  	p0 =	seq.s32 s19, $0x0;
	[sflag:s28] =	ssyncset.done $0x0  }
0x43: {  	s21 =	sshll.u32 s19, $0x1;
	s1 =	simm.s32 @!p0 $0x3;
	[sflag:s28] =	ssyncadd.s32 $0xFFFFF830  }
0x44: {  	s22 =	simm.s32 $0xFFFFFFFB;
	s10 =	simm.s32 $0xA640;
	_ =	swait.ge @!p0 [sflag:s1], $0x7D0  }
0x45: {  	s11 =	simm.s32 $0x14160;
	s12 =	simm.s32 $0x12220;
	[sflag:s1] =	ssyncset.done @!p0 $0x0  }
0x46: {  	s13 =	simm.s32 $0x131C0;
	[sflag:s1] =	ssyncadd.s32 @!p0 $0xFFFFF830;
	s1 =	simm.s32 $0x2940  }
.LBB2_5:
0x47: {  	v1 =	vld [tilespmem:s13+$0xFFFFFFE0]  }
0x48: {  	v2 =	vld [tilespmem:s12+$0xFFFFFFE0]  }
0x49: {  	v3 =	vld [tilespmem:s1+$0xFFFFFEC0]  }
0x4a: {  	v4 =	vld [tilespmem:s1+$0xFFFFFED0]  }
0x4b: {  	v5 =	vld [tilespmem:s1+$0xFFFFFEE0]  }
0x4c: {  	v7 =	vld [tilespmem:s1+$0xFFFFFEF0]  }
0x4d: {  	v9 =	vld [tilespmem:s1+$0xFFFFFF00];
	v6 =	vbroadcast v1, $0x0;
	v8 =	vbroadcast v1, $0x1  }
0x4e: {  	v10 =	vld [tilespmem:s1+$0xFFFFFF10];
	v27 =	vbroadcast v1, $0x2;
	v28 =	vbroadcast v1, $0x3  }
0x4f: {  	v11 =	vld [tilespmem:s1+$0xFFFFFF20];
	v29 =	vbroadcast v1, $0x4;
	v30 =	vbroadcast v1, $0x5  }
0x50: {  	v12 =	vld [tilespmem:s1+$0xFFFFFF30];
	v31 =	vbroadcast v1, $0x6;
	v32 =	vbroadcast v1, $0x7  }
0x51: {  	v13 =	vld [tilespmem:s10+$0xFFFFFEC0];
	v33 =	vbroadcast v1, $0x8;
	v34 =	vbroadcast v1, $0x9  }
0x52: {  	v14 =	vld [tilespmem:s10+$0xFFFFFED0];
	v35 =	vbroadcast v1, $0xA;
	v36 =	vbroadcast v1, $0xB  }
0x53: {  	v15 =	vld [tilespmem:s10+$0xFFFFFEE0];
	v37 =	vbroadcast v1, $0xC;
	v38 =	vbroadcast v1, $0xD  }
0x54: {  	v16 =	vld [tilespmem:s10+$0xFFFFFEF0];
	v39 =	vbroadcast v1, $0xE;
	v3 =	vmul.f32 v3, v6  }
0x55: {  	v17 =	vld [tilespmem:s10+$0xFFFFFF00];
	v4 =	vmul.f32 v4, v8;
	v5 =	vmul.f32 v5, v27  }
0x56: {  	v18 =	vld [tilespmem:s10+$0xFFFFFF10];
	v7 =	vmul.f32 v7, v28;
	v6 =	vmul.f32 v9, v29  }
0x57: {  	v19 =	vld [tilespmem:s10+$0xFFFFFF20];
	v8 =	vmul.f32 v10, v30;
	v9 =	vmul.f32 v11, v31  }
0x58: {  	v10 =	vmul.f32 v12, v32;
	v11 =	vmul.f32 v13, v33  }
0x59: {  	v12 =	vmul.f32 v14, v34;
	v13 =	vmul.f32 v15, v35  }
0x5a: {  	v14 =	vmul.f32 v16, v36;
	v15 =	vmul.f32 v17, v37  }
0x5b: {  	v16 =	vmul.f32 v18, v38;
	v2 =	vadd.f32 v3, v2;
	v3 =	vadd.f32 v5, v4  }
0x5c: {  	v40 =	vmul.f32 v19, v39;
	v41 =	vadd.f32 v6, v7;
	v42 =	vadd.f32 v9, v8  }
0x5d: {  	v43 =	vadd.f32 v11, v10;
	v44 =	vadd.f32 v13, v12  }
0x5e: {  	v45 =	vadd.f32 v15, v14;
	v4 =	vadd.f32 v40, v16  }
0x5f: {  	v46 =	vld [tilespmem:s10+$0xFFFFFF30];
	v2 =	vadd.f32 v3, v2;
	v3 =	vadd.f32 v42, v41  }
0x60: {  	v47 =	vadd.f32 v44, v43;
	v4 =	vadd.f32 v4, v45;
	_ =	sdelay $0x1  }
0x61: {  	v1 =	vbroadcast v1, $0xF;
	v2 =	vadd.f32 v3, v2;
	v3 =	vadd.f32 v4, v47;
	_ =	sdelay $0x1  }
0x62: {  	v1 =	vmul.f32 v46, v1;
	v2 =	vadd.f32 v3, v2;
	_ =	sdelay $0x1  }
0x63: {  	v1 =	vadd.f32 v2, v1;
	_ =	sdelay $0x1  }
0x64: {  	[tilespmem:s11+$0xFFFFFFE0] =	vst v1  }
0x65: {  	v1 =	vld [tilespmem:s13+$0xFFFFFFF0]  }
0x66: {  	v2 =	vld [tilespmem:s12+$0xFFFFFFF0]  }
0x67: {  	v3 =	vld [tilespmem:s1+$0xFFFFFF40]  }
0x68: {  	v48 =	vld [tilespmem:s1+$0xFFFFFF50]  }
0x69: {  	v49 =	vld [tilespmem:s1+$0xFFFFFF60]  }
0x6a: {  	v51 =	vld [tilespmem:s1+$0xFFFFFF70]  }
0x6b: {  	v53 =	vld [tilespmem:s1+$0xFFFFFF80];
	v50 =	vbroadcast v1, $0x0;
	v52 =	vbroadcast v1, $0x1  }
0x6c: {  	v55 =	vld [tilespmem:s1+$0xFFFFFF90];
	v54 =	vbroadcast v1, $0x2;
	v56 =	vbroadcast v1, $0x3  }
0x6d: {  	v57 =	vld [tilespmem:s1+$0xFFFFFFA0];
	v58 =	vbroadcast v1, $0x4;
	v60 =	vbroadcast v1, $0x5  }
0x6e: {  	v59 =	vld [tilespmem:s1+$0xFFFFFFB0];
	v62 =	vbroadcast v1, $0x6;
	v20 =	vbroadcast v1, $0x7  }
0x6f: {  	v61 =	vld [tilespmem:s10+$0xFFFFFF40];
	v22 =	vbroadcast v1, $0x8;
	v24 =	vbroadcast v1, $0x9  }
0x70: {  	v63 =	vld [tilespmem:s10+$0xFFFFFF50];
	v26 =	vbroadcast v1, $0xA;
	v28 =	vbroadcast v1, $0xB  }
0x71: {  	v21 =	vld [tilespmem:s10+$0xFFFFFF60];
	v30 =	vbroadcast v1, $0xC;
	v31 =	vbroadcast v1, $0xD  }
0x72: {  	v23 =	vld [tilespmem:s10+$0xFFFFFF70];
	v32 =	vbroadcast v1, $0xE;
	v3 =	vmul.f32 v3, v50  }
0x73: {  	v25 =	vld [tilespmem:s10+$0xFFFFFF80];
	v4 =	vmul.f32 v48, v52;
	v5 =	vmul.f32 v49, v54  }
0x74: {  	v27 =	vld [tilespmem:s10+$0xFFFFFF90];
	v7 =	vmul.f32 v51, v56;
	v6 =	vmul.f32 v53, v58  }
0x75: {  	v29 =	vld [tilespmem:s10+$0xFFFFFFA0];
	v8 =	vmul.f32 v55, v60;
	v9 =	vmul.f32 v57, v62  }
0x76: {  	v10 =	vmul.f32 v59, v20;
	v11 =	vmul.f32 v61, v22  }
0x77: {  	v12 =	vmul.f32 v63, v24;
	v13 =	vmul.f32 v21, v26  }
0x78: {  	v14 =	vmul.f32 v23, v28;
	v15 =	vmul.f32 v25, v30  }
0x79: {  	v16 =	vmul.f32 v27, v31;
	v2 =	vadd.f32 v3, v2;
	v3 =	vadd.f32 v5, v4  }
0x7a: {  	v33 =	vmul.f32 v29, v32;
	v34 =	vadd.f32 v6, v7;
	v35 =	vadd.f32 v9, v8  }
0x7b: {  	v36 =	vadd.f32 v11, v10;
	v37 =	vadd.f32 v13, v12  }
0x7c: {  	v38 =	vadd.f32 v15, v14;
	v4 =	vadd.f32 v33, v16  }
0x7d: {  	v39 =	vld [tilespmem:s10+$0xFFFFFFB0];
	v2 =	vadd.f32 v3, v2;
	v3 =	vadd.f32 v35, v34  }
0x7e: {  	v40 =	vadd.f32 v37, v36;
	v4 =	vadd.f32 v4, v38;
	_ =	sdelay $0x1  }
0x7f: {  	v1 =	vbroadcast v1, $0xF;
	v2 =	vadd.f32 v3, v2;
	v3 =	vadd.f32 v4, v40;
	_ =	sdelay $0x1  }
0x80: {  	v1 =	vmul.f32 v39, v1;
	v2 =	vadd.f32 v3, v2;
	_ =	sdelay $0x1  }
0x81: {  	v1 =	vadd.f32 v2, v1;
	_ =	sdelay $0x1  }
0x82: {  	[tilespmem:s11+$0xFFFFFFF0] =	vst v1  }
0x83: {  	v1 =	vld [tilespmem:s13+$0x0]  }
0x84: {  	v2 =	vld [tilespmem:s12+$0x0]  }
0x85: {  	v3 =	vld [tilespmem:s1+$0xFFFFFFC0]  }
0x86: {  	v41 =	vld [tilespmem:s1+$0xFFFFFFD0]  }
0x87: {  	v42 =	vld [tilespmem:s1+$0xFFFFFFE0]  }
0x88: {  	v44 =	vld [tilespmem:s1+$0xFFFFFFF0]  }
0x89: {  	v46 =	vld [tilespmem:s1+$0x0];
	v43 =	vbroadcast v1, $0x0;
	v45 =	vbroadcast v1, $0x1  }
0x8a: {  	v48 =	vld [tilespmem:s1+$0x10];
	v47 =	vbroadcast v1, $0x2;
	v49 =	vbroadcast v1, $0x3  }
0x8b: {  	v50 =	vld [tilespmem:s1+$0x20];
	v51 =	vbroadcast v1, $0x4;
	v53 =	vbroadcast v1, $0x5  }
0x8c: {  	v52 =	vld [tilespmem:s1+$0x30];
	v55 =	vbroadcast v1, $0x6;
	v57 =	vbroadcast v1, $0x7  }
0x8d: {  	v54 =	vld [tilespmem:s10+$0xFFFFFFC0];
	v59 =	vbroadcast v1, $0x8;
	v61 =	vbroadcast v1, $0x9  }
0x8e: {  	v56 =	vld [tilespmem:s10+$0xFFFFFFD0];
	v63 =	vbroadcast v1, $0xA;
	v22 =	vbroadcast v1, $0xB  }
0x8f: {  	v58 =	vld [tilespmem:s10+$0xFFFFFFE0];
	v24 =	vbroadcast v1, $0xC;
	v25 =	vbroadcast v1, $0xD  }
0x90: {  	v60 =	vld [tilespmem:s10+$0xFFFFFFF0];
	v26 =	vbroadcast v1, $0xE;
	v3 =	vmul.f32 v3, v43  }
0x91: {  	v62 =	vld [tilespmem:s10+$0x0];
	v4 =	vmul.f32 v41, v45;
	v5 =	vmul.f32 v42, v47  }
0x92: {  	v21 =	vld [tilespmem:s10+$0x10];
	v7 =	vmul.f32 v44, v49;
	v6 =	vmul.f32 v46, v51  }
0x93: {  	v23 =	vld [tilespmem:s10+$0x20];
	v8 =	vmul.f32 v48, v53;
	v9 =	vmul.f32 v50, v55  }
0x94: {  	v10 =	vmul.f32 v52, v57;
	v11 =	vmul.f32 v54, v59  }
0x95: {  	v12 =	vmul.f32 v56, v61;
	v13 =	vmul.f32 v58, v63  }
0x96: {  	v14 =	vmul.f32 v60, v22;
	v15 =	vmul.f32 v62, v24  }
0x97: {  	v16 =	vmul.f32 v21, v25;
	v2 =	vadd.f32 v3, v2;
	v3 =	vadd.f32 v5, v4  }
0x98: {  	v27 =	vmul.f32 v23, v26;
	v28 =	vadd.f32 v6, v7;
	v29 =	vadd.f32 v9, v8  }
0x99: {  	v30 =	vadd.f32 v11, v10;
	v31 =	vadd.f32 v13, v12  }
0x9a: {  	v32 =	vadd.f32 v15, v14;
	v4 =	vadd.f32 v27, v16  }
0x9b: {  	v33 =	vld [tilespmem:s10+$0x30];
	v2 =	vadd.f32 v3, v2;
	v3 =	vadd.f32 v29, v28  }
0x9c: {  	v34 =	vadd.f32 v31, v30;
	v4 =	vadd.f32 v4, v32;
	_ =	sdelay $0x1  }
0x9d: {  	v1 =	vbroadcast v1, $0xF;
	v2 =	vadd.f32 v3, v2;
	v3 =	vadd.f32 v4, v34;
	_ =	sdelay $0x1  }
0x9e: {  	v1 =	vmul.f32 v33, v1;
	v2 =	vadd.f32 v3, v2;
	_ =	sdelay $0x1  }
0x9f: {  	v1 =	vadd.f32 v2, v1;
	_ =	sdelay $0x1  }
0xa0: {  	[tilespmem:s11+$0x0] =	vst v1  }
0xa1: {  	v1 =	vld [tilespmem:s13+$0x10]  }
0xa2: {  	v2 =	vld [tilespmem:s12+$0x10]  }
0xa3: {  	v3 =	vld [tilespmem:s1+$0x40]  }
0xa4: {  	v35 =	vld [tilespmem:s1+$0x50]  }
0xa5: {  	v36 =	vld [tilespmem:s1+$0x60]  }
0xa6: {  	v38 =	vld [tilespmem:s1+$0x70]  }
0xa7: {  	v40 =	vld [tilespmem:s1+$0x80];
	v37 =	vbroadcast v1, $0x0;
	v39 =	vbroadcast v1, $0x1  }
0xa8: {  	v42 =	vld [tilespmem:s1+$0x90];
	v41 =	vbroadcast v1, $0x2;
	v43 =	vbroadcast v1, $0x3  }
0xa9: {  	v44 =	vld [tilespmem:s1+$0xA0];
	v45 =	vbroadcast v1, $0x4;
	v47 =	vbroadcast v1, $0x5  }
0xaa: {  	v46 =	vld [tilespmem:s1+$0xB0];
	v49 =	vbroadcast v1, $0x6;
	v51 =	vbroadcast v1, $0x7  }
0xab: {  	v48 =	vld [tilespmem:s10+$0x40];
	v53 =	vbroadcast v1, $0x8;
	v55 =	vbroadcast v1, $0x9  }
0xac: {  	v50 =	vld [tilespmem:s10+$0x50];
	v57 =	vbroadcast v1, $0xA;
	v59 =	vbroadcast v1, $0xB  }
0xad: {  	v52 =	vld [tilespmem:s10+$0x60];
	v61 =	vbroadcast v1, $0xC;
	v62 =	vbroadcast v1, $0xD  }
0xae: {  	v54 =	vld [tilespmem:s10+$0x70];
	v63 =	vbroadcast v1, $0xE;
	v3 =	vmul.f32 v3, v37  }
0xaf: {  	v56 =	vld [tilespmem:s10+$0x80];
	v4 =	vmul.f32 v35, v39;
	v5 =	vmul.f32 v36, v41  }
0xb0: {  	v58 =	vld [tilespmem:s10+$0x90];
	v7 =	vmul.f32 v38, v43;
	v6 =	vmul.f32 v40, v45  }
0xb1: {  	v60 =	vld [tilespmem:s10+$0xA0];
	v8 =	vmul.f32 v42, v47;
	v9 =	vmul.f32 v44, v49  }
0xb2: {  	v10 =	vmul.f32 v46, v51;
	v11 =	vmul.f32 v48, v53  }
0xb3: {  	v12 =	vmul.f32 v50, v55;
	v13 =	vmul.f32 v52, v57  }
0xb4: {  	v14 =	vmul.f32 v54, v59;
	v15 =	vmul.f32 v56, v61  }
0xb5: {  	v16 =	vmul.f32 v58, v62;
	v2 =	vadd.f32 v3, v2;
	v3 =	vadd.f32 v5, v4  }
0xb6: {  	v19 =	vmul.f32 v60, v63;
	v20 =	vadd.f32 v6, v7;
	v21 =	vadd.f32 v9, v8  }
0xb7: {  	v22 =	vadd.f32 v11, v10;
	v23 =	vadd.f32 v13, v12  }
0xb8: {  	v24 =	vadd.f32 v15, v14;
	v4 =	vadd.f32 v19, v16  }
0xb9: {  	v25 =	vld [tilespmem:s10+$0xB0];
	v2 =	vadd.f32 v3, v2;
	v3 =	vadd.f32 v21, v20  }
0xba: {  	v26 =	vadd.f32 v23, v22;
	v4 =	vadd.f32 v4, v24;
	_ =	sdelay $0x1  }
0xbb: {  	v1 =	vbroadcast v1, $0xF;
	v2 =	vadd.f32 v3, v2;
	v3 =	vadd.f32 v4, v26;
	_ =	sdelay $0x1  }
0xbc: {  	v1 =	vmul.f32 v25, v1;
	v2 =	vadd.f32 v3, v2;
	_ =	sdelay $0x1  }
0xbd: {  	v1 =	vadd.f32 v2, v1;
	_ =	sdelay $0x1  }
0xbe: {  	[tilespmem:s11+$0x10] =	vst v1  }
0xbf: {  	v1 =	vld [tilespmem:s13+$0x20]  }
0xc0: {  	v2 =	vld [tilespmem:s12+$0x20]  }
0xc1: {  	v3 =	vld [tilespmem:s1+$0xC0]  }
0xc2: {  	v27 =	vld [tilespmem:s1+$0xD0]  }
0xc3: {  	v28 =	vld [tilespmem:s1+$0xE0]  }
0xc4: {  	v30 =	vld [tilespmem:s1+$0xF0]  }
0xc5: {  	v32 =	vld [tilespmem:s1+$0x100];
	v29 =	vbroadcast v1, $0x0;
	v31 =	vbroadcast v1, $0x1  }
0xc6: {  	v34 =	vld [tilespmem:s1+$0x110];
	v33 =	vbroadcast v1, $0x2;
	v35 =	vbroadcast v1, $0x3  }
0xc7: {  	v36 =	vld [tilespmem:s1+$0x120];
	v37 =	vbroadcast v1, $0x4;
	v39 =	vbroadcast v1, $0x5  }
0xc8: {  	v38 =	vld [tilespmem:s1+$0x130];
	v41 =	vbroadcast v1, $0x6;
	v43 =	vbroadcast v1, $0x7  }
0xc9: {  	v40 =	vld [tilespmem:s10+$0xC0];
	v45 =	vbroadcast v1, $0x8;
	v47 =	vbroadcast v1, $0x9  }
0xca: {  	v42 =	vld [tilespmem:s10+$0xD0];
	v49 =	vbroadcast v1, $0xA;
	v51 =	vbroadcast v1, $0xB  }
0xcb: {  	v44 =	vld [tilespmem:s10+$0xE0];
	v53 =	vbroadcast v1, $0xC;
	v54 =	vbroadcast v1, $0xD  }
0xcc: {  	v46 =	vld [tilespmem:s10+$0xF0];
	v55 =	vbroadcast v1, $0xE;
	v3 =	vmul.f32 v3, v29  }
0xcd: {  	v48 =	vld [tilespmem:s10+$0x100];
	v4 =	vmul.f32 v27, v31;
	v5 =	vmul.f32 v28, v33  }
0xce: {  	v50 =	vld [tilespmem:s10+$0x110];
	v7 =	vmul.f32 v30, v35;
	v6 =	vmul.f32 v32, v37  }
0xcf: {  	v52 =	vld [tilespmem:s10+$0x120];
	v8 =	vmul.f32 v34, v39;
	v9 =	vmul.f32 v36, v41  }
0xd0: {  	v10 =	vmul.f32 v38, v43;
	v11 =	vmul.f32 v40, v45  }
0xd1: {  	v12 =	vmul.f32 v42, v47;
	v13 =	vmul.f32 v44, v49  }
0xd2: {  	v14 =	vmul.f32 v46, v51;
	v15 =	vmul.f32 v48, v53  }
0xd3: {  	v16 =	vmul.f32 v50, v54;
	v2 =	vadd.f32 v3, v2;
	v3 =	vadd.f32 v5, v4  }
0xd4: {  	v56 =	vmul.f32 v52, v55;
	v57 =	vadd.f32 v6, v7;
	v58 =	vadd.f32 v9, v8  }
0xd5: {  	v59 =	vadd.f32 v11, v10;
	v60 =	vadd.f32 v13, v12  }
0xd6: {  	v61 =	vadd.f32 v15, v14;
	v4 =	vadd.f32 v56, v16  }
0xd7: {  	v62 =	vld [tilespmem:s10+$0x130];
	v2 =	vadd.f32 v3, v2;
	v3 =	vadd.f32 v58, v57  }
0xd8: {  	v63 =	vadd.f32 v60, v59;
	v4 =	vadd.f32 v4, v61;
	_ =	sdelay $0x1  }
0xd9: {  	s22 =	sadd.s32 $0x5, s22;
	v1 =	vbroadcast v1, $0xF;
	v2 =	vadd.f32 v3, v2;
	v3 =	vadd.f32 v4, v63  }
0xda: {  	p1 =	slt.u32 s22, $0x78  }
.Ltmp1:
0xdb: {  	v1 =	vmul.f32 v62, v1;
	v2 =	vadd.f32 v3, v2;
	(pc) =	sbr.rel @p1 .LBB2_5-.Ltmp1, $4  }
0xdc: {  	_ = 	snop  }
0xdd: {  	v1 =	vadd.f32 v2, v1  }
0xde: {  	s1 =	sadd.s32 $0x280, s1;
	s10 =	sadd.s32 $0x280, s10  }
0xdf: {  	s12 =	sadd.s32 $0x50, s12;
	s13 =	sadd.s32 $0x50, s13;
	[tilespmem:s11+$0x20] =	vst v1;
	s11 =	sadd.s32 $0x50, s11  }
0xe0: {  	s1 =	sshll.u32 s19, $0x8  }
0xe1: {  	s1 =	sand.u32 $0x3FFFFF00, s1  }
0xe2: {  	p1 =	seq.s32 s19, $0x13;
	s1 =	sadd.s32 $0x1400, s1  }
0xe3: {  	[spmem:s3] =	stream.indirect.scatter.add.f32 [tilespmem:s29], [sflag:$0x3], $0x10, s1, s18, $0xb8;
	[tilespmem:$0x1A0E0] =	vst v63  }
0xe4: {  	s1 =	sadd.s32 @!p1 $0x2, s21  }
0xe5: {  	s11 =	simm.s32 @!p1 $0x7D;
	s10 =	sshll.u32 @!p1 s1, $0x7  }
0xe6: {  	s12 =	simm.s32 @!p1 $0x2800;
	s1 =	smul.u32 @!p1 $0x7D0, s1;
	s10 =	sand.u32 @!p1 $0x3FFFFF80, s10  }
0xe7: {  	[tilespmem:s12], [sflag:$0x1] =	stream.indirect.gather @!p1 [hbm4b:s5+s11], $0x80, s10, s11, $0xb8;
	[tilespmem:$0x1A0E0] =	vst v63  }
0xe8: {  	s12 =	simm.s32 @!p1 $0xA500;
	s1 =	sadd.s32 @!p1 s9, s1  }
0xe9: {  	[tilespmem:s12], [sflag:$0x1] =	stream.indirect.gather @!p1 [hbm4b:s6+s11], $0x80, s10, s11, $0xb8;
	[tilespmem:$0x1A0E0] =	vst v63  }
0xea: {  	s1 =	sshrl.u32 @!p1 s1, $0x3;
	s12 =	simm.s32 @!p1 $0x12200  }
0xeb: {  	[tilespmem:s12], [sflag:$0x1] =	stream.indirect.gather @!p1 [hbm4b:s2+s11], $0x10, s10, s11, $0xb8;
	[tilespmem:$0x1A0E0] =	vst v63  }
0xec: {  	s1 =	sadd.s32 @!p1 s7, s1;
	s10 =	simm.s32 @!p1 $0x0;
	s11 =	simm.s32 @!p1 $0x131A0  }
0xed: {  	[tilespmem:s11], [sflag:$0x1] =	stream.linear.gather @!p1 [hbm4b:s1+s10], $0x7D0, $0x38;
	[tilespmem:$0x1A0E0] =	vst v63  }
0xee: {  	_ =	swait.ge [sflag:s30], $0x3E80  }
0xef: {  	[sflag:s30] =	ssyncset.done $0x0  }
0xf0: {  	[sflag:s30] =	ssyncadd.s32 $0xFFFFC180  }
0xf1: {  	_ =	swait.ge [sflag:s30], $0x3E80  }
0xf2: {  	[sflag:s30] =	ssyncset.done $0x0  }
0xf3: {  	[sflag:s30] =	ssyncadd.s32 $0xFFFFC180  }
0xf4: {  	_ =	swait.ge [sflag:s30], $0x7D0  }
0xf5: {  	[sflag:s30] =	ssyncset.done $0x0  }
0xf6: {  	[sflag:s30] =	ssyncadd.s32 $0xFFFFF830  }
0xf7: {  	_ =	swait.ge [sflag:s30], $0x7D0  }
0xf8: {  	[sflag:s30] =	ssyncset.done $0x0  }
0xf9: {  	s1 =	simm.s32 @!p0 $0x4;
	[sflag:s30] =	ssyncadd.s32 $0xFFFFF830  }
0xfa: {  	s13 =	simm.s32 $0x13990;
	s21 =	simm.s32 $0xFFFFFFFB;
	_ =	swait.ge @!p0 [sflag:s1], $0x7D0  }
0xfb: {  	s12 =	simm.s32 $0x129F0;
	s10 =	simm.s32 $0xE4C0;
	[sflag:s1] =	ssyncset.done @!p0 $0x0  }
0xfc: {  	s11 =	simm.s32 $0x14930;
	[sflag:s1] =	ssyncadd.s32 @!p0 $0xFFFFF830;
	s1 =	simm.s32 $0x67C0  }
.LBB2_7:
0xfd: {  	v1 =	vld [tilespmem:s13+$0xFFFFFFE0]  }
0xfe: {  	v2 =	vld [tilespmem:s12+$0xFFFFFFE0]  }
0xff: {  	v3 =	vld [tilespmem:s1+$0xFFFFFEC0]  }
0x100: {  	v4 =	vld [tilespmem:s1+$0xFFFFFED0]  }
0x101: {  	v5 =	vld [tilespmem:s1+$0xFFFFFEE0]  }
0x102: {  	v7 =	vld [tilespmem:s1+$0xFFFFFEF0]  }
0x103: {  	v9 =	vld [tilespmem:s1+$0xFFFFFF00];
	v6 =	vbroadcast v1, $0x0;
	v8 =	vbroadcast v1, $0x1  }
0x104: {  	v10 =	vld [tilespmem:s1+$0xFFFFFF10];
	v27 =	vbroadcast v1, $0x2;
	v28 =	vbroadcast v1, $0x3  }
0x105: {  	v11 =	vld [tilespmem:s1+$0xFFFFFF20];
	v29 =	vbroadcast v1, $0x4;
	v30 =	vbroadcast v1, $0x5  }
0x106: {  	v12 =	vld [tilespmem:s1+$0xFFFFFF30];
	v31 =	vbroadcast v1, $0x6;
	v32 =	vbroadcast v1, $0x7  }
0x107: {  	v13 =	vld [tilespmem:s10+$0xFFFFFEC0];
	v33 =	vbroadcast v1, $0x8;
	v34 =	vbroadcast v1, $0x9  }
0x108: {  	v14 =	vld [tilespmem:s10+$0xFFFFFED0];
	v35 =	vbroadcast v1, $0xA;
	v36 =	vbroadcast v1, $0xB  }
0x109: {  	v15 =	vld [tilespmem:s10+$0xFFFFFEE0];
	v37 =	vbroadcast v1, $0xC;
	v38 =	vbroadcast v1, $0xD  }
0x10a: {  	v16 =	vld [tilespmem:s10+$0xFFFFFEF0];
	v39 =	vbroadcast v1, $0xE;
	v3 =	vmul.f32 v3, v6  }
0x10b: {  	v17 =	vld [tilespmem:s10+$0xFFFFFF00];
	v4 =	vmul.f32 v4, v8;
	v5 =	vmul.f32 v5, v27  }
0x10c: {  	v18 =	vld [tilespmem:s10+$0xFFFFFF10];
	v7 =	vmul.f32 v7, v28;
	v6 =	vmul.f32 v9, v29  }
0x10d: {  	v19 =	vld [tilespmem:s10+$0xFFFFFF20];
	v8 =	vmul.f32 v10, v30;
	v9 =	vmul.f32 v11, v31  }
0x10e: {  	v10 =	vmul.f32 v12, v32;
	v11 =	vmul.f32 v13, v33  }
0x10f: {  	v12 =	vmul.f32 v14, v34;
	v13 =	vmul.f32 v15, v35  }
0x110: {  	v14 =	vmul.f32 v16, v36;
	v15 =	vmul.f32 v17, v37  }
0x111: {  	v16 =	vmul.f32 v18, v38;
	v2 =	vadd.f32 v3, v2;
	v3 =	vadd.f32 v5, v4  }
0x112: {  	v40 =	vmul.f32 v19, v39;
	v41 =	vadd.f32 v6, v7;
	v42 =	vadd.f32 v9, v8  }
0x113: {  	v43 =	vadd.f32 v11, v10;
	v44 =	vadd.f32 v13, v12  }
0x114: {  	v45 =	vadd.f32 v15, v14;
	v4 =	vadd.f32 v40, v16  }
0x115: {  	v46 =	vld [tilespmem:s10+$0xFFFFFF30];
	v2 =	vadd.f32 v3, v2;
	v3 =	vadd.f32 v42, v41  }
0x116: {  	v47 =	vadd.f32 v44, v43;
	v4 =	vadd.f32 v4, v45;
	_ =	sdelay $0x1  }
0x117: {  	v1 =	vbroadcast v1, $0xF;
	v2 =	vadd.f32 v3, v2;
	v3 =	vadd.f32 v4, v47;
	_ =	sdelay $0x1  }
0x118: {  	v1 =	vmul.f32 v46, v1;
	v2 =	vadd.f32 v3, v2;
	_ =	sdelay $0x1  }
0x119: {  	v1 =	vadd.f32 v2, v1;
	_ =	sdelay $0x1  }
0x11a: {  	[tilespmem:s11+$0xFFFFFFE0] =	vst v1  }
0x11b: {  	v1 =	vld [tilespmem:s13+$0xFFFFFFF0]  }
0x11c: {  	v2 =	vld [tilespmem:s12+$0xFFFFFFF0]  }
0x11d: {  	v3 =	vld [tilespmem:s1+$0xFFFFFF40]  }
0x11e: {  	v48 =	vld [tilespmem:s1+$0xFFFFFF50]  }
0x11f: {  	v49 =	vld [tilespmem:s1+$0xFFFFFF60]  }
0x120: {  	v51 =	vld [tilespmem:s1+$0xFFFFFF70]  }
0x121: {  	v53 =	vld [tilespmem:s1+$0xFFFFFF80];
	v50 =	vbroadcast v1, $0x0;
	v52 =	vbroadcast v1, $0x1  }
0x122: {  	v55 =	vld [tilespmem:s1+$0xFFFFFF90];
	v54 =	vbroadcast v1, $0x2;
	v56 =	vbroadcast v1, $0x3  }
0x123: {  	v57 =	vld [tilespmem:s1+$0xFFFFFFA0];
	v58 =	vbroadcast v1, $0x4;
	v60 =	vbroadcast v1, $0x5  }
0x124: {  	v59 =	vld [tilespmem:s1+$0xFFFFFFB0];
	v62 =	vbroadcast v1, $0x6;
	v20 =	vbroadcast v1, $0x7  }
0x125: {  	v61 =	vld [tilespmem:s10+$0xFFFFFF40];
	v22 =	vbroadcast v1, $0x8;
	v24 =	vbroadcast v1, $0x9  }
0x126: {  	v63 =	vld [tilespmem:s10+$0xFFFFFF50];
	v26 =	vbroadcast v1, $0xA;
	v28 =	vbroadcast v1, $0xB  }
0x127: {  	v21 =	vld [tilespmem:s10+$0xFFFFFF60];
	v30 =	vbroadcast v1, $0xC;
	v31 =	vbroadcast v1, $0xD  }
0x128: {  	v23 =	vld [tilespmem:s10+$0xFFFFFF70];
	v32 =	vbroadcast v1, $0xE;
	v3 =	vmul.f32 v3, v50  }
0x129: {  	v25 =	vld [tilespmem:s10+$0xFFFFFF80];
	v4 =	vmul.f32 v48, v52;
	v5 =	vmul.f32 v49, v54  }
0x12a: {  	v27 =	vld [tilespmem:s10+$0xFFFFFF90];
	v7 =	vmul.f32 v51, v56;
	v6 =	vmul.f32 v53, v58  }
0x12b: {  	v29 =	vld [tilespmem:s10+$0xFFFFFFA0];
	v8 =	vmul.f32 v55, v60;
	v9 =	vmul.f32 v57, v62  }
0x12c: {  	v10 =	vmul.f32 v59, v20;
	v11 =	vmul.f32 v61, v22  }
0x12d: {  	v12 =	vmul.f32 v63, v24;
	v13 =	vmul.f32 v21, v26  }
0x12e: {  	v14 =	vmul.f32 v23, v28;
	v15 =	vmul.f32 v25, v30  }
0x12f: {  	v16 =	vmul.f32 v27, v31;
	v2 =	vadd.f32 v3, v2;
	v3 =	vadd.f32 v5, v4  }
0x130: {  	v33 =	vmul.f32 v29, v32;
	v34 =	vadd.f32 v6, v7;
	v35 =	vadd.f32 v9, v8  }
0x131: {  	v36 =	vadd.f32 v11, v10;
	v37 =	vadd.f32 v13, v12  }
0x132: {  	v38 =	vadd.f32 v15, v14;
	v4 =	vadd.f32 v33, v16  }
0x133: {  	v39 =	vld [tilespmem:s10+$0xFFFFFFB0];
	v2 =	vadd.f32 v3, v2;
	v3 =	vadd.f32 v35, v34  }
0x134: {  	v40 =	vadd.f32 v37, v36;
	v4 =	vadd.f32 v4, v38;
	_ =	sdelay $0x1  }
0x135: {  	v1 =	vbroadcast v1, $0xF;
	v2 =	vadd.f32 v3, v2;
	v3 =	vadd.f32 v4, v40;
	_ =	sdelay $0x1  }
0x136: {  	v1 =	vmul.f32 v39, v1;
	v2 =	vadd.f32 v3, v2;
	_ =	sdelay $0x1  }
0x137: {  	v1 =	vadd.f32 v2, v1;
	_ =	sdelay $0x1  }
0x138: {  	[tilespmem:s11+$0xFFFFFFF0] =	vst v1  }
0x139: {  	v1 =	vld [tilespmem:s13+$0x0]  }
0x13a: {  	v2 =	vld [tilespmem:s12+$0x0]  }
0x13b: {  	v3 =	vld [tilespmem:s1+$0xFFFFFFC0]  }
0x13c: {  	v41 =	vld [tilespmem:s1+$0xFFFFFFD0]  }
0x13d: {  	v42 =	vld [tilespmem:s1+$0xFFFFFFE0]  }
0x13e: {  	v44 =	vld [tilespmem:s1+$0xFFFFFFF0]  }
0x13f: {  	v46 =	vld [tilespmem:s1+$0x0];
	v43 =	vbroadcast v1, $0x0;
	v45 =	vbroadcast v1, $0x1  }
0x140: {  	v48 =	vld [tilespmem:s1+$0x10];
	v47 =	vbroadcast v1, $0x2;
	v49 =	vbroadcast v1, $0x3  }
0x141: {  	v50 =	vld [tilespmem:s1+$0x20];
	v51 =	vbroadcast v1, $0x4;
	v53 =	vbroadcast v1, $0x5  }
0x142: {  	v52 =	vld [tilespmem:s1+$0x30];
	v55 =	vbroadcast v1, $0x6;
	v57 =	vbroadcast v1, $0x7  }
0x143: {  	v54 =	vld [tilespmem:s10+$0xFFFFFFC0];
	v59 =	vbroadcast v1, $0x8;
	v61 =	vbroadcast v1, $0x9  }
0x144: {  	v56 =	vld [tilespmem:s10+$0xFFFFFFD0];
	v63 =	vbroadcast v1, $0xA;
	v22 =	vbroadcast v1, $0xB  }
0x145: {  	v58 =	vld [tilespmem:s10+$0xFFFFFFE0];
	v24 =	vbroadcast v1, $0xC;
	v25 =	vbroadcast v1, $0xD  }
0x146: {  	v60 =	vld [tilespmem:s10+$0xFFFFFFF0];
	v26 =	vbroadcast v1, $0xE;
	v3 =	vmul.f32 v3, v43  }
0x147: {  	v62 =	vld [tilespmem:s10+$0x0];
	v4 =	vmul.f32 v41, v45;
	v5 =	vmul.f32 v42, v47  }
0x148: {  	v21 =	vld [tilespmem:s10+$0x10];
	v7 =	vmul.f32 v44, v49;
	v6 =	vmul.f32 v46, v51  }
0x149: {  	v23 =	vld [tilespmem:s10+$0x20];
	v8 =	vmul.f32 v48, v53;
	v9 =	vmul.f32 v50, v55  }
0x14a: {  	v10 =	vmul.f32 v52, v57;
	v11 =	vmul.f32 v54, v59  }
0x14b: {  	v12 =	vmul.f32 v56, v61;
	v13 =	vmul.f32 v58, v63  }
0x14c: {  	v14 =	vmul.f32 v60, v22;
	v15 =	vmul.f32 v62, v24  }
0x14d: {  	v16 =	vmul.f32 v21, v25;
	v2 =	vadd.f32 v3, v2;
	v3 =	vadd.f32 v5, v4  }
0x14e: {  	v27 =	vmul.f32 v23, v26;
	v28 =	vadd.f32 v6, v7;
	v29 =	vadd.f32 v9, v8  }
0x14f: {  	v30 =	vadd.f32 v11, v10;
	v31 =	vadd.f32 v13, v12  }
0x150: {  	v32 =	vadd.f32 v15, v14;
	v4 =	vadd.f32 v27, v16  }
0x151: {  	v33 =	vld [tilespmem:s10+$0x30];
	v2 =	vadd.f32 v3, v2;
	v3 =	vadd.f32 v29, v28  }
0x152: {  	v34 =	vadd.f32 v31, v30;
	v4 =	vadd.f32 v4, v32;
	_ =	sdelay $0x1  }
0x153: {  	v1 =	vbroadcast v1, $0xF;
	v2 =	vadd.f32 v3, v2;
	v3 =	vadd.f32 v4, v34;
	_ =	sdelay $0x1  }
0x154: {  	v1 =	vmul.f32 v33, v1;
	v2 =	vadd.f32 v3, v2;
	_ =	sdelay $0x1  }
0x155: {  	v1 =	vadd.f32 v2, v1;
	_ =	sdelay $0x1  }
0x156: {  	[tilespmem:s11+$0x0] =	vst v1  }
0x157: {  	v1 =	vld [tilespmem:s13+$0x10]  }
0x158: {  	v2 =	vld [tilespmem:s12+$0x10]  }
0x159: {  	v3 =	vld [tilespmem:s1+$0x40]  }
0x15a: {  	v35 =	vld [tilespmem:s1+$0x50]  }
0x15b: {  	v36 =	vld [tilespmem:s1+$0x60]  }
0x15c: {  	v38 =	vld [tilespmem:s1+$0x70]  }
0x15d: {  	v40 =	vld [tilespmem:s1+$0x80];
	v37 =	vbroadcast v1, $0x0;
	v39 =	vbroadcast v1, $0x1  }
0x15e: {  	v42 =	vld [tilespmem:s1+$0x90];
	v41 =	vbroadcast v1, $0x2;
	v43 =	vbroadcast v1, $0x3  }
0x15f: {  	v44 =	vld [tilespmem:s1+$0xA0];
	v45 =	vbroadcast v1, $0x4;
	v47 =	vbroadcast v1, $0x5  }
0x160: {  	v46 =	vld [tilespmem:s1+$0xB0];
	v49 =	vbroadcast v1, $0x6;
	v51 =	vbroadcast v1, $0x7  }
0x161: {  	v48 =	vld [tilespmem:s10+$0x40];
	v53 =	vbroadcast v1, $0x8;
	v55 =	vbroadcast v1, $0x9  }
0x162: {  	v50 =	vld [tilespmem:s10+$0x50];
	v57 =	vbroadcast v1, $0xA;
	v59 =	vbroadcast v1, $0xB  }
0x163: {  	v52 =	vld [tilespmem:s10+$0x60];
	v61 =	vbroadcast v1, $0xC;
	v62 =	vbroadcast v1, $0xD  }
0x164: {  	v54 =	vld [tilespmem:s10+$0x70];
	v63 =	vbroadcast v1, $0xE;
	v3 =	vmul.f32 v3, v37  }
0x165: {  	v56 =	vld [tilespmem:s10+$0x80];
	v4 =	vmul.f32 v35, v39;
	v5 =	vmul.f32 v36, v41  }
0x166: {  	v58 =	vld [tilespmem:s10+$0x90];
	v7 =	vmul.f32 v38, v43;
	v6 =	vmul.f32 v40, v45  }
0x167: {  	v60 =	vld [tilespmem:s10+$0xA0];
	v8 =	vmul.f32 v42, v47;
	v9 =	vmul.f32 v44, v49  }
0x168: {  	v10 =	vmul.f32 v46, v51;
	v11 =	vmul.f32 v48, v53  }
0x169: {  	v12 =	vmul.f32 v50, v55;
	v13 =	vmul.f32 v52, v57  }
0x16a: {  	v14 =	vmul.f32 v54, v59;
	v15 =	vmul.f32 v56, v61  }
0x16b: {  	v16 =	vmul.f32 v58, v62;
	v2 =	vadd.f32 v3, v2;
	v3 =	vadd.f32 v5, v4  }
0x16c: {  	v19 =	vmul.f32 v60, v63;
	v20 =	vadd.f32 v6, v7;
	v21 =	vadd.f32 v9, v8  }
0x16d: {  	v22 =	vadd.f32 v11, v10;
	v23 =	vadd.f32 v13, v12  }
0x16e: {  	v24 =	vadd.f32 v15, v14;
	v4 =	vadd.f32 v19, v16  }
0x16f: {  	v25 =	vld [tilespmem:s10+$0xB0];
	v2 =	vadd.f32 v3, v2;
	v3 =	vadd.f32 v21, v20  }
0x170: {  	v26 =	vadd.f32 v23, v22;
	v4 =	vadd.f32 v4, v24;
	_ =	sdelay $0x1  }
0x171: {  	v1 =	vbroadcast v1, $0xF;
	v2 =	vadd.f32 v3, v2;
	v3 =	vadd.f32 v4, v26;
	_ =	sdelay $0x1  }
0x172: {  	v1 =	vmul.f32 v25, v1;
	v2 =	vadd.f32 v3, v2;
	_ =	sdelay $0x1  }
0x173: {  	v1 =	vadd.f32 v2, v1;
	_ =	sdelay $0x1  }
0x174: {  	[tilespmem:s11+$0x10] =	vst v1  }
0x175: {  	v1 =	vld [tilespmem:s13+$0x20]  }
0x176: {  	v2 =	vld [tilespmem:s12+$0x20]  }
0x177: {  	v3 =	vld [tilespmem:s1+$0xC0]  }
0x178: {  	v27 =	vld [tilespmem:s1+$0xD0]  }
0x179: {  	v28 =	vld [tilespmem:s1+$0xE0]  }
0x17a: {  	v30 =	vld [tilespmem:s1+$0xF0]  }
0x17b: {  	v32 =	vld [tilespmem:s1+$0x100];
	v29 =	vbroadcast v1, $0x0;
	v31 =	vbroadcast v1, $0x1  }
0x17c: {  	v34 =	vld [tilespmem:s1+$0x110];
	v33 =	vbroadcast v1, $0x2;
	v35 =	vbroadcast v1, $0x3  }
0x17d: {  	v36 =	vld [tilespmem:s1+$0x120];
	v37 =	vbroadcast v1, $0x4;
	v39 =	vbroadcast v1, $0x5  }
0x17e: {  	v38 =	vld [tilespmem:s1+$0x130];
	v41 =	vbroadcast v1, $0x6;
	v43 =	vbroadcast v1, $0x7  }
0x17f: {  	v40 =	vld [tilespmem:s10+$0xC0];
	v45 =	vbroadcast v1, $0x8;
	v47 =	vbroadcast v1, $0x9  }
0x180: {  	v42 =	vld [tilespmem:s10+$0xD0];
	v49 =	vbroadcast v1, $0xA;
	v51 =	vbroadcast v1, $0xB  }
0x181: {  	v44 =	vld [tilespmem:s10+$0xE0];
	v53 =	vbroadcast v1, $0xC;
	v54 =	vbroadcast v1, $0xD  }
0x182: {  	v46 =	vld [tilespmem:s10+$0xF0];
	v55 =	vbroadcast v1, $0xE;
	v3 =	vmul.f32 v3, v29  }
0x183: {  	v48 =	vld [tilespmem:s10+$0x100];
	v4 =	vmul.f32 v27, v31;
	v5 =	vmul.f32 v28, v33  }
0x184: {  	v50 =	vld [tilespmem:s10+$0x110];
	v7 =	vmul.f32 v30, v35;
	v6 =	vmul.f32 v32, v37  }
0x185: {  	v52 =	vld [tilespmem:s10+$0x120];
	v8 =	vmul.f32 v34, v39;
	v9 =	vmul.f32 v36, v41  }
0x186: {  	v10 =	vmul.f32 v38, v43;
	v11 =	vmul.f32 v40, v45  }
0x187: {  	v12 =	vmul.f32 v42, v47;
	v13 =	vmul.f32 v44, v49  }
0x188: {  	v14 =	vmul.f32 v46, v51;
	v15 =	vmul.f32 v48, v53  }
0x189: {  	v16 =	vmul.f32 v50, v54;
	v2 =	vadd.f32 v3, v2;
	v3 =	vadd.f32 v5, v4  }
0x18a: {  	v56 =	vmul.f32 v52, v55;
	v57 =	vadd.f32 v6, v7;
	v58 =	vadd.f32 v9, v8  }
0x18b: {  	v59 =	vadd.f32 v11, v10;
	v60 =	vadd.f32 v13, v12  }
0x18c: {  	v61 =	vadd.f32 v15, v14;
	v4 =	vadd.f32 v56, v16  }
0x18d: {  	v62 =	vld [tilespmem:s10+$0x130];
	v2 =	vadd.f32 v3, v2;
	v3 =	vadd.f32 v58, v57  }
0x18e: {  	v63 =	vadd.f32 v60, v59;
	v4 =	vadd.f32 v4, v61;
	_ =	sdelay $0x1  }
0x18f: {  	s21 =	sadd.s32 $0x5, s21;
	v1 =	vbroadcast v1, $0xF;
	v2 =	vadd.f32 v3, v2;
	v3 =	vadd.f32 v4, v63  }
0x190: {  	p0 =	slt.u32 s21, $0x78  }
.Ltmp2:
0x191: {  	v1 =	vmul.f32 v62, v1;
	v2 =	vadd.f32 v3, v2;
	(pc) =	sbr.rel @p0 .LBB2_7-.Ltmp2, $4  }
0x192: {  	_ = 	snop  }
0x193: {  	v1 =	vadd.f32 v2, v1  }
0x194: {  	s1 =	sadd.s32 $0x280, s1;
	s10 =	sadd.s32 $0x280, s10  }
0x195: {  	s12 =	sadd.s32 $0x50, s12;
	s13 =	sadd.s32 $0x50, s13;
	[tilespmem:s11+$0x20] =	vst v1;
	s11 =	sadd.s32 $0x50, s11  }
0x196: {  	s19 =	sadd.s32 $0x1, s19  }
0x197: {  	p0 =	sne.s32 s19, $0x14  }
.Ltmp3:
0x198: {  	_ = 	snop;
	(pc) =	sbr.rel @p0 .LBB2_4-.Ltmp3, $3  }
0x199: {  	_ =	sdelay $0x1  }
0x19a: {  	s1 =	sadd.s32 $0x1400, s20  }
0x19b: {  	[spmem:s3] =	stream.indirect.scatter.add.f32 [tilespmem:s31], [sflag:$0x4], $0x10, s1, s18, $0xb8;
	[tilespmem:$0x1A0E0] =	vst v63  }
0x19c: {  	_ =	swait.ge [sflag:s0], $0x7D0  }
0x19d: {  	[sflag:s0] =	ssyncset.done $0x0  }
0x19e: {  	[sflag:s0] =	ssyncadd.s32 $0xFFFFF830  }
0x19f: {  	_ =	swait.ge [sflag:s15], $0x7D0  }
0x1a0: {  	s1 =	stileid.u32;
	[sflag:s15] =	ssyncset.done $0x0  }
0x1a1: {  	s1 =	sshll.u32 s1, $0x6;
	[sflag:s15] =	ssyncadd.s32 $0xFFFFF830  }
0x1a2: {  	s10 =	sshrl.u32 s8, $0x3;
	s1 =	sor.u32 $0x1C05, s1;
	[bflag:$0x0] =	sbarrier.arrive $0xFFFF  }
0x1a3: {  	[hbm:s14], [sflag:s1] =	dma.local [spmem:s10], $0x500  }
0x1a4: {  	_ =	swait.ge [sflag:s16], $0x500  }
0x1a5: {  	s17 =	sadd.s32 $0x1, s17;
	s22 =	rddreg [dreg:$0x7]  }
0x1a6: {  	p0 =	sne.s32 s17, s22  }
.Ltmp4:
0x1a7: {  	_ = 	snop;
	(pc) =	sbr.rel @p0 .LBB2_1-.Ltmp4, $3  }
0x1a8: {  	_ =	sdelay $0x1  }
0x1a9: {  	[sflag:s16] =	ssyncset.done $0x0  }
0x1aa: {  	[sflag:s16] =	ssyncadd.s32 $0xFFFFFB00  }
0x1ab: {  	_ =	sfence.sel $0x180000  }
0x1ac: {  	[bflag:$0x0] =	sbarrier.arrive $0xFFFF  }
0x1ad: {  	_ =	strace $0x90000047  }
0x1ae: {  	s0 =	stileid.u32;
	[bflag:$0x2] =	sbarrier.arrive $0xFFFF  }
0x1af: {  	p0 =	sne.s32 s0, $0x0;
	s0 =	rddreg [dreg:$0x3]  }
0x1b0: {  	s0 =	sadd.s32 @!p0 $0x100000, s0  }
0x1b1: {  	[sflag:s0] =	ssyncadd.tile.s32 @!p0 $0x1;
	_ =	shalt  }
.Lfunc_end2:
_tile_overlayer_lowered:
.L_overlay_start_2:
0x1b2: {  	(tag) =	ssettag $0x2  }
0x1b3: {  	s0 =	rddreg [dreg:$0x0];
	s2 =	stileid.u32  }
0x1b4: {  	s1 =	rddreg [dreg:$0x1];
	p0 =	sne.s32 s2, $0x0  }
0x1b5: {  	s3 =	rddreg [dreg:$0x2];
	[bflag:$0x3] =	sbarrier.arrive $0xFFFF;
	s2 =	simm.s32 @!p0 $0x1C05  }
0x1b6: {  	[timem:s3], [sflag:s2] =	dma.local @!p0 [hbm:s0], s1  }
0x1b7: {  	s0 =	simm.s32 @!p0 $0x5  }
0x1b8: {  	_ =	swait.ge @!p0 [sflag:s0], s1  }
0x1b9: {  	s1 =	ssub.s32 @!p0 $0x0, s1;
	[sflag:s0] =	ssyncset.done @!p0 $0x0  }
0x1ba: {  	[sflag:s0] =	ssyncadd.s32 @!p0 s1  }
0x1bb: {  	[bflag:$0x3] =	sbarrier.arrive $0xFFFF  }
0x1bc: {  	_ =	shalt  }

</sc_bundles>
